<compile_context>
chip_gen: v7x
topology: tpu7x:2x2x1
jax: 0.10.2.dev20260603
libtpu: 0.0.44.dev20260713+nightly
codegen_flags: <defaults>
</compile_context>

<pallas_src>
import functools

import jax
import jax.numpy as jnp
from jax import lax
from jax.experimental import pallas as pl
from jax.experimental.pallas import tpu as pltpu
from jax.experimental.pallas import tpu_sc as plsc

TOTAL = 16777216
NC, NS, L = 2, 16, 16
NW = NC * NS
PER_W = TOTAL // NW
C = 32768
NCH = PER_W // C
NV = C // L
NLUT = 2048
LO, HI = -2.0, 3.0
SCALE = 256 / (HI - LO)
BIAS = 128.0
C0 = 2.0**23 + BIAS
NBUF = 3

_mesh = plsc.VectorSubcoreMesh(core_axis_name="c", subcore_axis_name="s")


@functools.partial(
    pl.kernel,
    mesh=_mesh,
    out_type=jax.ShapeDtypeStruct((TOTAL,), jnp.float32),
    scratch_types=(
        [pltpu.VMEM((NLUT,), jnp.float32)] * 2
        + [pltpu.VMEM((C,), jnp.float32)] * NBUF
        + [pltpu.SemaphoreType.DMA] * (2 * NBUF)
    ),
    compiler_params=pltpu.CompilerParams(needs_layout_passes=False),
)
def _quantize_sc(x_hbm, la_hbm, lb_hbm, out_hbm,
                 la_v, lb_v, b0, b1, b2, si0, si1, si2, so0, so1, so2):
    bufs = [b0, b1, b2]
    sin = [si0, si1, si2]
    sout = [so0, so1, so2]
    wid = lax.axis_index("s") * NC + lax.axis_index("c")
    base = wid * PER_W

    pltpu.sync_copy(la_hbm, la_v)
    pltpu.sync_copy(lb_hbm, lb_v)

    def start_in(g, b):
        pltpu.make_async_copy(
            x_hbm.at[pl.ds(base + g * C, C)], bufs[b], sin[b]).start()

    def wait_in(b):
        pltpu.make_async_copy(
            x_hbm.at[pl.ds(base, C)], bufs[b], sin[b]).wait()

    def start_out(g, b):
        pltpu.make_async_copy(
            bufs[b], out_hbm.at[pl.ds(base + g * C, C)], sout[b]).start()

    def wait_out(b):
        pltpu.make_async_copy(
            bufs[b], out_hbm.at[pl.ds(base, C)], sout[b]).wait()

    def compute(b):
        buf = bufs[b]

        @plsc.parallel_loop(0, NV // 2, step=1, unroll=8)
        def _vec(i):
            for half in range(2):
                off = pl.multiple_of(i * 2 * L + half * L, L)
                xv = buf[pl.ds(off, L)]
                xm = jnp.maximum(xv, jnp.float32(LO))
                u = xm * SCALE + C0
                j = plsc.bitcast(u, jnp.int32) & (NLUT - 1)
                a = plsc.load_gather(la_v, [j])
                bb = plsc.load_gather(lb_v, [j])
                buf[pl.ds(off, L)] = jnp.where((bb - xm) < (xm - a), bb, a)

    for g in range(NBUF):
        start_in(g, g)
    wait_in(0)
    compute(0)
    start_out(0, 0)

    @pl.loop(1, NCH - NBUF, step=NBUF)
    def _chunks(gv):
        for k in range(NBUF):
            g = gv + k
            b = (1 + k) % NBUF
            wait_in(b)
            compute(b)
            start_out(g, b)
            wait_out((b + 2) % NBUF)
            start_in(g + 2, (b + 2) % NBUF)

    for g in range(NCH - NBUF, NCH):
        b = g % NBUF
        wait_in(b)
        compute(b)
        start_out(g, b)
        wait_out((b + 2) % NBUF)
        if g + 2 < NCH:
            start_in(g + 2, (b + 2) % NBUF)
    wait_out((NCH - 1) % NBUF)


def _build_luts(levels):
    w = (HI - LO) / 256
    centers = (jnp.arange(NLUT, dtype=jnp.float32) - jnp.float32(BIAS)) * jnp.float32(w)
    le = levels[None, :] <= centers[:, None]
    lut_a = jnp.maximum(
        jnp.minimum(
            jnp.max(jnp.where(le, levels[None, :], jnp.float32(-1e30)), axis=1),
            levels[-2]),
        levels[0])
    lut_b = jnp.minimum(
        jnp.min(jnp.where(le, jnp.float32(1e30), levels[None, :]), axis=1),
        levels[-1])
    return lut_a, lut_b


def kernel(x, levels):
    levels = levels.astype(jnp.float32)
    lut_a, lut_b = _build_luts(levels)
    return _quantize_sc(x, lut_a, lut_b)

# --- scband reference (transcript-rebuilt; emitter-appended) ---
"""Pipeline reference for scband-non-uniform-round-ste-10170482557274 (READ-ONLY COPY).

The authoritative reference and input builder live on the scoring server;
editing this copy changes nothing except your own understanding.
"""

import jax, jax.numpy as jnp
import numpy as np

LEVELS = [-2.0, -1.2, -0.8, -0.5, -0.3, -0.15, -0.05, 0.0, 0.05, 0.15, 0.3, 0.5, 0.8, 1.2, 2.0, 3.0]

def setup_inputs(seed: int = 0) -> dict:
    key = jax.random.key(seed)
    x = jax.random.normal(key, (16777216,), dtype=jnp.float32)
    levels = jnp.sort(jnp.asarray(LEVELS, dtype=jnp.float32))
    return {"x": x, "levels": levels}

def reference(x, levels):
    min_value = levels[0]
    max_value = levels[-1]
    xc = jnp.clip(x, min_value, max_value)
    # torch.bucketize(x, levels, right=False) == searchsorted side='left'
    indices = jnp.searchsorted(levels, xc, side='left')
    indices = jnp.clip(indices, 1, levels.shape[0] - 1)
    left = levels[indices - 1]
    right = levels[indices]
    left_diff = jnp.abs(xc - left)
    right_diff = jnp.abs(xc - right)
    mask = right_diff < left_diff
    rounded = jnp.where(mask, right, left)
    # straight-through estimator: (rounded - x).detach() + x
    return jax.lax.stop_gradient(rounded - xc) + xc

if __name__ == "__main__":
    import jax
    _d = setup_inputs()
    print(jax.jit(kernel)(*tuple(_d.values())))

</pallas_src>

<mosaic_0001>
#map = affine_map<(d0, d1) -> (0)>
module attributes {stable_mosaic.version = 14 : i64} {
  func.func @_quantize_sc(%arg0: i32, %arg1: i32, %arg2: memref<16777216xf32, #tpu.memory_space<hbm>>, %arg3: memref<2048xf32, #tpu.memory_space<hbm>>, %arg4: memref<2048xf32, #tpu.memory_space<hbm>>, %arg5: memref<16777216xf32, #tpu.memory_space<hbm>>, %arg6: memref<2048xf32, #tpu.memory_space<vmem>>, %arg7: memref<2048xf32, #tpu.memory_space<vmem>>, %arg8: memref<32768xf32, #tpu.memory_space<vmem>>, %arg9: memref<32768xf32, #tpu.memory_space<vmem>>, %arg10: memref<32768xf32, #tpu.memory_space<vmem>>, %arg11: memref<!tpu.dma_semaphore, #tpu.memory_space<semaphore_mem>>, %arg12: memref<!tpu.dma_semaphore, #tpu.memory_space<semaphore_mem>>, %arg13: memref<!tpu.dma_semaphore, #tpu.memory_space<semaphore_mem>>, %arg14: memref<!tpu.dma_semaphore, #tpu.memory_space<semaphore_mem>>, %arg15: memref<!tpu.dma_semaphore, #tpu.memory_space<semaphore_mem>>, %arg16: memref<!tpu.dma_semaphore, #tpu.memory_space<semaphore_mem>>) attributes {dimension_semantics = [#tpu.dimension_semantics<core_parallel>, #tpu.dimension_semantics<subcore_parallel>], iteration_bounds = array<i64: 2, 16>, scalar_prefetch = 0 : i64, scratch_operands = 11 : i64, tpu.core_type = #tpu.core_type<sc_vector_subcore>, window_params = [{transform_indices = #map}, {transform_indices = #map}, {transform_indices = #map}, {transform_indices = #map}]} {
    %mul3A = arith.constant 2 : i32
    %mul3A_0 = arith.muli %arg1, %mul3A : i32
    %add3A = arith.addi %mul3A_0, %arg0 : i32
    %mul3A_1 = arith.constant 524288 : i32
    %mul3A_2 = arith.muli %add3A, %mul3A_1 : i32
    "tpu.region"() ({
      %run_scoped3A = tpu.sem_alloc : memref<!tpu.dma_semaphore, #tpu.memory_space<semaphore_mem>>
      tpu.enqueue_dma source(%arg3 : memref<2048xf32, #tpu.memory_space<hbm>>) target(%arg6 : memref<2048xf32, #tpu.memory_space<vmem>>) target_semaphore(%run_scoped3A : memref<!tpu.dma_semaphore, #tpu.memory_space<semaphore_mem>>)
      tpu.wait_dma2 semaphore(%run_scoped3A : memref<!tpu.dma_semaphore, #tpu.memory_space<semaphore_mem>>) src(%arg3 : memref<2048xf32, #tpu.memory_space<hbm>>) dst(%arg6 : memref<2048xf32, #tpu.memory_space<vmem>>)
      tpu.yield
    }) : () -> ()
    "tpu.region"() ({
      %run_scoped3A = tpu.sem_alloc : memref<!tpu.dma_semaphore, #tpu.memory_space<semaphore_mem>>
      tpu.enqueue_dma source(%arg4 : memref<2048xf32, #tpu.memory_space<hbm>>) target(%arg7 : memref<2048xf32, #tpu.memory_space<vmem>>) target_semaphore(%run_scoped3A : memref<!tpu.dma_semaphore, #tpu.memory_space<semaphore_mem>>)
      tpu.wait_dma2 semaphore(%run_scoped3A : memref<!tpu.dma_semaphore, #tpu.memory_space<semaphore_mem>>) src(%arg4 : memref<2048xf32, #tpu.memory_space<hbm>>) dst(%arg7 : memref<2048xf32, #tpu.memory_space<vmem>>)
      tpu.yield
    }) : () -> ()
    %add3A_3 = arith.constant 0 : i32
    %add3A_4 = arith.addi %mul3A_2, %add3A_3 : i32
    %dma_start3A = tpu.memref_slice %arg2[%add3A_4] : memref<16777216xf32, #tpu.memory_space<hbm>> -> memref<32768xf32, #tpu.memory_space<hbm>>
    %dma_start3A_5 = tpu.memref_slice %arg2[%add3A_4] : memref<16777216xf32, #tpu.memory_space<hbm>> -> memref<32768xf32, #tpu.memory_space<hbm>>
    tpu.enqueue_dma source(%dma_start3A_5 : memref<32768xf32, #tpu.memory_space<hbm>>) target(%arg8 : memref<32768xf32, #tpu.memory_space<vmem>>) target_semaphore(%arg11 : memref<!tpu.dma_semaphore, #tpu.memory_space<semaphore_mem>>)
    %add3A_6 = arith.constant 32768 : i32
    %add3A_7 = arith.addi %mul3A_2, %add3A_6 : i32
    %dma_start3A_8 = tpu.memref_slice %arg2[%add3A_7] : memref<16777216xf32, #tpu.memory_space<hbm>> -> memref<32768xf32, #tpu.memory_space<hbm>>
    %dma_start3A_9 = tpu.memref_slice %arg2[%add3A_7] : memref<16777216xf32, #tpu.memory_space<hbm>> -> memref<32768xf32, #tpu.memory_space<hbm>>
    tpu.enqueue_dma source(%dma_start3A_9 : memref<32768xf32, #tpu.memory_space<hbm>>) target(%arg9 : memref<32768xf32, #tpu.memory_space<vmem>>) target_semaphore(%arg12 : memref<!tpu.dma_semaphore, #tpu.memory_space<semaphore_mem>>)
    %add3A_10 = arith.constant 65536 : i32
    %add3A_11 = arith.addi %mul3A_2, %add3A_10 : i32
    %dma_start3A_12 = tpu.memref_slice %arg2[%add3A_11] : memref<16777216xf32, #tpu.memory_space<hbm>> -> memref<32768xf32, #tpu.memory_space<hbm>>
    %dma_start3A_13 = tpu.memref_slice %arg2[%add3A_11] : memref<16777216xf32, #tpu.memory_space<hbm>> -> memref<32768xf32, #tpu.memory_space<hbm>>
    tpu.enqueue_dma source(%dma_start3A_13 : memref<32768xf32, #tpu.memory_space<hbm>>) target(%arg10 : memref<32768xf32, #tpu.memory_space<vmem>>) target_semaphore(%arg13 : memref<!tpu.dma_semaphore, #tpu.memory_space<semaphore_mem>>)
    %dma_wait3A = tpu.memref_slice %arg2[%mul3A_2] : memref<16777216xf32, #tpu.memory_space<hbm>> -> memref<32768xf32, #tpu.memory_space<hbm>>
    %dma_wait3A_14 = tpu.memref_slice %arg2[%mul3A_2] : memref<16777216xf32, #tpu.memory_space<hbm>> -> memref<32768xf32, #tpu.memory_space<hbm>>
    tpu.wait_dma2 semaphore(%arg11 : memref<!tpu.dma_semaphore, #tpu.memory_space<semaphore_mem>>) src(%dma_wait3A_14 : memref<32768xf32, #tpu.memory_space<hbm>>) dst(%arg8 : memref<32768xf32, #tpu.memory_space<vmem>>)
    %parallel_loop3A = arith.constant 0 : i32
    %parallel_loop3A_15 = arith.constant 1024 : i32
    %parallel_loop3A_16 = arith.constant 1 : i32
    scf.for %parallel_loop3A_64 = %parallel_loop3A to %parallel_loop3A_15 step %parallel_loop3A_16  : i32 {
      %parallel_loop3A_65 = arith.constant 2 : i32
      %parallel_loop3A_66 = arith.muli %parallel_loop3A_64, %parallel_loop3A_65 : i32
      %parallel_loop3A_67 = arith.constant 16 : i32
      %parallel_loop3A_68 = arith.muli %parallel_loop3A_66, %parallel_loop3A_67 : i32
      %parallel_loop3A_69 = arith.constant 0 : i32
      %parallel_loop3A_70 = arith.addi %parallel_loop3A_68, %parallel_loop3A_69 : i32
      %parallel_loop3A_71 = tpu.assume_multiple %parallel_loop3A_70, 16 : i32
      %parallel_loop3A_72 = arith.index_cast %parallel_loop3A_71 : i32 to index
      %parallel_loop3A_73 = tpu.vector_load %arg8[%parallel_loop3A_72] {strides = array<i32>} : memref<32768xf32, #tpu.memory_space<vmem>>, vector<16xf32>,
      %parallel_loop3A_74 = arith.constant -2.000000e+00 : f32
      %parallel_loop3A_75 = vector.broadcast %parallel_loop3A_74 : f32 to vector<16xf32>
      %parallel_loop3A_76 = arith.maximumf %parallel_loop3A_73, %parallel_loop3A_75 : vector<16xf32>
      %parallel_loop3A_77 = arith.constant 5.120000e+01 : f32
      %parallel_loop3A_78 = vector.broadcast %parallel_loop3A_77 : f32 to vector<16xf32>
      %parallel_loop3A_79 = arith.mulf %parallel_loop3A_76, %parallel_loop3A_78 : vector<16xf32>
      %parallel_loop3A_80 = arith.constant 0x4B000080 : f32
      %parallel_loop3A_81 = vector.broadcast %parallel_loop3A_80 : f32 to vector<16xf32>
      %parallel_loop3A_82 = arith.addf %parallel_loop3A_79, %parallel_loop3A_81 : vector<16xf32>
      %parallel_loop3A_83 = vector.bitcast %parallel_loop3A_82 : vector<16xf32> to vector<16xi32>
      %parallel_loop3A_84 = arith.constant 2047 : i32
      %parallel_loop3A_85 = vector.broadcast %parallel_loop3A_84 : i32 to vector<16xi32>
      %parallel_loop3A_86 = arith.andi %parallel_loop3A_83, %parallel_loop3A_85 : vector<16xi32>
      %parallel_loop3A_87 = tpu.vector_load_idx %arg6[%parallel_loop3A_86] : memref<2048xf32, #tpu.memory_space<vmem>>[vector<16xi32>], vector<16xf32>,
      %parallel_loop3A_88 = tpu.vector_load_idx %arg7[%parallel_loop3A_86] : memref<2048xf32, #tpu.memory_space<vmem>>[vector<16xi32>], vector<16xf32>,
      %parallel_loop3A_89 = arith.subf %parallel_loop3A_88, %parallel_loop3A_76 : vector<16xf32>
      %parallel_loop3A_90 = arith.subf %parallel_loop3A_76, %parallel_loop3A_87 : vector<16xf32>
      %parallel_loop3A_91 = arith.cmpf olt, %parallel_loop3A_89, %parallel_loop3A_90 : vector<16xf32>
      %parallel_loop3A_92 = arith.select %parallel_loop3A_91, %parallel_loop3A_88, %parallel_loop3A_87 : vector<16xi1>, vector<16xf32>
      %parallel_loop3A_93 = arith.index_cast %parallel_loop3A_71 : i32 to index
      %parallel_loop3A_94 = tpu.vector_load %arg8[%parallel_loop3A_93] {strides = array<i32>} : memref<32768xf32, #tpu.memory_space<vmem>>, vector<16xf32>,
      tpu.vector_store %arg8[%parallel_loop3A_93], %parallel_loop3A_92 {strides = array<i32>} : memref<32768xf32, #tpu.memory_space<vmem>>, vector<16xf32>,
      %parallel_loop3A_95 = arith.constant 2 : i32
      %parallel_loop3A_96 = arith.muli %parallel_loop3A_64, %parallel_loop3A_95 : i32
      %parallel_loop3A_97 = arith.constant 16 : i32
      %parallel_loop3A_98 = arith.muli %parallel_loop3A_96, %parallel_loop3A_97 : i32
      %parallel_loop3A_99 = arith.constant 16 : i32
      %parallel_loop3A_100 = arith.addi %parallel_loop3A_98, %parallel_loop3A_99 : i32
      %parallel_loop3A_101 = tpu.assume_multiple %parallel_loop3A_100, 16 : i32
      %parallel_loop3A_102 = arith.index_cast %parallel_loop3A_101 : i32 to index
      %parallel_loop3A_103 = tpu.vector_load %arg8[%parallel_loop3A_102] {strides = array<i32>} : memref<32768xf32, #tpu.memory_space<vmem>>, vector<16xf32>,
      %parallel_loop3A_104 = arith.constant -2.000000e+00 : f32
      %parallel_loop3A_105 = vector.broadcast %parallel_loop3A_104 : f32 to vector<16xf32>
      %parallel_loop3A_106 = arith.maximumf %parallel_loop3A_103, %parallel_loop3A_105 : vector<16xf32>
      %parallel_loop3A_107 = arith.constant 5.120000e+01 : f32
      %parallel_loop3A_108 = vector.broadcast %parallel_loop3A_107 : f32 to vector<16xf32>
      %parallel_loop3A_109 = arith.mulf %parallel_loop3A_106, %parallel_loop3A_108 : vector<16xf32>
      %parallel_loop3A_110 = arith.constant 0x4B000080 : f32
      %parallel_loop3A_111 = vector.broadcast %parallel_loop3A_110 : f32 to vector<16xf32>
      %parallel_loop3A_112 = arith.addf %parallel_loop3A_109, %parallel_loop3A_111 : vector<16xf32>
      %parallel_loop3A_113 = vector.bitcast %parallel_loop3A_112 : vector<16xf32> to vector<16xi32>
      %parallel_loop3A_114 = arith.constant 2047 : i32
      %parallel_loop3A_115 = vector.broadcast %parallel_loop3A_114 : i32 to vector<16xi32>
      %parallel_loop3A_116 = arith.andi %parallel_loop3A_113, %parallel_loop3A_115 : vector<16xi32>
      %parallel_loop3A_117 = tpu.vector_load_idx %arg6[%parallel_loop3A_116] : memref<2048xf32, #tpu.memory_space<vmem>>[vector<16xi32>], vector<16xf32>,
      %parallel_loop3A_118 = tpu.vector_load_idx %arg7[%parallel_loop3A_116] : memref<2048xf32, #tpu.memory_space<vmem>>[vector<16xi32>], vector<16xf32>,
      %parallel_loop3A_119 = arith.subf %parallel_loop3A_118, %parallel_loop3A_106 : vector<16xf32>
      %parallel_loop3A_120 = arith.subf %parallel_loop3A_106, %parallel_loop3A_117 : vector<16xf32>
      %parallel_loop3A_121 = arith.cmpf olt, %parallel_loop3A_119, %parallel_loop3A_120 : vector<16xf32>
      %parallel_loop3A_122 = arith.select %parallel_loop3A_121, %parallel_loop3A_118, %parallel_loop3A_117 : vector<16xi1>, vector<16xf32>
      %parallel_loop3A_123 = arith.index_cast %parallel_loop3A_101 : i32 to index
      %parallel_loop3A_124 = tpu.vector_load %arg8[%parallel_loop3A_123] {strides = array<i32>} : memref<32768xf32, #tpu.memory_space<vmem>>, vector<16xf32>,
      tpu.vector_store %arg8[%parallel_loop3A_123], %parallel_loop3A_122 {strides = array<i32>} : memref<32768xf32, #tpu.memory_space<vmem>>, vector<16xf32>,
    } {sc.loop_unroll_factor = 8 : i64, sc.parallel_access}
    %add3A_17 = arith.constant 0 : i32
    %add3A_18 = arith.addi %mul3A_2, %add3A_17 : i32
    %dma_start3A_19 = tpu.memref_slice %arg5[%add3A_18] : memref<16777216xf32, #tpu.memory_space<hbm>> -> memref<32768xf32, #tpu.memory_space<hbm>>
    %dma_start3A_20 = tpu.memref_slice %arg5[%add3A_18] : memref<16777216xf32, #tpu.memory_space<hbm>> -> memref<32768xf32, #tpu.memory_space<hbm>>
    tpu.enqueue_dma source(%arg8 : memref<32768xf32, #tpu.memory_space<vmem>>) target(%dma_start3A_20 : memref<32768xf32, #tpu.memory_space<hbm>>) target_semaphore(%arg14 : memref<!tpu.dma_semaphore, #tpu.memory_space<semaphore_mem>>)
    %scan3A = arith.constant 0 : i32
    %scan3A_21 = arith.constant 4 : i32
    %scan3A_22 = arith.addi %scan3A, %scan3A_21 : i32
    %scan3A_23 = arith.constant 1 : i32
    scf.for %scan3A_64 = %scan3A to %scan3A_22 step %scan3A_23  : i32 {
      %mul3A_65 = arith.constant 3 : i32
      %mul3A_66 = arith.muli %scan3A_64, %mul3A_65 : i32
      %add3A_67 = arith.constant 1 : i32
      %add3A_68 = arith.addi %add3A_67, %mul3A_66 : i32
      %add3A_69 = arith.constant 0 : i32
      %add3A_70 = arith.addi %add3A_68, %add3A_69 : i32
      %dma_wait3A_71 = tpu.memref_slice %arg2[%mul3A_2] : memref<16777216xf32, #tpu.memory_space<hbm>> -> memref<32768xf32, #tpu.memory_space<hbm>>
      %dma_wait3A_72 = tpu.memref_slice %arg2[%mul3A_2] : memref<16777216xf32, #tpu.memory_space<hbm>> -> memref<32768xf32, #tpu.memory_space<hbm>>
      tpu.wait_dma2 semaphore(%arg12 : memref<!tpu.dma_semaphore, #tpu.memory_space<semaphore_mem>>) src(%dma_wait3A_72 : memref<32768xf32, #tpu.memory_space<hbm>>) dst(%arg9 : memref<32768xf32, #tpu.memory_space<vmem>>)
      %parallel_loop3A_73 = arith.constant 0 : i32
      %parallel_loop3A_74 = arith.constant 1024 : i32
      %parallel_loop3A_75 = arith.constant 1 : i32
      scf.for %parallel_loop3A_132 = %parallel_loop3A_73 to %parallel_loop3A_74 step %parallel_loop3A_75  : i32 {
        %parallel_loop3A_133 = arith.constant 2 : i32
        %parallel_loop3A_134 = arith.muli %parallel_loop3A_132, %parallel_loop3A_133 : i32
        %parallel_loop3A_135 = arith.constant 16 : i32
        %parallel_loop3A_136 = arith.muli %parallel_loop3A_134, %parallel_loop3A_135 : i32
        %parallel_loop3A_137 = arith.constant 0 : i32
        %parallel_loop3A_138 = arith.addi %parallel_loop3A_136, %parallel_loop3A_137 : i32
        %parallel_loop3A_139 = tpu.assume_multiple %parallel_loop3A_138, 16 : i32
        %parallel_loop3A_140 = arith.index_cast %parallel_loop3A_139 : i32 to index
        %parallel_loop3A_141 = tpu.vector_load %arg9[%parallel_loop3A_140] {strides = array<i32>} : memref<32768xf32, #tpu.memory_space<vmem>>, vector<16xf32>,
        %parallel_loop3A_142 = arith.constant -2.000000e+00 : f32
        %parallel_loop3A_143 = vector.broadcast %parallel_loop3A_142 : f32 to vector<16xf32>
        %parallel_loop3A_144 = arith.maximumf %parallel_loop3A_141, %parallel_loop3A_143 : vector<16xf32>
        %parallel_loop3A_145 = arith.constant 5.120000e+01 : f32
        %parallel_loop3A_146 = vector.broadcast %parallel_loop3A_145 : f32 to vector<16xf32>
        %parallel_loop3A_147 = arith.mulf %parallel_loop3A_144, %parallel_loop3A_146 : vector<16xf32>
        %parallel_loop3A_148 = arith.constant 0x4B000080 : f32
        %parallel_loop3A_149 = vector.broadcast %parallel_loop3A_148 : f32 to vector<16xf32>
        %parallel_loop3A_150 = arith.addf %parallel_loop3A_147, %parallel_loop3A_149 : vector<16xf32>
        %parallel_loop3A_151 = vector.bitcast %parallel_loop3A_150 : vector<16xf32> to vector<16xi32>
        %parallel_loop3A_152 = arith.constant 2047 : i32
        %parallel_loop3A_153 = vector.broadcast %parallel_loop3A_152 : i32 to vector<16xi32>
        %parallel_loop3A_154 = arith.andi %parallel_loop3A_151, %parallel_loop3A_153 : vector<16xi32>
        %parallel_loop3A_155 = tpu.vector_load_idx %arg6[%parallel_loop3A_154] : memref<2048xf32, #tpu.memory_space<vmem>>[vector<16xi32>], vector<16xf32>,
        %parallel_loop3A_156 = tpu.vector_load_idx %arg7[%parallel_loop3A_154] : memref<2048xf32, #tpu.memory_space<vmem>>[vector<16xi32>], vector<16xf32>,
        %parallel_loop3A_157 = arith.subf %parallel_loop3A_156, %parallel_loop3A_144 : vector<16xf32>
        %parallel_loop3A_158 = arith.subf %parallel_loop3A_144, %parallel_loop3A_155 : vector<16xf32>
        %parallel_loop3A_159 = arith.cmpf olt, %parallel_loop3A_157, %parallel_loop3A_158 : vector<16xf32>
        %parallel_loop3A_160 = arith.select %parallel_loop3A_159, %parallel_loop3A_156, %parallel_loop3A_155 : vector<16xi1>, vector<16xf32>
        %parallel_loop3A_161 = arith.index_cast %parallel_loop3A_139 : i32 to index
        %parallel_loop3A_162 = tpu.vector_load %arg9[%parallel_loop3A_161] {strides = array<i32>} : memref<32768xf32, #tpu.memory_space<vmem>>, vector<16xf32>,
        tpu.vector_store %arg9[%parallel_loop3A_161], %parallel_loop3A_160 {strides = array<i32>} : memref<32768xf32, #tpu.memory_space<vmem>>, vector<16xf32>,
        %parallel_loop3A_163 = arith.constant 2 : i32
        %parallel_loop3A_164 = arith.muli %parallel_loop3A_132, %parallel_loop3A_163 : i32
        %parallel_loop3A_165 = arith.constant 16 : i32
        %parallel_loop3A_166 = arith.muli %parallel_loop3A_164, %parallel_loop3A_165 : i32
        %parallel_loop3A_167 = arith.constant 16 : i32
        %parallel_loop3A_168 = arith.addi %parallel_loop3A_166, %parallel_loop3A_167 : i32
        %parallel_loop3A_169 = tpu.assume_multiple %parallel_loop3A_168, 16 : i32
        %parallel_loop3A_170 = arith.index_cast %parallel_loop3A_169 : i32 to index
        %parallel_loop3A_171 = tpu.vector_load %arg9[%parallel_loop3A_170] {strides = array<i32>} : memref<32768xf32, #tpu.memory_space<vmem>>, vector<16xf32>,
        %parallel_loop3A_172 = arith.constant -2.000000e+00 : f32
        %parallel_loop3A_173 = vector.broadcast %parallel_loop3A_172 : f32 to vector<16xf32>
        %parallel_loop3A_174 = arith.maximumf %parallel_loop3A_171, %parallel_loop3A_173 : vector<16xf32>
        %parallel_loop3A_175 = arith.constant 5.120000e+01 : f32
        %parallel_loop3A_176 = vector.broadcast %parallel_loop3A_175 : f32 to vector<16xf32>
        %parallel_loop3A_177 = arith.mulf %parallel_loop3A_174, %parallel_loop3A_176 : vector<16xf32>
        %parallel_loop3A_178 = arith.constant 0x4B000080 : f32
        %parallel_loop3A_179 = vector.broadcast %parallel_loop3A_178 : f32 to vector<16xf32>
        %parallel_loop3A_180 = arith.addf %parallel_loop3A_177, %parallel_loop3A_179 : vector<16xf32>
        %parallel_loop3A_181 = vector.bitcast %parallel_loop3A_180 : vector<16xf32> to vector<16xi32>
        %parallel_loop3A_182 = arith.constant 2047 : i32
        %parallel_loop3A_183 = vector.broadcast %parallel_loop3A_182 : i32 to vector<16xi32>
        %parallel_loop3A_184 = arith.andi %parallel_loop3A_181, %parallel_loop3A_183 : vector<16xi32>
        %parallel_loop3A_185 = tpu.vector_load_idx %arg6[%parallel_loop3A_184] : memref<2048xf32, #tpu.memory_space<vmem>>[vector<16xi32>], vector<16xf32>,
        %parallel_loop3A_186 = tpu.vector_load_idx %arg7[%parallel_loop3A_184] : memref<2048xf32, #tpu.memory_space<vmem>>[vector<16xi32>], vector<16xf32>,
        %parallel_loop3A_187 = arith.subf %parallel_loop3A_186, %parallel_loop3A_174 : vector<16xf32>
        %parallel_loop3A_188 = arith.subf %parallel_loop3A_174, %parallel_loop3A_185 : vector<16xf32>
        %parallel_loop3A_189 = arith.cmpf olt, %parallel_loop3A_187, %parallel_loop3A_188 : vector<16xf32>
        %parallel_loop3A_190 = arith.select %parallel_loop3A_189, %parallel_loop3A_186, %parallel_loop3A_185 : vector<16xi1>, vector<16xf32>
        %parallel_loop3A_191 = arith.index_cast %parallel_loop3A_169 : i32 to index
        %parallel_loop3A_192 = tpu.vector_load %arg9[%parallel_loop3A_191] {strides = array<i32>} : memref<32768xf32, #tpu.memory_space<vmem>>, vector<16xf32>,
        tpu.vector_store %arg9[%parallel_loop3A_191], %parallel_loop3A_190 {strides = array<i32>} : memref<32768xf32, #tpu.memory_space<vmem>>, vector<16xf32>,
      } {sc.loop_unroll_factor = 8 : i64, sc.parallel_access}
      %mul3A_76 = arith.constant 32768 : i32
      %mul3A_77 = arith.muli %add3A_70, %mul3A_76 : i32
      %add3A_78 = arith.addi %mul3A_2, %mul3A_77 : i32
      %dma_start3A_79 = tpu.memref_slice %arg5[%add3A_78] : memref<16777216xf32, #tpu.memory_space<hbm>> -> memref<32768xf32, #tpu.memory_space<hbm>>
      %dma_start3A_80 = tpu.memref_slice %arg5[%add3A_78] : memref<16777216xf32, #tpu.memory_space<hbm>> -> memref<32768xf32, #tpu.memory_space<hbm>>
      tpu.enqueue_dma source(%arg9 : memref<32768xf32, #tpu.memory_space<vmem>>) target(%dma_start3A_80 : memref<32768xf32, #tpu.memory_space<hbm>>) target_semaphore(%arg15 : memref<!tpu.dma_semaphore, #tpu.memory_space<semaphore_mem>>)
      %dma_wait3A_81 = tpu.memref_slice %arg5[%mul3A_2] : memref<16777216xf32, #tpu.memory_space<hbm>> -> memref<32768xf32, #tpu.memory_space<hbm>>
      %dma_wait3A_82 = tpu.memref_slice %arg5[%mul3A_2] : memref<16777216xf32, #tpu.memory_space<hbm>> -> memref<32768xf32, #tpu.memory_space<hbm>>
      tpu.wait_dma2 semaphore(%arg14 : memref<!tpu.dma_semaphore, #tpu.memory_space<semaphore_mem>>) src(%arg8 : memref<32768xf32, #tpu.memory_space<vmem>>) dst(%dma_wait3A_82 : memref<32768xf32, #tpu.memory_space<hbm>>)
      %add3A_83 = arith.constant 2 : i32
      %add3A_84 = arith.addi %add3A_70, %add3A_83 : i32
      %mul3A_85 = arith.constant 32768 : i32
      %mul3A_86 = arith.muli %add3A_84, %mul3A_85 : i32
      %add3A_87 = arith.addi %mul3A_2, %mul3A_86 : i32
      %dma_start3A_88 = tpu.memref_slice %arg2[%add3A_87] : memref<16777216xf32, #tpu.memory_space<hbm>> -> memref<32768xf32, #tpu.memory_space<hbm>>
      %dma_start3A_89 = tpu.memref_slice %arg2[%add3A_87] : memref<16777216xf32, #tpu.memory_space<hbm>> -> memref<32768xf32, #tpu.memory_space<hbm>>
      tpu.enqueue_dma source(%dma_start3A_89 : memref<32768xf32, #tpu.memory_space<hbm>>) target(%arg8 : memref<32768xf32, #tpu.memory_space<vmem>>) target_semaphore(%arg11 : memref<!tpu.dma_semaphore, #tpu.memory_space<semaphore_mem>>)
      %add3A_90 = arith.constant 1 : i32
      %add3A_91 = arith.addi %add3A_68, %add3A_90 : i32
      %dma_wait3A_92 = tpu.memref_slice %arg2[%mul3A_2] : memref<16777216xf32, #tpu.memory_space<hbm>> -> memref<32768xf32, #tpu.memory_space<hbm>>
      %dma_wait3A_93 = tpu.memref_slice %arg2[%mul3A_2] : memref<16777216xf32, #tpu.memory_space<hbm>> -> memref<32768xf32, #tpu.memory_space<hbm>>
      tpu.wait_dma2 semaphore(%arg13 : memref<!tpu.dma_semaphore, #tpu.memory_space<semaphore_mem>>) src(%dma_wait3A_93 : memref<32768xf32, #tpu.memory_space<hbm>>) dst(%arg10 : memref<32768xf32, #tpu.memory_space<vmem>>)
      %parallel_loop3A_94 = arith.constant 0 : i32
      %parallel_loop3A_95 = arith.constant 1024 : i32
      %parallel_loop3A_96 = arith.constant 1 : i32
      scf.for %parallel_loop3A_132 = %parallel_loop3A_94 to %parallel_loop3A_95 step %parallel_loop3A_96  : i32 {
        %parallel_loop3A_133 = arith.constant 2 : i32
        %parallel_loop3A_134 = arith.muli %parallel_loop3A_132, %parallel_loop3A_133 : i32
        %parallel_loop3A_135 = arith.constant 16 : i32
        %parallel_loop3A_136 = arith.muli %parallel_loop3A_134, %parallel_loop3A_135 : i32
        %parallel_loop3A_137 = arith.constant 0 : i32
        %parallel_loop3A_138 = arith.addi %parallel_loop3A_136, %parallel_loop3A_137 : i32
        %parallel_loop3A_139 = tpu.assume_multiple %parallel_loop3A_138, 16 : i32
        %parallel_loop3A_140 = arith.index_cast %parallel_loop3A_139 : i32 to index
        %parallel_loop3A_141 = tpu.vector_load %arg10[%parallel_loop3A_140] {strides = array<i32>} : memref<32768xf32, #tpu.memory_space<vmem>>, vector<16xf32>,
        %parallel_loop3A_142 = arith.constant -2.000000e+00 : f32
        %parallel_loop3A_143 = vector.broadcast %parallel_loop3A_142 : f32 to vector<16xf32>
        %parallel_loop3A_144 = arith.maximumf %parallel_loop3A_141, %parallel_loop3A_143 : vector<16xf32>
        %parallel_loop3A_145 = arith.constant 5.120000e+01 : f32
        %parallel_loop3A_146 = vector.broadcast %parallel_loop3A_145 : f32 to vector<16xf32>
        %parallel_loop3A_147 = arith.mulf %parallel_loop3A_144, %parallel_loop3A_146 : vector<16xf32>
        %parallel_loop3A_148 = arith.constant 0x4B000080 : f32
        %parallel_loop3A_149 = vector.broadcast %parallel_loop3A_148 : f32 to vector<16xf32>
        %parallel_loop3A_150 = arith.addf %parallel_loop3A_147, %parallel_loop3A_149 : vector<16xf32>
        %parallel_loop3A_151 = vector.bitcast %parallel_loop3A_150 : vector<16xf32> to vector<16xi32>
        %parallel_loop3A_152 = arith.constant 2047 : i32
        %parallel_loop3A_153 = vector.broadcast %parallel_loop3A_152 : i32 to vector<16xi32>
        %parallel_loop3A_154 = arith.andi %parallel_loop3A_151, %parallel_loop3A_153 : vector<16xi32>
        %parallel_loop3A_155 = tpu.vector_load_idx %arg6[%parallel_loop3A_154] : memref<2048xf32, #tpu.memory_space<vmem>>[vector<16xi32>], vector<16xf32>,
        %parallel_loop3A_156 = tpu.vector_load_idx %arg7[%parallel_loop3A_154] : memref<2048xf32, #tpu.memory_space<vmem>>[vector<16xi32>], vector<16xf32>,
        %parallel_loop3A_157 = arith.subf %parallel_loop3A_156, %parallel_loop3A_144 : vector<16xf32>
        %parallel_loop3A_158 = arith.subf %parallel_loop3A_144, %parallel_loop3A_155 : vector<16xf32>
        %parallel_loop3A_159 = arith.cmpf olt, %parallel_loop3A_157, %parallel_loop3A_158 : vector<16xf32>
        %parallel_loop3A_160 = arith.select %parallel_loop3A_159, %parallel_loop3A_156, %parallel_loop3A_155 : vector<16xi1>, vector<16xf32>
        %parallel_loop3A_161 = arith.index_cast %parallel_loop3A_139 : i32 to index
        %parallel_loop3A_162 = tpu.vector_load %arg10[%parallel_loop3A_161] {strides = array<i32>} : memref<32768xf32, #tpu.memory_space<vmem>>, vector<16xf32>,
        tpu.vector_store %arg10[%parallel_loop3A_161], %parallel_loop3A_160 {strides = array<i32>} : memref<32768xf32, #tpu.memory_space<vmem>>, vector<16xf32>,
        %parallel_loop3A_163 = arith.constant 2 : i32
        %parallel_loop3A_164 = arith.muli %parallel_loop3A_132, %parallel_loop3A_163 : i32
        %parallel_loop3A_165 = arith.constant 16 : i32
        %parallel_loop3A_166 = arith.muli %parallel_loop3A_164, %parallel_loop3A_165 : i32
        %parallel_loop3A_167 = arith.constant 16 : i32
        %parallel_loop3A_168 = arith.addi %parallel_loop3A_166, %parallel_loop3A_167 : i32
        %parallel_loop3A_169 = tpu.assume_multiple %parallel_loop3A_168, 16 : i32
        %parallel_loop3A_170 = arith.index_cast %parallel_loop3A_169 : i32 to index
        %parallel_loop3A_171 = tpu.vector_load %arg10[%parallel_loop3A_170] {strides = array<i32>} : memref<32768xf32, #tpu.memory_space<vmem>>, vector<16xf32>,
        %parallel_loop3A_172 = arith.constant -2.000000e+00 : f32
        %parallel_loop3A_173 = vector.broadcast %parallel_loop3A_172 : f32 to vector<16xf32>
        %parallel_loop3A_174 = arith.maximumf %parallel_loop3A_171, %parallel_loop3A_173 : vector<16xf32>
        %parallel_loop3A_175 = arith.constant 5.120000e+01 : f32
        %parallel_loop3A_176 = vector.broadcast %parallel_loop3A_175 : f32 to vector<16xf32>
        %parallel_loop3A_177 = arith.mulf %parallel_loop3A_174, %parallel_loop3A_176 : vector<16xf32>
        %parallel_loop3A_178 = arith.constant 0x4B000080 : f32
        %parallel_loop3A_179 = vector.broadcast %parallel_loop3A_178 : f32 to vector<16xf32>
        %parallel_loop3A_180 = arith.addf %parallel_loop3A_177, %parallel_loop3A_179 : vector<16xf32>
        %parallel_loop3A_181 = vector.bitcast %parallel_loop3A_180 : vector<16xf32> to vector<16xi32>
        %parallel_loop3A_182 = arith.constant 2047 : i32
        %parallel_loop3A_183 = vector.broadcast %parallel_loop3A_182 : i32 to vector<16xi32>
        %parallel_loop3A_184 = arith.andi %parallel_loop3A_181, %parallel_loop3A_183 : vector<16xi32>
        %parallel_loop3A_185 = tpu.vector_load_idx %arg6[%parallel_loop3A_184] : memref<2048xf32, #tpu.memory_space<vmem>>[vector<16xi32>], vector<16xf32>,
        %parallel_loop3A_186 = tpu.vector_load_idx %arg7[%parallel_loop3A_184] : memref<2048xf32, #tpu.memory_space<vmem>>[vector<16xi32>], vector<16xf32>,
        %parallel_loop3A_187 = arith.subf %parallel_loop3A_186, %parallel_loop3A_174 : vector<16xf32>
        %parallel_loop3A_188 = arith.subf %parallel_loop3A_174, %parallel_loop3A_185 : vector<16xf32>
        %parallel_loop3A_189 = arith.cmpf olt, %parallel_loop3A_187, %parallel_loop3A_188 : vector<16xf32>
        %parallel_loop3A_190 = arith.select %parallel_loop3A_189, %parallel_loop3A_186, %parallel_loop3A_185 : vector<16xi1>, vector<16xf32>
        %parallel_loop3A_191 = arith.index_cast %parallel_loop3A_169 : i32 to index
        %parallel_loop3A_192 = tpu.vector_load %arg10[%parallel_loop3A_191] {strides = array<i32>} : memref<32768xf32, #tpu.memory_space<vmem>>, vector<16xf32>,
        tpu.vector_store %arg10[%parallel_loop3A_191], %parallel_loop3A_190 {strides = array<i32>} : memref<32768xf32, #tpu.memory_space<vmem>>, vector<16xf32>,
      } {sc.loop_unroll_factor = 8 : i64, sc.parallel_access}
      %mul3A_97 = arith.constant 32768 : i32
      %mul3A_98 = arith.muli %add3A_91, %mul3A_97 : i32
      %add3A_99 = arith.addi %mul3A_2, %mul3A_98 : i32
      %dma_start3A_100 = tpu.memref_slice %arg5[%add3A_99] : memref<16777216xf32, #tpu.memory_space<hbm>> -> memref<32768xf32, #tpu.memory_space<hbm>>
      %dma_start3A_101 = tpu.memref_slice %arg5[%add3A_99] : memref<16777216xf32, #tpu.memory_space<hbm>> -> memref<32768xf32, #tpu.memory_space<hbm>>
      tpu.enqueue_dma source(%arg10 : memref<32768xf32, #tpu.memory_space<vmem>>) target(%dma_start3A_101 : memref<32768xf32, #tpu.memory_space<hbm>>) target_semaphore(%arg16 : memref<!tpu.dma_semaphore, #tpu.memory_space<semaphore_mem>>)
      %dma_wait3A_102 = tpu.memref_slice %arg5[%mul3A_2] : memref<16777216xf32, #tpu.memory_space<hbm>> -> memref<32768xf32, #tpu.memory_space<hbm>>
      %dma_wait3A_103 = tpu.memref_slice %arg5[%mul3A_2] : memref<16777216xf32, #tpu.memory_space<hbm>> -> memref<32768xf32, #tpu.memory_space<hbm>>
      tpu.wait_dma2 semaphore(%arg15 : memref<!tpu.dma_semaphore, #tpu.memory_space<semaphore_mem>>) src(%arg9 : memref<32768xf32, #tpu.memory_space<vmem>>) dst(%dma_wait3A_103 : memref<32768xf32, #tpu.memory_space<hbm>>)
      %add3A_104 = arith.constant 2 : i32
      %add3A_105 = arith.addi %add3A_91, %add3A_104 : i32
      %mul3A_106 = arith.constant 32768 : i32
      %mul3A_107 = arith.muli %add3A_105, %mul3A_106 : i32
      %add3A_108 = arith.addi %mul3A_2, %mul3A_107 : i32
      %dma_start3A_109 = tpu.memref_slice %arg2[%add3A_108] : memref<16777216xf32, #tpu.memory_space<hbm>> -> memref<32768xf32, #tpu.memory_space<hbm>>
      %dma_start3A_110 = tpu.memref_slice %arg2[%add3A_108] : memref<16777216xf32, #tpu.memory_space<hbm>> -> memref<32768xf32, #tpu.memory_space<hbm>>
      tpu.enqueue_dma source(%dma_start3A_110 : memref<32768xf32, #tpu.memory_space<hbm>>) target(%arg9 : memref<32768xf32, #tpu.memory_space<vmem>>) target_semaphore(%arg12 : memref<!tpu.dma_semaphore, #tpu.memory_space<semaphore_mem>>)
      %add3A_111 = arith.constant 2 : i32
      %add3A_112 = arith.addi %add3A_68, %add3A_111 : i32
      %dma_wait3A_113 = tpu.memref_slice %arg2[%mul3A_2] : memref<16777216xf32, #tpu.memory_space<hbm>> -> memref<32768xf32, #tpu.memory_space<hbm>>
      %dma_wait3A_114 = tpu.memref_slice %arg2[%mul3A_2] : memref<16777216xf32, #tpu.memory_space<hbm>> -> memref<32768xf32, #tpu.memory_space<hbm>>
      tpu.wait_dma2 semaphore(%arg11 : memref<!tpu.dma_semaphore, #tpu.memory_space<semaphore_mem>>) src(%dma_wait3A_114 : memref<32768xf32, #tpu.memory_space<hbm>>) dst(%arg8 : memref<32768xf32, #tpu.memory_space<vmem>>)
      %parallel_loop3A_115 = arith.constant 0 : i32
      %parallel_loop3A_116 = arith.constant 1024 : i32
      %parallel_loop3A_117 = arith.constant 1 : i32
      scf.for %parallel_loop3A_132 = %parallel_loop3A_115 to %parallel_loop3A_116 step %parallel_loop3A_117  : i32 {
        %parallel_loop3A_133 = arith.constant 2 : i32
        %parallel_loop3A_134 = arith.muli %parallel_loop3A_132, %parallel_loop3A_133 : i32
        %parallel_loop3A_135 = arith.constant 16 : i32
        %parallel_loop3A_136 = arith.muli %parallel_loop3A_134, %parallel_loop3A_135 : i32
        %parallel_loop3A_137 = arith.constant 0 : i32
        %parallel_loop3A_138 = arith.addi %parallel_loop3A_136, %parallel_loop3A_137 : i32
        %parallel_loop3A_139 = tpu.assume_multiple %parallel_loop3A_138, 16 : i32
        %parallel_loop3A_140 = arith.index_cast %parallel_loop3A_139 : i32 to index
        %parallel_loop3A_141 = tpu.vector_load %arg8[%parallel_loop3A_140] {strides = array<i32>} : memref<32768xf32, #tpu.memory_space<vmem>>, vector<16xf32>,
        %parallel_loop3A_142 = arith.constant -2.000000e+00 : f32
        %parallel_loop3A_143 = vector.broadcast %parallel_loop3A_142 : f32 to vector<16xf32>
        %parallel_loop3A_144 = arith.maximumf %parallel_loop3A_141, %parallel_loop3A_143 : vector<16xf32>
        %parallel_loop3A_145 = arith.constant 5.120000e+01 : f32
        %parallel_loop3A_146 = vector.broadcast %parallel_loop3A_145 : f32 to vector<16xf32>
        %parallel_loop3A_147 = arith.mulf %parallel_loop3A_144, %parallel_loop3A_146 : vector<16xf32>
        %parallel_loop3A_148 = arith.constant 0x4B000080 : f32
        %parallel_loop3A_149 = vector.broadcast %parallel_loop3A_148 : f32 to vector<16xf32>
        %parallel_loop3A_150 = arith.addf %parallel_loop3A_147, %parallel_loop3A_149 : vector<16xf32>
        %parallel_loop3A_151 = vector.bitcast %parallel_loop3A_150 : vector<16xf32> to vector<16xi32>
        %parallel_loop3A_152 = arith.constant 2047 : i32
        %parallel_loop3A_153 = vector.broadcast %parallel_loop3A_152 : i32 to vector<16xi32>
        %parallel_loop3A_154 = arith.andi %parallel_loop3A_151, %parallel_loop3A_153 : vector<16xi32>
        %parallel_loop3A_155 = tpu.vector_load_idx %arg6[%parallel_loop3A_154] : memref<2048xf32, #tpu.memory_space<vmem>>[vector<16xi32>], vector<16xf32>,
        %parallel_loop3A_156 = tpu.vector_load_idx %arg7[%parallel_loop3A_154] : memref<2048xf32, #tpu.memory_space<vmem>>[vector<16xi32>], vector<16xf32>,
        %parallel_loop3A_157 = arith.subf %parallel_loop3A_156, %parallel_loop3A_144 : vector<16xf32>
        %parallel_loop3A_158 = arith.subf %parallel_loop3A_144, %parallel_loop3A_155 : vector<16xf32>
        %parallel_loop3A_159 = arith.cmpf olt, %parallel_loop3A_157, %parallel_loop3A_158 : vector<16xf32>
        %parallel_loop3A_160 = arith.select %parallel_loop3A_159, %parallel_loop3A_156, %parallel_loop3A_155 : vector<16xi1>, vector<16xf32>
        %parallel_loop3A_161 = arith.index_cast %parallel_loop3A_139 : i32 to index
        %parallel_loop3A_162 = tpu.vector_load %arg8[%parallel_loop3A_161] {strides = array<i32>} : memref<32768xf32, #tpu.memory_space<vmem>>, vector<16xf32>,
        tpu.vector_store %arg8[%parallel_loop3A_161], %parallel_loop3A_160 {strides = array<i32>} : memref<32768xf32, #tpu.memory_space<vmem>>, vector<16xf32>,
        %parallel_loop3A_163 = arith.constant 2 : i32
        %parallel_loop3A_164 = arith.muli %parallel_loop3A_132, %parallel_loop3A_163 : i32
        %parallel_loop3A_165 = arith.constant 16 : i32
        %parallel_loop3A_166 = arith.muli %parallel_loop3A_164, %parallel_loop3A_165 : i32
        %parallel_loop3A_167 = arith.constant 16 : i32
        %parallel_loop3A_168 = arith.addi %parallel_loop3A_166, %parallel_loop3A_167 : i32
        %parallel_loop3A_169 = tpu.assume_multiple %parallel_loop3A_168, 16 : i32
        %parallel_loop3A_170 = arith.index_cast %parallel_loop3A_169 : i32 to index
        %parallel_loop3A_171 = tpu.vector_load %arg8[%parallel_loop3A_170] {strides = array<i32>} : memref<32768xf32, #tpu.memory_space<vmem>>, vector<16xf32>,
        %parallel_loop3A_172 = arith.constant -2.000000e+00 : f32
        %parallel_loop3A_173 = vector.broadcast %parallel_loop3A_172 : f32 to vector<16xf32>
        %parallel_loop3A_174 = arith.maximumf %parallel_loop3A_171, %parallel_loop3A_173 : vector<16xf32>
        %parallel_loop3A_175 = arith.constant 5.120000e+01 : f32
        %parallel_loop3A_176 = vector.broadcast %parallel_loop3A_175 : f32 to vector<16xf32>
        %parallel_loop3A_177 = arith.mulf %parallel_loop3A_174, %parallel_loop3A_176 : vector<16xf32>
        %parallel_loop3A_178 = arith.constant 0x4B000080 : f32
        %parallel_loop3A_179 = vector.broadcast %parallel_loop3A_178 : f32 to vector<16xf32>
        %parallel_loop3A_180 = arith.addf %parallel_loop3A_177, %parallel_loop3A_179 : vector<16xf32>
        %parallel_loop3A_181 = vector.bitcast %parallel_loop3A_180 : vector<16xf32> to vector<16xi32>
        %parallel_loop3A_182 = arith.constant 2047 : i32
        %parallel_loop3A_183 = vector.broadcast %parallel_loop3A_182 : i32 to vector<16xi32>
        %parallel_loop3A_184 = arith.andi %parallel_loop3A_181, %parallel_loop3A_183 : vector<16xi32>
        %parallel_loop3A_185 = tpu.vector_load_idx %arg6[%parallel_loop3A_184] : memref<2048xf32, #tpu.memory_space<vmem>>[vector<16xi32>], vector<16xf32>,
        %parallel_loop3A_186 = tpu.vector_load_idx %arg7[%parallel_loop3A_184] : memref<2048xf32, #tpu.memory_space<vmem>>[vector<16xi32>], vector<16xf32>,
        %parallel_loop3A_187 = arith.subf %parallel_loop3A_186, %parallel_loop3A_174 : vector<16xf32>
        %parallel_loop3A_188 = arith.subf %parallel_loop3A_174, %parallel_loop3A_185 : vector<16xf32>
        %parallel_loop3A_189 = arith.cmpf olt, %parallel_loop3A_187, %parallel_loop3A_188 : vector<16xf32>
        %parallel_loop3A_190 = arith.select %parallel_loop3A_189, %parallel_loop3A_186, %parallel_loop3A_185 : vector<16xi1>, vector<16xf32>
        %parallel_loop3A_191 = arith.index_cast %parallel_loop3A_169 : i32 to index
        %parallel_loop3A_192 = tpu.vector_load %arg8[%parallel_loop3A_191] {strides = array<i32>} : memref<32768xf32, #tpu.memory_space<vmem>>, vector<16xf32>,
        tpu.vector_store %arg8[%parallel_loop3A_191], %parallel_loop3A_190 {strides = array<i32>} : memref<32768xf32, #tpu.memory_space<vmem>>, vector<16xf32>,
      } {sc.loop_unroll_factor = 8 : i64, sc.parallel_access}
      %mul3A_118 = arith.constant 32768 : i32
      %mul3A_119 = arith.muli %add3A_112, %mul3A_118 : i32
      %add3A_120 = arith.addi %mul3A_2, %mul3A_119 : i32
      %dma_start3A_121 = tpu.memref_slice %arg5[%add3A_120] : memref<16777216xf32, #tpu.memory_space<hbm>> -> memref<32768xf32, #tpu.memory_space<hbm>>
      %dma_start3A_122 = tpu.memref_slice %arg5[%add3A_120] : memref<16777216xf32, #tpu.memory_space<hbm>> -> memref<32768xf32, #tpu.memory_space<hbm>>
      tpu.enqueue_dma source(%arg8 : memref<32768xf32, #tpu.memory_space<vmem>>) target(%dma_start3A_122 : memref<32768xf32, #tpu.memory_space<hbm>>) target_semaphore(%arg14 : memref<!tpu.dma_semaphore, #tpu.memory_space<semaphore_mem>>)
      %dma_wait3A_123 = tpu.memref_slice %arg5[%mul3A_2] : memref<16777216xf32, #tpu.memory_space<hbm>> -> memref<32768xf32, #tpu.memory_space<hbm>>
      %dma_wait3A_124 = tpu.memref_slice %arg5[%mul3A_2] : memref<16777216xf32, #tpu.memory_space<hbm>> -> memref<32768xf32, #tpu.memory_space<hbm>>
      tpu.wait_dma2 semaphore(%arg16 : memref<!tpu.dma_semaphore, #tpu.memory_space<semaphore_mem>>) src(%arg10 : memref<32768xf32, #tpu.memory_space<vmem>>) dst(%dma_wait3A_124 : memref<32768xf32, #tpu.memory_space<hbm>>)
      %add3A_125 = arith.constant 2 : i32
      %add3A_126 = arith.addi %add3A_112, %add3A_125 : i32
      %mul3A_127 = arith.constant 32768 : i32
      %mul3A_128 = arith.muli %add3A_126, %mul3A_127 : i32
      %add3A_129 = arith.addi %mul3A_2, %mul3A_128 : i32
      %dma_start3A_130 = tpu.memref_slice %arg2[%add3A_129] : memref<16777216xf32, #tpu.memory_space<hbm>> -> memref<32768xf32, #tpu.memory_space<hbm>>
      %dma_start3A_131 = tpu.memref_slice %arg2[%add3A_129] : memref<16777216xf32, #tpu.memory_space<hbm>> -> memref<32768xf32, #tpu.memory_space<hbm>>
      tpu.enqueue_dma source(%dma_start3A_131 : memref<32768xf32, #tpu.memory_space<hbm>>) target(%arg10 : memref<32768xf32, #tpu.memory_space<vmem>>) target_semaphore(%arg13 : memref<!tpu.dma_semaphore, #tpu.memory_space<semaphore_mem>>)
    }
    %scan3A_24 = arith.constant 4 : i32
    %dma_wait3A_25 = tpu.memref_slice %arg2[%mul3A_2] : memref<16777216xf32, #tpu.memory_space<hbm>> -> memref<32768xf32, #tpu.memory_space<hbm>>
    %dma_wait3A_26 = tpu.memref_slice %arg2[%mul3A_2] : memref<16777216xf32, #tpu.memory_space<hbm>> -> memref<32768xf32, #tpu.memory_space<hbm>>
    tpu.wait_dma2 semaphore(%arg12 : memref<!tpu.dma_semaphore, #tpu.memory_space<semaphore_mem>>) src(%dma_wait3A_26 : memref<32768xf32, #tpu.memory_space<hbm>>) dst(%arg9 : memref<32768xf32, #tpu.memory_space<vmem>>)
    %parallel_loop3A_27 = arith.constant 0 : i32
    %parallel_loop3A_28 = arith.constant 1024 : i32
    %parallel_loop3A_29 = arith.constant 1 : i32
    scf.for %parallel_loop3A_64 = %parallel_loop3A_27 to %parallel_loop3A_28 step %parallel_loop3A_29  : i32 {
      %parallel_loop3A_65 = arith.constant 2 : i32
      %parallel_loop3A_66 = arith.muli %parallel_loop3A_64, %parallel_loop3A_65 : i32
      %parallel_loop3A_67 = arith.constant 16 : i32
      %parallel_loop3A_68 = arith.muli %parallel_loop3A_66, %parallel_loop3A_67 : i32
      %parallel_loop3A_69 = arith.constant 0 : i32
      %parallel_loop3A_70 = arith.addi %parallel_loop3A_68, %parallel_loop3A_69 : i32
      %parallel_loop3A_71 = tpu.assume_multiple %parallel_loop3A_70, 16 : i32
      %parallel_loop3A_72 = arith.index_cast %parallel_loop3A_71 : i32 to index
      %parallel_loop3A_73 = tpu.vector_load %arg9[%parallel_loop3A_72] {strides = array<i32>} : memref<32768xf32, #tpu.memory_space<vmem>>, vector<16xf32>,
      %parallel_loop3A_74 = arith.constant -2.000000e+00 : f32
      %parallel_loop3A_75 = vector.broadcast %parallel_loop3A_74 : f32 to vector<16xf32>
      %parallel_loop3A_76 = arith.maximumf %parallel_loop3A_73, %parallel_loop3A_75 : vector<16xf32>
      %parallel_loop3A_77 = arith.constant 5.120000e+01 : f32
      %parallel_loop3A_78 = vector.broadcast %parallel_loop3A_77 : f32 to vector<16xf32>
      %parallel_loop3A_79 = arith.mulf %parallel_loop3A_76, %parallel_loop3A_78 : vector<16xf32>
      %parallel_loop3A_80 = arith.constant 0x4B000080 : f32
      %parallel_loop3A_81 = vector.broadcast %parallel_loop3A_80 : f32 to vector<16xf32>
      %parallel_loop3A_82 = arith.addf %parallel_loop3A_79, %parallel_loop3A_81 : vector<16xf32>
      %parallel_loop3A_83 = vector.bitcast %parallel_loop3A_82 : vector<16xf32> to vector<16xi32>
      %parallel_loop3A_84 = arith.constant 2047 : i32
      %parallel_loop3A_85 = vector.broadcast %parallel_loop3A_84 : i32 to vector<16xi32>
      %parallel_loop3A_86 = arith.andi %parallel_loop3A_83, %parallel_loop3A_85 : vector<16xi32>
      %parallel_loop3A_87 = tpu.vector_load_idx %arg6[%parallel_loop3A_86] : memref<2048xf32, #tpu.memory_space<vmem>>[vector<16xi32>], vector<16xf32>,
      %parallel_loop3A_88 = tpu.vector_load_idx %arg7[%parallel_loop3A_86] : memref<2048xf32, #tpu.memory_space<vmem>>[vector<16xi32>], vector<16xf32>,
      %parallel_loop3A_89 = arith.subf %parallel_loop3A_88, %parallel_loop3A_76 : vector<16xf32>
      %parallel_loop3A_90 = arith.subf %parallel_loop3A_76, %parallel_loop3A_87 : vector<16xf32>
      %parallel_loop3A_91 = arith.cmpf olt, %parallel_loop3A_89, %parallel_loop3A_90 : vector<16xf32>
      %parallel_loop3A_92 = arith.select %parallel_loop3A_91, %parallel_loop3A_88, %parallel_loop3A_87 : vector<16xi1>, vector<16xf32>
      %parallel_loop3A_93 = arith.index_cast %parallel_loop3A_71 : i32 to index
      %parallel_loop3A_94 = tpu.vector_load %arg9[%parallel_loop3A_93] {strides = array<i32>} : memref<32768xf32, #tpu.memory_space<vmem>>, vector<16xf32>,
      tpu.vector_store %arg9[%parallel_loop3A_93], %parallel_loop3A_92 {strides = array<i32>} : memref<32768xf32, #tpu.memory_space<vmem>>, vector<16xf32>,
      %parallel_loop3A_95 = arith.constant 2 : i32
      %parallel_loop3A_96 = arith.muli %parallel_loop3A_64, %parallel_loop3A_95 : i32
      %parallel_loop3A_97 = arith.constant 16 : i32
      %parallel_loop3A_98 = arith.muli %parallel_loop3A_96, %parallel_loop3A_97 : i32
      %parallel_loop3A_99 = arith.constant 16 : i32
      %parallel_loop3A_100 = arith.addi %parallel_loop3A_98, %parallel_loop3A_99 : i32
      %parallel_loop3A_101 = tpu.assume_multiple %parallel_loop3A_100, 16 : i32
      %parallel_loop3A_102 = arith.index_cast %parallel_loop3A_101 : i32 to index
      %parallel_loop3A_103 = tpu.vector_load %arg9[%parallel_loop3A_102] {strides = array<i32>} : memref<32768xf32, #tpu.memory_space<vmem>>, vector<16xf32>,
      %parallel_loop3A_104 = arith.constant -2.000000e+00 : f32
      %parallel_loop3A_105 = vector.broadcast %parallel_loop3A_104 : f32 to vector<16xf32>
      %parallel_loop3A_106 = arith.maximumf %parallel_loop3A_103, %parallel_loop3A_105 : vector<16xf32>
      %parallel_loop3A_107 = arith.constant 5.120000e+01 : f32
      %parallel_loop3A_108 = vector.broadcast %parallel_loop3A_107 : f32 to vector<16xf32>
      %parallel_loop3A_109 = arith.mulf %parallel_loop3A_106, %parallel_loop3A_108 : vector<16xf32>
      %parallel_loop3A_110 = arith.constant 0x4B000080 : f32
      %parallel_loop3A_111 = vector.broadcast %parallel_loop3A_110 : f32 to vector<16xf32>
      %parallel_loop3A_112 = arith.addf %parallel_loop3A_109, %parallel_loop3A_111 : vector<16xf32>
      %parallel_loop3A_113 = vector.bitcast %parallel_loop3A_112 : vector<16xf32> to vector<16xi32>
      %parallel_loop3A_114 = arith.constant 2047 : i32
      %parallel_loop3A_115 = vector.broadcast %parallel_loop3A_114 : i32 to vector<16xi32>
      %parallel_loop3A_116 = arith.andi %parallel_loop3A_113, %parallel_loop3A_115 : vector<16xi32>
      %parallel_loop3A_117 = tpu.vector_load_idx %arg6[%parallel_loop3A_116] : memref<2048xf32, #tpu.memory_space<vmem>>[vector<16xi32>], vector<16xf32>,
      %parallel_loop3A_118 = tpu.vector_load_idx %arg7[%parallel_loop3A_116] : memref<2048xf32, #tpu.memory_space<vmem>>[vector<16xi32>], vector<16xf32>,
      %parallel_loop3A_119 = arith.subf %parallel_loop3A_118, %parallel_loop3A_106 : vector<16xf32>
      %parallel_loop3A_120 = arith.subf %parallel_loop3A_106, %parallel_loop3A_117 : vector<16xf32>
      %parallel_loop3A_121 = arith.cmpf olt, %parallel_loop3A_119, %parallel_loop3A_120 : vector<16xf32>
      %parallel_loop3A_122 = arith.select %parallel_loop3A_121, %parallel_loop3A_118, %parallel_loop3A_117 : vector<16xi1>, vector<16xf32>
      %parallel_loop3A_123 = arith.index_cast %parallel_loop3A_101 : i32 to index
      %parallel_loop3A_124 = tpu.vector_load %arg9[%parallel_loop3A_123] {strides = array<i32>} : memref<32768xf32, #tpu.memory_space<vmem>>, vector<16xf32>,
      tpu.vector_store %arg9[%parallel_loop3A_123], %parallel_loop3A_122 {strides = array<i32>} : memref<32768xf32, #tpu.memory_space<vmem>>, vector<16xf32>,
    } {sc.loop_unroll_factor = 8 : i64, sc.parallel_access}
    %add3A_30 = arith.constant 425984 : i32
    %add3A_31 = arith.addi %mul3A_2, %add3A_30 : i32
    %dma_start3A_32 = tpu.memref_slice %arg5[%add3A_31] : memref<16777216xf32, #tpu.memory_space<hbm>> -> memref<32768xf32, #tpu.memory_space<hbm>>
    %dma_start3A_33 = tpu.memref_slice %arg5[%add3A_31] : memref<16777216xf32, #tpu.memory_space<hbm>> -> memref<32768xf32, #tpu.memory_space<hbm>>
    tpu.enqueue_dma source(%arg9 : memref<32768xf32, #tpu.memory_space<vmem>>) target(%dma_start3A_33 : memref<32768xf32, #tpu.memory_space<hbm>>) target_semaphore(%arg15 : memref<!tpu.dma_semaphore, #tpu.memory_space<semaphore_mem>>)
    %dma_wait3A_34 = tpu.memref_slice %arg5[%mul3A_2] : memref<16777216xf32, #tpu.memory_space<hbm>> -> memref<32768xf32, #tpu.memory_space<hbm>>
    %dma_wait3A_35 = tpu.memref_slice %arg5[%mul3A_2] : memref<16777216xf32, #tpu.memory_space<hbm>> -> memref<32768xf32, #tpu.memory_space<hbm>>
    tpu.wait_dma2 semaphore(%arg14 : memref<!tpu.dma_semaphore, #tpu.memory_space<semaphore_mem>>) src(%arg8 : memref<32768xf32, #tpu.memory_space<vmem>>) dst(%dma_wait3A_35 : memref<32768xf32, #tpu.memory_space<hbm>>)
    %add3A_36 = arith.constant 491520 : i32
    %add3A_37 = arith.addi %mul3A_2, %add3A_36 : i32
    %dma_start3A_38 = tpu.memref_slice %arg2[%add3A_37] : memref<16777216xf32, #tpu.memory_space<hbm>> -> memref<32768xf32, #tpu.memory_space<hbm>>
    %dma_start3A_39 = tpu.memref_slice %arg2[%add3A_37] : memref<16777216xf32, #tpu.memory_space<hbm>> -> memref<32768xf32, #tpu.memory_space<hbm>>
    tpu.enqueue_dma source(%dma_start3A_39 : memref<32768xf32, #tpu.memory_space<hbm>>) target(%arg8 : memref<32768xf32, #tpu.memory_space<vmem>>) target_semaphore(%arg11 : memref<!tpu.dma_semaphore, #tpu.memory_space<semaphore_mem>>)
    %dma_wait3A_40 = tpu.memref_slice %arg2[%mul3A_2] : memref<16777216xf32, #tpu.memory_space<hbm>> -> memref<32768xf32, #tpu.memory_space<hbm>>
    %dma_wait3A_41 = tpu.memref_slice %arg2[%mul3A_2] : memref<16777216xf32, #tpu.memory_space<hbm>> -> memref<32768xf32, #tpu.memory_space<hbm>>
    tpu.wait_dma2 semaphore(%arg13 : memref<!tpu.dma_semaphore, #tpu.memory_space<semaphore_mem>>) src(%dma_wait3A_41 : memref<32768xf32, #tpu.memory_space<hbm>>) dst(%arg10 : memref<32768xf32, #tpu.memory_space<vmem>>)
    %parallel_loop3A_42 = arith.constant 0 : i32
    %parallel_loop3A_43 = arith.constant 1024 : i32
    %parallel_loop3A_44 = arith.constant 1 : i32
    scf.for %parallel_loop3A_64 = %parallel_loop3A_42 to %parallel_loop3A_43 step %parallel_loop3A_44  : i32 {
      %parallel_loop3A_65 = arith.constant 2 : i32
      %parallel_loop3A_66 = arith.muli %parallel_loop3A_64, %parallel_loop3A_65 : i32
      %parallel_loop3A_67 = arith.constant 16 : i32
      %parallel_loop3A_68 = arith.muli %parallel_loop3A_66, %parallel_loop3A_67 : i32
      %parallel_loop3A_69 = arith.constant 0 : i32
      %parallel_loop3A_70 = arith.addi %parallel_loop3A_68, %parallel_loop3A_69 : i32
      %parallel_loop3A_71 = tpu.assume_multiple %parallel_loop3A_70, 16 : i32
      %parallel_loop3A_72 = arith.index_cast %parallel_loop3A_71 : i32 to index
      %parallel_loop3A_73 = tpu.vector_load %arg10[%parallel_loop3A_72] {strides = array<i32>} : memref<32768xf32, #tpu.memory_space<vmem>>, vector<16xf32>,
      %parallel_loop3A_74 = arith.constant -2.000000e+00 : f32
      %parallel_loop3A_75 = vector.broadcast %parallel_loop3A_74 : f32 to vector<16xf32>
      %parallel_loop3A_76 = arith.maximumf %parallel_loop3A_73, %parallel_loop3A_75 : vector<16xf32>
      %parallel_loop3A_77 = arith.constant 5.120000e+01 : f32
      %parallel_loop3A_78 = vector.broadcast %parallel_loop3A_77 : f32 to vector<16xf32>
      %parallel_loop3A_79 = arith.mulf %parallel_loop3A_76, %parallel_loop3A_78 : vector<16xf32>
      %parallel_loop3A_80 = arith.constant 0x4B000080 : f32
      %parallel_loop3A_81 = vector.broadcast %parallel_loop3A_80 : f32 to vector<16xf32>
      %parallel_loop3A_82 = arith.addf %parallel_loop3A_79, %parallel_loop3A_81 : vector<16xf32>
      %parallel_loop3A_83 = vector.bitcast %parallel_loop3A_82 : vector<16xf32> to vector<16xi32>
      %parallel_loop3A_84 = arith.constant 2047 : i32
      %parallel_loop3A_85 = vector.broadcast %parallel_loop3A_84 : i32 to vector<16xi32>
      %parallel_loop3A_86 = arith.andi %parallel_loop3A_83, %parallel_loop3A_85 : vector<16xi32>
      %parallel_loop3A_87 = tpu.vector_load_idx %arg6[%parallel_loop3A_86] : memref<2048xf32, #tpu.memory_space<vmem>>[vector<16xi32>], vector<16xf32>,
      %parallel_loop3A_88 = tpu.vector_load_idx %arg7[%parallel_loop3A_86] : memref<2048xf32, #tpu.memory_space<vmem>>[vector<16xi32>], vector<16xf32>,
      %parallel_loop3A_89 = arith.subf %parallel_loop3A_88, %parallel_loop3A_76 : vector<16xf32>
      %parallel_loop3A_90 = arith.subf %parallel_loop3A_76, %parallel_loop3A_87 : vector<16xf32>
      %parallel_loop3A_91 = arith.cmpf olt, %parallel_loop3A_89, %parallel_loop3A_90 : vector<16xf32>
      %parallel_loop3A_92 = arith.select %parallel_loop3A_91, %parallel_loop3A_88, %parallel_loop3A_87 : vector<16xi1>, vector<16xf32>
      %parallel_loop3A_93 = arith.index_cast %parallel_loop3A_71 : i32 to index
      %parallel_loop3A_94 = tpu.vector_load %arg10[%parallel_loop3A_93] {strides = array<i32>} : memref<32768xf32, #tpu.memory_space<vmem>>, vector<16xf32>,
      tpu.vector_store %arg10[%parallel_loop3A_93], %parallel_loop3A_92 {strides = array<i32>} : memref<32768xf32, #tpu.memory_space<vmem>>, vector<16xf32>,
      %parallel_loop3A_95 = arith.constant 2 : i32
      %parallel_loop3A_96 = arith.muli %parallel_loop3A_64, %parallel_loop3A_95 : i32
      %parallel_loop3A_97 = arith.constant 16 : i32
      %parallel_loop3A_98 = arith.muli %parallel_loop3A_96, %parallel_loop3A_97 : i32
      %parallel_loop3A_99 = arith.constant 16 : i32
      %parallel_loop3A_100 = arith.addi %parallel_loop3A_98, %parallel_loop3A_99 : i32
      %parallel_loop3A_101 = tpu.assume_multiple %parallel_loop3A_100, 16 : i32
      %parallel_loop3A_102 = arith.index_cast %parallel_loop3A_101 : i32 to index
      %parallel_loop3A_103 = tpu.vector_load %arg10[%parallel_loop3A_102] {strides = array<i32>} : memref<32768xf32, #tpu.memory_space<vmem>>, vector<16xf32>,
      %parallel_loop3A_104 = arith.constant -2.000000e+00 : f32
      %parallel_loop3A_105 = vector.broadcast %parallel_loop3A_104 : f32 to vector<16xf32>
      %parallel_loop3A_106 = arith.maximumf %parallel_loop3A_103, %parallel_loop3A_105 : vector<16xf32>
      %parallel_loop3A_107 = arith.constant 5.120000e+01 : f32
      %parallel_loop3A_108 = vector.broadcast %parallel_loop3A_107 : f32 to vector<16xf32>
      %parallel_loop3A_109 = arith.mulf %parallel_loop3A_106, %parallel_loop3A_108 : vector<16xf32>
      %parallel_loop3A_110 = arith.constant 0x4B000080 : f32
      %parallel_loop3A_111 = vector.broadcast %parallel_loop3A_110 : f32 to vector<16xf32>
      %parallel_loop3A_112 = arith.addf %parallel_loop3A_109, %parallel_loop3A_111 : vector<16xf32>
      %parallel_loop3A_113 = vector.bitcast %parallel_loop3A_112 : vector<16xf32> to vector<16xi32>
      %parallel_loop3A_114 = arith.constant 2047 : i32
      %parallel_loop3A_115 = vector.broadcast %parallel_loop3A_114 : i32 to vector<16xi32>
      %parallel_loop3A_116 = arith.andi %parallel_loop3A_113, %parallel_loop3A_115 : vector<16xi32>
      %parallel_loop3A_117 = tpu.vector_load_idx %arg6[%parallel_loop3A_116] : memref<2048xf32, #tpu.memory_space<vmem>>[vector<16xi32>], vector<16xf32>,
      %parallel_loop3A_118 = tpu.vector_load_idx %arg7[%parallel_loop3A_116] : memref<2048xf32, #tpu.memory_space<vmem>>[vector<16xi32>], vector<16xf32>,
      %parallel_loop3A_119 = arith.subf %parallel_loop3A_118, %parallel_loop3A_106 : vector<16xf32>
      %parallel_loop3A_120 = arith.subf %parallel_loop3A_106, %parallel_loop3A_117 : vector<16xf32>
      %parallel_loop3A_121 = arith.cmpf olt, %parallel_loop3A_119, %parallel_loop3A_120 : vector<16xf32>
      %parallel_loop3A_122 = arith.select %parallel_loop3A_121, %parallel_loop3A_118, %parallel_loop3A_117 : vector<16xi1>, vector<16xf32>
      %parallel_loop3A_123 = arith.index_cast %parallel_loop3A_101 : i32 to index
      %parallel_loop3A_124 = tpu.vector_load %arg10[%parallel_loop3A_123] {strides = array<i32>} : memref<32768xf32, #tpu.memory_space<vmem>>, vector<16xf32>,
      tpu.vector_store %arg10[%parallel_loop3A_123], %parallel_loop3A_122 {strides = array<i32>} : memref<32768xf32, #tpu.memory_space<vmem>>, vector<16xf32>,
    } {sc.loop_unroll_factor = 8 : i64, sc.parallel_access}
    %add3A_45 = arith.constant 458752 : i32
    %add3A_46 = arith.addi %mul3A_2, %add3A_45 : i32
    %dma_start3A_47 = tpu.memref_slice %arg5[%add3A_46] : memref<16777216xf32, #tpu.memory_space<hbm>> -> memref<32768xf32, #tpu.memory_space<hbm>>
    %dma_start3A_48 = tpu.memref_slice %arg5[%add3A_46] : memref<16777216xf32, #tpu.memory_space<hbm>> -> memref<32768xf32, #tpu.memory_space<hbm>>
    tpu.enqueue_dma source(%arg10 : memref<32768xf32, #tpu.memory_space<vmem>>) target(%dma_start3A_48 : memref<32768xf32, #tpu.memory_space<hbm>>) target_semaphore(%arg16 : memref<!tpu.dma_semaphore, #tpu.memory_space<semaphore_mem>>)
    %dma_wait3A_49 = tpu.memref_slice %arg5[%mul3A_2] : memref<16777216xf32, #tpu.memory_space<hbm>> -> memref<32768xf32, #tpu.memory_space<hbm>>
    %dma_wait3A_50 = tpu.memref_slice %arg5[%mul3A_2] : memref<16777216xf32, #tpu.memory_space<hbm>> -> memref<32768xf32, #tpu.memory_space<hbm>>
    tpu.wait_dma2 semaphore(%arg15 : memref<!tpu.dma_semaphore, #tpu.memory_space<semaphore_mem>>) src(%arg9 : memref<32768xf32, #tpu.memory_space<vmem>>) dst(%dma_wait3A_50 : memref<32768xf32, #tpu.memory_space<hbm>>)
    %dma_wait3A_51 = tpu.memref_slice %arg2[%mul3A_2] : memref<16777216xf32, #tpu.memory_space<hbm>> -> memref<32768xf32, #tpu.memory_space<hbm>>
    %dma_wait3A_52 = tpu.memref_slice %arg2[%mul3A_2] : memref<16777216xf32, #tpu.memory_space<hbm>> -> memref<32768xf32, #tpu.memory_space<hbm>>
    tpu.wait_dma2 semaphore(%arg11 : memref<!tpu.dma_semaphore, #tpu.memory_space<semaphore_mem>>) src(%dma_wait3A_52 : memref<32768xf32, #tpu.memory_space<hbm>>) dst(%arg8 : memref<32768xf32, #tpu.memory_space<vmem>>)
    %parallel_loop3A_53 = arith.constant 0 : i32
    %parallel_loop3A_54 = arith.constant 1024 : i32
    %parallel_loop3A_55 = arith.constant 1 : i32
    scf.for %parallel_loop3A_64 = %parallel_loop3A_53 to %parallel_loop3A_54 step %parallel_loop3A_55  : i32 {
      %parallel_loop3A_65 = arith.constant 2 : i32
      %parallel_loop3A_66 = arith.muli %parallel_loop3A_64, %parallel_loop3A_65 : i32
      %parallel_loop3A_67 = arith.constant 16 : i32
      %parallel_loop3A_68 = arith.muli %parallel_loop3A_66, %parallel_loop3A_67 : i32
      %parallel_loop3A_69 = arith.constant 0 : i32
      %parallel_loop3A_70 = arith.addi %parallel_loop3A_68, %parallel_loop3A_69 : i32
      %parallel_loop3A_71 = tpu.assume_multiple %parallel_loop3A_70, 16 : i32
      %parallel_loop3A_72 = arith.index_cast %parallel_loop3A_71 : i32 to index
      %parallel_loop3A_73 = tpu.vector_load %arg8[%parallel_loop3A_72] {strides = array<i32>} : memref<32768xf32, #tpu.memory_space<vmem>>, vector<16xf32>,
      %parallel_loop3A_74 = arith.constant -2.000000e+00 : f32
      %parallel_loop3A_75 = vector.broadcast %parallel_loop3A_74 : f32 to vector<16xf32>
      %parallel_loop3A_76 = arith.maximumf %parallel_loop3A_73, %parallel_loop3A_75 : vector<16xf32>
      %parallel_loop3A_77 = arith.constant 5.120000e+01 : f32
      %parallel_loop3A_78 = vector.broadcast %parallel_loop3A_77 : f32 to vector<16xf32>
      %parallel_loop3A_79 = arith.mulf %parallel_loop3A_76, %parallel_loop3A_78 : vector<16xf32>
      %parallel_loop3A_80 = arith.constant 0x4B000080 : f32
      %parallel_loop3A_81 = vector.broadcast %parallel_loop3A_80 : f32 to vector<16xf32>
      %parallel_loop3A_82 = arith.addf %parallel_loop3A_79, %parallel_loop3A_81 : vector<16xf32>
      %parallel_loop3A_83 = vector.bitcast %parallel_loop3A_82 : vector<16xf32> to vector<16xi32>
      %parallel_loop3A_84 = arith.constant 2047 : i32
      %parallel_loop3A_85 = vector.broadcast %parallel_loop3A_84 : i32 to vector<16xi32>
      %parallel_loop3A_86 = arith.andi %parallel_loop3A_83, %parallel_loop3A_85 : vector<16xi32>
      %parallel_loop3A_87 = tpu.vector_load_idx %arg6[%parallel_loop3A_86] : memref<2048xf32, #tpu.memory_space<vmem>>[vector<16xi32>], vector<16xf32>,
      %parallel_loop3A_88 = tpu.vector_load_idx %arg7[%parallel_loop3A_86] : memref<2048xf32, #tpu.memory_space<vmem>>[vector<16xi32>], vector<16xf32>,
      %parallel_loop3A_89 = arith.subf %parallel_loop3A_88, %parallel_loop3A_76 : vector<16xf32>
      %parallel_loop3A_90 = arith.subf %parallel_loop3A_76, %parallel_loop3A_87 : vector<16xf32>
      %parallel_loop3A_91 = arith.cmpf olt, %parallel_loop3A_89, %parallel_loop3A_90 : vector<16xf32>
      %parallel_loop3A_92 = arith.select %parallel_loop3A_91, %parallel_loop3A_88, %parallel_loop3A_87 : vector<16xi1>, vector<16xf32>
      %parallel_loop3A_93 = arith.index_cast %parallel_loop3A_71 : i32 to index
      %parallel_loop3A_94 = tpu.vector_load %arg8[%parallel_loop3A_93] {strides = array<i32>} : memref<32768xf32, #tpu.memory_space<vmem>>, vector<16xf32>,
      tpu.vector_store %arg8[%parallel_loop3A_93], %parallel_loop3A_92 {strides = array<i32>} : memref<32768xf32, #tpu.memory_space<vmem>>, vector<16xf32>,
      %parallel_loop3A_95 = arith.constant 2 : i32
      %parallel_loop3A_96 = arith.muli %parallel_loop3A_64, %parallel_loop3A_95 : i32
      %parallel_loop3A_97 = arith.constant 16 : i32
      %parallel_loop3A_98 = arith.muli %parallel_loop3A_96, %parallel_loop3A_97 : i32
      %parallel_loop3A_99 = arith.constant 16 : i32
      %parallel_loop3A_100 = arith.addi %parallel_loop3A_98, %parallel_loop3A_99 : i32
      %parallel_loop3A_101 = tpu.assume_multiple %parallel_loop3A_100, 16 : i32
      %parallel_loop3A_102 = arith.index_cast %parallel_loop3A_101 : i32 to index
      %parallel_loop3A_103 = tpu.vector_load %arg8[%parallel_loop3A_102] {strides = array<i32>} : memref<32768xf32, #tpu.memory_space<vmem>>, vector<16xf32>,
      %parallel_loop3A_104 = arith.constant -2.000000e+00 : f32
      %parallel_loop3A_105 = vector.broadcast %parallel_loop3A_104 : f32 to vector<16xf32>
      %parallel_loop3A_106 = arith.maximumf %parallel_loop3A_103, %parallel_loop3A_105 : vector<16xf32>
      %parallel_loop3A_107 = arith.constant 5.120000e+01 : f32
      %parallel_loop3A_108 = vector.broadcast %parallel_loop3A_107 : f32 to vector<16xf32>
      %parallel_loop3A_109 = arith.mulf %parallel_loop3A_106, %parallel_loop3A_108 : vector<16xf32>
      %parallel_loop3A_110 = arith.constant 0x4B000080 : f32
      %parallel_loop3A_111 = vector.broadcast %parallel_loop3A_110 : f32 to vector<16xf32>
      %parallel_loop3A_112 = arith.addf %parallel_loop3A_109, %parallel_loop3A_111 : vector<16xf32>
      %parallel_loop3A_113 = vector.bitcast %parallel_loop3A_112 : vector<16xf32> to vector<16xi32>
      %parallel_loop3A_114 = arith.constant 2047 : i32
      %parallel_loop3A_115 = vector.broadcast %parallel_loop3A_114 : i32 to vector<16xi32>
      %parallel_loop3A_116 = arith.andi %parallel_loop3A_113, %parallel_loop3A_115 : vector<16xi32>
      %parallel_loop3A_117 = tpu.vector_load_idx %arg6[%parallel_loop3A_116] : memref<2048xf32, #tpu.memory_space<vmem>>[vector<16xi32>], vector<16xf32>,
      %parallel_loop3A_118 = tpu.vector_load_idx %arg7[%parallel_loop3A_116] : memref<2048xf32, #tpu.memory_space<vmem>>[vector<16xi32>], vector<16xf32>,
      %parallel_loop3A_119 = arith.subf %parallel_loop3A_118, %parallel_loop3A_106 : vector<16xf32>
      %parallel_loop3A_120 = arith.subf %parallel_loop3A_106, %parallel_loop3A_117 : vector<16xf32>
      %parallel_loop3A_121 = arith.cmpf olt, %parallel_loop3A_119, %parallel_loop3A_120 : vector<16xf32>
      %parallel_loop3A_122 = arith.select %parallel_loop3A_121, %parallel_loop3A_118, %parallel_loop3A_117 : vector<16xi1>, vector<16xf32>
      %parallel_loop3A_123 = arith.index_cast %parallel_loop3A_101 : i32 to index
      %parallel_loop3A_124 = tpu.vector_load %arg8[%parallel_loop3A_123] {strides = array<i32>} : memref<32768xf32, #tpu.memory_space<vmem>>, vector<16xf32>,
      tpu.vector_store %arg8[%parallel_loop3A_123], %parallel_loop3A_122 {strides = array<i32>} : memref<32768xf32, #tpu.memory_space<vmem>>, vector<16xf32>,
    } {sc.loop_unroll_factor = 8 : i64, sc.parallel_access}
    %add3A_56 = arith.constant 491520 : i32
    %add3A_57 = arith.addi %mul3A_2, %add3A_56 : i32
    %dma_start3A_58 = tpu.memref_slice %arg5[%add3A_57] : memref<16777216xf32, #tpu.memory_space<hbm>> -> memref<32768xf32, #tpu.memory_space<hbm>>
    %dma_start3A_59 = tpu.memref_slice %arg5[%add3A_57] : memref<16777216xf32, #tpu.memory_space<hbm>> -> memref<32768xf32, #tpu.memory_space<hbm>>
    tpu.enqueue_dma source(%arg8 : memref<32768xf32, #tpu.memory_space<vmem>>) target(%dma_start3A_59 : memref<32768xf32, #tpu.memory_space<hbm>>) target_semaphore(%arg14 : memref<!tpu.dma_semaphore, #tpu.memory_space<semaphore_mem>>)
    %dma_wait3A_60 = tpu.memref_slice %arg5[%mul3A_2] : memref<16777216xf32, #tpu.memory_space<hbm>> -> memref<32768xf32, #tpu.memory_space<hbm>>
    %dma_wait3A_61 = tpu.memref_slice %arg5[%mul3A_2] : memref<16777216xf32, #tpu.memory_space<hbm>> -> memref<32768xf32, #tpu.memory_space<hbm>>
    tpu.wait_dma2 semaphore(%arg16 : memref<!tpu.dma_semaphore, #tpu.memory_space<semaphore_mem>>) src(%arg10 : memref<32768xf32, #tpu.memory_space<vmem>>) dst(%dma_wait3A_61 : memref<32768xf32, #tpu.memory_space<hbm>>)
    %dma_wait3A_62 = tpu.memref_slice %arg5[%mul3A_2] : memref<16777216xf32, #tpu.memory_space<hbm>> -> memref<32768xf32, #tpu.memory_space<hbm>>
    %dma_wait3A_63 = tpu.memref_slice %arg5[%mul3A_2] : memref<16777216xf32, #tpu.memory_space<hbm>> -> memref<32768xf32, #tpu.memory_space<hbm>>
    tpu.wait_dma2 semaphore(%arg14 : memref<!tpu.dma_semaphore, #tpu.memory_space<semaphore_mem>>) src(%arg8 : memref<32768xf32, #tpu.memory_space<vmem>>) dst(%dma_wait3A_63 : memref<32768xf32, #tpu.memory_space<hbm>>)
    return
  }
}

</mosaic_0001>

<sc_bundles>
// kernel: kernel.3.cloned.1.call-start
scs
__scs_entry_jumppad:
0x0: {  	(pc) =	sbr.rel $0x88, $3  }
0x1: {  	(tag) =	ssettag $0x0;
	lr =	simm.s32 $0x1  }
0x2: {  	[smem:$0x3F9F] =	sst lr;
	_ =	strace $0xD0000000  }
0x3: {  	_ = 	snop  }
0x4: {  	_ = 	snop  }
0x5: {  	_ = 	snop  }
0x6: {  	_ = 	snop  }
0x7: {  	_ = 	snop  }
__scs_overlays_trampoline_lowered:
0x8: {  	[smem:$0x3FAE] =	sst s0  }
0x9: {  	[smem:$0x3FAF] =	sst s1  }
0xa: {  	[smem:$0x3FB0] =	sst s2  }
0xb: {  	[smem:$0x3FB1] =	sst s3  }
0xc: {  	[smem:$0x3FB2] =	sst s4  }
0xd: {  	[smem:$0x3FB3] =	sst s5  }
0xe: {  	[smem:$0x3FB4] =	sst s6  }
0xf: {  	[smem:$0x3FB5] =	sst s7  }
0x10: {  	[smem:$0x3FB6] =	sst s8  }
0x11: {  	[smem:$0x3FB7] =	sst s9;
	s0 =	simm.s32 @!p0 $0x0  }
0x12: {  	s1 =	sld [smem:$0x3F9D];
	s0 =	simm.s32 @p0 $0x1  }
0x13: {  	[smem:$0x3FB8] =	sst s0;
	s0 =	simm.s32 @!p1 $0x0  }
0x14: {  	s2 =	sld [smem:$0x3F9C];
	s0 =	simm.s32 @p1 $0x1  }
0x15: {  	[smem:$0x3FB9] =	sst s0;
	s0 =	simm.s32 @!p2 $0x0  }
0x16: {  	s3 =	sld [smem:$0x3FDB];
	s0 =	simm.s32 @p2 $0x1  }
0x17: {  	s4 =	simm.s32 $0x1BF5;
	[smem:$0x3FBB] =	sst s0  }
0x18: {  	s0 =	sld [smem:$0x3F9E];
	_ =	swait.ge [sflag:s4], $0x0  }
0x19: {  	s7 =	sld [smem:$0x3F9F]  }
0x1a: {  	s8 =	sadd.s32 $0xFFFFE003, lr  }
0x1b: {  	s9 =	sadd.s32 $0xFFFFFEF7, lr;
	s5 =	simm.s32 $0xFFFFFFFF;
	p2 =	slt.u32 s8, $0xFFFFF086  }
0x1c: {  	p1 =	slt.u32 s9, $0xF7A;
	s5 =	simm.s32 @!p2 $0x0  }
0x1d: {  	s5 =	simm.s32 @p1 $0x1;
	p0 =	seq.s32 s7, s2  }
0x1e: {  	s7 =	smul.u32 @!p0 $0xF7A, s2;
	p2 =	seq.s32 @!p0 s5, $0x0  }
0x1f: {  	s9 =	smul.u32 $0xF7A, s1;
	s8 =	simm.s32 @!p0 $0x1BF5;
	p2 =	por !p2, p0  }
0x20: {  	[sflag:s8] =	ssyncset.s32 @!p0 $0xFFFFF086;
	s6 =	sadd.s32 @!p0 s3, s7;
	s7 =	simm.s32 @!p0 $0x108  }
0x21: {  	s3 =	sadd.s32 s3, s9;
	s6 =	sadd.s32 @!p0 $0x88, s6;
	s7 =	simm.s32 @p2 $0x1082  }
0x22: {  	[simem:s7], [sflag:s8] =	dma.local @!p0 [hbm:s6], $0xF7A  }
0x23: {  	s9 =	sor.u32 $0xD0000000, s2;
	s6 =	simm.s32 $0x108;
	_ =	swait.ge @!p0 [sflag:s8], $0x0  }
0x24: {  	s3 =	sadd.s32 $0x88, s3;
	s6 =	simm.s32 @!p1 $0x1082;
	[sflag:s4] =	ssyncset.s32 $0xFFFFF086  }
0x25: {  	[simem:s6], [sflag:s4] =	dma.local [hbm:s3], $0xF7A  }
0x26: {  	[smem:$0x3F9F] =	sst s1;
	(tag) =	ssettag s2;
	_ =	strace s9  }
0x27: {  	s1 =	sld [smem:$0x3FAF]  }
0x28: {  	s2 =	sld [smem:$0x3FB0]  }
0x29: {  	s4 =	sld [smem:$0x3FB2]  }
0x2a: {  	p0 =	seq.s32 s5, $0x0;
	s5 =	sld [smem:$0x3FB3]  }
0x2b: {  	s6 =	sld [smem:$0x3FB4]  }
0x2c: {  	s7 =	sld [smem:$0x3FB5]  }
0x2d: {  	s3 =	simm.s32 $0x108;
	s8 =	sld [smem:$0x3FB6]  }
0x2e: {  	s3 =	simm.s32 @!p0 $0x1082;
	s9 =	sld [smem:$0x3FB7]  }
0x2f: {  	lr =	sadd.s32 s0, s3;
	s0 =	sld [smem:$0x3FAE]  }
0x30: {  	s3 =	sld [smem:$0x3FB1]  }
0x31: {  	[smem:$0x3FBA] =	sst s10  }
0x32: {  	s10 =	sld [smem:$0x3FB8];
	_ =	sdelay $0x3  }
0x33: {  	p0 =	seq.s32 s10, $0x1;
	s10 =	sld [smem:$0x3FBA];
	_ =	sdelay $0x3  }
0x34: {  	[smem:$0x3FBA] =	sst s10  }
0x35: {  	s10 =	sld [smem:$0x3FB9];
	_ =	sdelay $0x3  }
0x36: {  	p1 =	seq.s32 s10, $0x1;
	s10 =	sld [smem:$0x3FBA];
	_ =	sdelay $0x3  }
0x37: {  	[smem:$0x3FBA] =	sst s10  }
0x38: {  	s10 =	sld [smem:$0x3FBB]  }
0x39: {  	_ = 	snop;
	(pc) =	sbr.ind lr, $3  }
0x3a: {  	_ = 	snop  }
0x3b: {  	_ = 	snop  }
0x3c: {  	p2 =	seq.s32 s10, $0x1;
	s10 =	sld [smem:$0x3FBA]  }
0x3d: {  	_ =	shalt  }
0x3e: {  	_ =	shalt  }
0x3f: {  	_ =	shalt  }
0x40: {  	_ =	shalt  }
0x41: {  	_ =	shalt  }
0x42: {  	_ =	shalt  }
0x43: {  	_ =	shalt  }
0x44: {  	_ =	shalt  }
0x45: {  	_ =	shalt  }
0x46: {  	_ =	shalt  }
0x47: {  	_ =	shalt  }
0x48: {  	_ =	shalt  }
0x49: {  	_ =	shalt  }
0x4a: {  	_ =	shalt  }
0x4b: {  	_ =	shalt  }
0x4c: {  	_ =	shalt  }
0x4d: {  	_ =	shalt  }
0x4e: {  	_ =	shalt  }
0x4f: {  	_ =	shalt  }
0x50: {  	_ =	shalt  }
0x51: {  	_ =	shalt  }
0x52: {  	_ =	shalt  }
0x53: {  	_ =	shalt  }
0x54: {  	_ =	shalt  }
0x55: {  	_ =	shalt  }
0x56: {  	_ =	shalt  }
0x57: {  	_ =	shalt  }
0x58: {  	_ =	shalt  }
0x59: {  	_ =	shalt  }
0x5a: {  	_ =	shalt  }
0x5b: {  	_ =	shalt  }
0x5c: {  	_ =	shalt  }
0x5d: {  	_ =	shalt  }
0x5e: {  	_ =	shalt  }
0x5f: {  	_ =	shalt  }
0x60: {  	_ =	shalt  }
0x61: {  	_ =	shalt  }
0x62: {  	_ =	shalt  }
0x63: {  	_ =	shalt  }
0x64: {  	_ =	shalt  }
0x65: {  	_ =	shalt  }
0x66: {  	_ =	shalt  }
0x67: {  	_ =	shalt  }
0x68: {  	_ =	shalt  }
0x69: {  	_ =	shalt  }
0x6a: {  	_ =	shalt  }
0x6b: {  	_ =	shalt  }
0x6c: {  	_ =	shalt  }
0x6d: {  	_ =	shalt  }
0x6e: {  	_ =	shalt  }
0x6f: {  	_ =	shalt  }
0x70: {  	_ =	shalt  }
0x71: {  	_ =	shalt  }
0x72: {  	_ =	shalt  }
0x73: {  	_ =	shalt  }
0x74: {  	_ =	shalt  }
0x75: {  	_ =	shalt  }
0x76: {  	_ =	shalt  }
0x77: {  	_ =	shalt  }
0x78: {  	_ =	shalt  }
0x79: {  	_ =	shalt  }
0x7a: {  	_ =	shalt  }
0x7b: {  	_ =	shalt  }
0x7c: {  	_ =	shalt  }
0x7d: {  	_ =	shalt  }
0x7e: {  	_ =	shalt  }
0x7f: {  	_ =	shalt  }
0x80: {  	_ =	shalt  }
0x81: {  	_ =	shalt  }
0x82: {  	_ =	shalt  }
0x83: {  	_ =	shalt  }
0x84: {  	_ =	shalt  }
0x85: {  	_ =	shalt  }
0x86: {  	_ =	shalt  }
0x87: {  	_ =	shalt  }
.Lfunc_end0:
.L_simem_size_0:
called_computation_lowered:
.L_overlay_start_0:
0x88: {  	s2 =	sld [smem:$0x3FD9]  }
0x89: {  	s3 =	sld [smem:$0x3FFE];
	_ =	sdelay $0x1  }
0x8a: {  	s1 =	srdreg.scid  }
0x8b: {  	s0 =	sand.u32 $0x1, s1  }
0x8c: {  	s17 =	sshll.u32 s0, $0xA;
	s2 =	sadd.s32 s3, s2  }
0x8d: {  	s2 =	sadd.s32 s2, s17  }
0x8e: {  	[smem:$0x3FC6] =	sst s2  }
0x8f: {  	_ = 	snop  }
0x90: {  	s2 =	sld [smem:$0x3FC9]  }
0x91: {  	s18 =	sld [smem:$0x3FD0];
	(tm) =	ssettm $0x1  }
0x92: {  	s4 =	sld [smem:$0x3FFB];
	_ =	sdelay $0x3  }
0x93: {  	_ =	strace s4  }
0x94: {  	s4 =	sld [smem:$0x3FFC];
	_ =	sdelay $0x3  }
0x95: {  	_ =	strace s4  }
0x96: {  	s4 =	sld [smem:$0x3FFD];
	_ =	sdelay $0x3  }
0x97: {  	_ =	strace s4  }
0x98: {  	_ =	strace $0x8FFFFFFF  }
0x99: {  	s19 =	sld [smem:$0x3FDB];
	_ =	sdelay $0x1  }
0x9a: {  	s5 =	simm.s32 $_scs_section_size  }
0x9b: {  	s6 =	simm.s32 $_size__tile_overlayer_lowered;
	s7 =	simm.s32 $_tile_overlayer_lowered  }
0x9c: {  	s22 =	simm.s32 $0x1BFF;
	s21 =	sshll.u32 s7, $0x1;
	s4 =	sadd.s32 s5, s19  }
0x9d: {  	s8 =	simm.s32 $0x0;
	s20 =	sshll.u32 s6, $0x1;
	s6 =	sadd.s32 s21, s4  }
0x9e: {  	[timem:s8], [sflag:s22] =	dma.local [hbm:s6], s20  }
0x9f: {  	_ =	swait.ge [sflag:s22], s20  }
0xa0: {  	s5 =	ssub.s32 $0x0, s20;
	[sflag:s22] =	ssyncset.done $0x0  }
0xa1: {  	[sflag:s22] =	ssyncadd.s32 s5;
	_ =	sdelay $0x1  }
0xa2: {  	s23 =	simm.s32 $0x1B8B  }
0xa3: {  	_ =	swait.ge [sflag:s23], $0x1  }
0xa4: {  	[sflag:s23] =	ssyncset.done $0x0  }
0xa5: {  	s25 =	simm.s32 $0x1B8E;
	s24 =	sld [smem:$0x3FFE];
	[sflag:s23] =	ssyncadd.s32 $0xFFFFFFFF  }
0xa6: {  	s26 =	simm.s32 $execute0_lowered;
	[smem:$0x3FD2] =	sst s25  }
0xa7: {  	s6 =	sshll.u32 s26, $0x1;
	_ =	strace $0x80000046;
	[dreg:$0x1] =	wrdreg $0xFFFFFFFF  }
0xa8: {  	s28 =	simm.s32 $_size_execute0_lowered;
	s4 =	sadd.s32 s4, s6;
	[dreg:$0x0] =	wrdreg $0x0  }
0xa9: {  	s6 =	sshll.u32 s28, $0x1;
	[dreg:$0x2] =	wrdreg s4  }
0xaa: {  	[dreg:$0x3] =	wrdreg s6  }
0xab: {  	[dreg:$0x4] =	wrdreg $0xC0  }
0xac: {  	_ =	task [dreg:s8], $0x5FFFF  }
0xad: {  	[dreg:$0x1] =	wrdreg $0xFFFFFFFF  }
0xae: {  	[dreg:$0x0] =	wrdreg $0x60  }
0xaf: {  	[dreg:$0x2] =	wrdreg s2  }
0xb0: {  	[dreg:$0x3] =	wrdreg s24  }
0xb1: {  	[dreg:$0x4] =	wrdreg s18  }
0xb2: {  	[dreg:$0x5] =	wrdreg $0x9  }
0xb3: {  	_ =	task.clear_ibuf [dreg:s8], $0x6FFFF;
	_ =	strace $0x90000046  }
0xb4: {  	s29 =	simm.s32 $0x9;
	_ =	strace $0x80000048  }
0xb5: {  	_ =	swait.ge [sflag:s29], $0x1  }
0xb6: {  	[sflag:s29] =	ssyncadd.s32 $0xFFFFFFFF  }
0xb7: {  	_ =	strace $0x90000048  }
0xb8: {  	_ =	sfence  }
0xb9: {  	s30 =	sld [smem:$0x0];
	_ =	sdelay $0x2  }
0xba: {  	s31 =	sshll.u32 s1, $0xD;
	s1 =	sshrl.u32 s1, $0x2  }
0xbb: {  	s3 =	sand.u32 $0x4000, s31;
	s1 =	sadd.s32 s1, s30  }
0xbc: {  	s0 =	sor.u32 s3, s0;
	s1 =	sshll.u32 s1, $0x11  }
0xbd: {  	s0 =	sor.u32 s1, s0  }
0xbe: {  	s0 =	sadd.s32 $0x8F2B, s0  }
0xbf: {  	[sflag:s0] =	ssyncadd.remote.s32 $0x1  }
0xc0: {  	_ =	sfence.sel $0xFFFF  }
0xc1: {  	[dreg:$0x0] =	wrdreg $0xFFFFFFFF;
	(pc) =	sbr.abs _section_cstart, $3  }
0xc2: {  	[dreg:$0x1] =	wrdreg $0xFFFFFFFF  }
0xc3: {  	_ =	task.clear_ibuf [dreg:s8], $0x2FFFF;
	_ =	strace $0x9FFFFFFF  }
0xc4: {  	(tm) =	ssettm $0x7FFFFFFF  }
0xc5: {  	_ =	shalt  }
tec
execute0_lowered:
.L_overlay_start_1:
0x0: {  	(tag) =	ssettag $0x1  }
0x1: {  	s1 =	rddreg [dreg:$0x0]  }
0x2: {  	s0 =	rddreg [dreg:$0x1]  }
0x3: {  	s3 =	rddreg [dreg:$0x2]  }
0x4: {  	s2 =	srdreg.scid;
	s4 =	simm.s32 $0x0;
	s5 =	stileid.u32  }
0x5: {  	s28 =	simm.s32 $0x2;
	s29 =	simm.s32 $0x4;
	s30 =	simm.s32 $0x3  }
0x6: {  	s31 =	simm.s32 $0x5;
	s2 =	sand.u32 $0x1, s2;
	[smem:$0x7FF] =	sst s4  }
0x7: {  	s5 =	sshll.u32 s5, $0x14;
	s19 =	sadd.s32 $0x400, s0;
	s0 =	sadd.s32 $0x600, s0  }
0x8: {  	s6 =	sshll.u32 s2, $0x13;
	_ =	strace $0x80000047;
	s2 =	ssub.s32 $0x2, s2  }
0x9: {  	[dreg:$0x4] =	wrdreg s19;
	s5 =	sor.u32 s6, s5;
	s21 =	sshrl.u32 s2, $0x1  }
0xa: {  	[dreg:$0x5] =	wrdreg s0;
	s20 =	sshrl.u32 s5, $0x3;
	s0 =	ssub.s32 s2, s21  }
0xb: {  	s11 =	sor.u32 $0x8000, s5;
	s12 =	sor.u32 $0x18000, s5;
	s13 =	sor.u32 $0x10000, s5  }
0xc: {  	s14 =	sor.u32 $0x20000, s5;
	s15 =	sor.u32 $0x28000, s5;
	s21 =	simm.s32 $0x7  }
0xd: {  	s2 =	simm.s32 $0x0;
	s7 =	sadd.s32 s1, s20;
	s10 =	sadd.s32 s3, s20  }
0xe: {  	s24 =	sor.u32 $0xF000, s20;
	s20 =	smax.u32 s0, $0x1;
	s22 =	sadd.s32 $0x1000, s7  }
0xf: {  	s0 =	simm.s32 $0x6;
	s23 =	sadd.s32 $0x2000, s7;
	[dreg:$0x6] =	wrdreg s22  }
0x10: {  	s25 =	sadd.s32 $0xD000, s10;
	s26 =	sadd.s32 s1, s24;
	[dreg:$0x7] =	wrdreg s23  }
0x11: {  	s18 =	sadd.s32 $0xE000, s10;
	s19 =	sadd.s32 s3, s24;
	[dreg:$0x8] =	wrdreg s25  }
0x12: {  	s24 =	simm.s32 $0x9000;
	[dreg:$0x9] =	wrdreg s26;
	s22 =	simm.s32 $0x800  }
0x13: {  	s23 =	simm.s32 $0x1000;
	s25 =	simm.s32 $0x11000;
	s26 =	simm.s32 $0x1  }
.LBB2_1:
0x14: {  	s5 =	rddreg [dreg:$0x4]  }
0x15: {  	[tilespmem:s4], [sflag:$0x7] =	stream.linear.gather [hbm4b:s5+s4], $0x800, $0x38;
	[tilespmem:$0x19000] =	vst v63  }
0x16: {  	_ =	swait.ge [sflag:s21], $0x800  }
0x17: {  	[sflag:s21] =	ssyncset.done $0x0  }
0x18: {  	s9 =	rddreg [dreg:$0x5];
	[sflag:s21] =	ssyncadd.s32 $0xFFFFF800  }
0x19: {  	[tilespmem:s22], [sflag:$0x7] =	stream.linear.gather [hbm4b:s9+s4], $0x800, $0x38;
	[tilespmem:$0x19000] =	vst v63  }
0x1a: {  	_ =	swait.ge [sflag:s21], $0x800  }
0x1b: {  	[sflag:s21] =	ssyncset.done $0x0  }
0x1c: {  	[sflag:s21] =	ssyncadd.s32 $0xFFFFF800  }
0x1d: {  	[tilespmem:s23], [sflag:$0x1] =	stream.linear.gather [hbm4b:s7+s4], $0x8000, $0x38;
	[tilespmem:$0x19000] =	vst v63  }
0x1e: {  	s16 =	rddreg [dreg:$0x6]  }
0x1f: {  	[tilespmem:s24], [sflag:$0x2] =	stream.linear.gather [hbm4b:s16+s4], $0x8000, $0x38;
	[tilespmem:$0x19000] =	vst v63  }
0x20: {  	s17 =	rddreg [dreg:$0x7]  }
0x21: {  	[tilespmem:s25], [sflag:$0x3] =	stream.linear.gather [hbm4b:s17+s4], $0x8000, $0x38;
	[tilespmem:$0x19000] =	vst v63  }
0x22: {  	_ =	swait.ge [sflag:s26], $0x8000  }
0x23: {  	[sflag:s26] =	ssyncset.done $0x0  }
0x24: {  	s5 =	simm.s32 $0x1080;
	[sflag:s26] =	ssyncadd.s32 $0xFFFF8000  }
0x25: {  	v0 =	vld [tilespmem:s5+$0x60]  }
0x26: {  	v1 =	vld [tilespmem:s5+$0xFFFFFFA0]  }
0x27: {  	v2 =	vld [tilespmem:s5+$0xFFFFFFC0]  }
0x28: {  	v3 =	vld [tilespmem:s5+$0xFFFFFFE0]  }
0x29: {  	v4 =	vld [tilespmem:s5+$0x0]  }
0x2a: {  	v7 =	vld [tilespmem:s5+$0xFFFFFF80]  }
0x2b: {  	v5 =	vld [tilespmem:s5+$0x20];
	v0 =	vmax.f32 v0, $-2.000000000e+00  }
0x2c: {  	v8 =	vld [tilespmem:s5+$0x40];
	v6 =	vmul.f32 $5.120000080e+01, v0  }
0x2d: {  	v13 =	vld [tilespmem:s5+$0xFFFFFFD0];
	v9 =	vmax.f32 v1, $-2.000000000e+00  }
0x2e: {  	v16 =	vld [tilespmem:s5+$0xFFFFFFF0];
	v10 =	vmul.f32 $5.120000080e+01, v9;
	v6 =	vadd.f32 $8.388736000e+06, v6  }
0x2f: {  	v18 =	vld [tilespmem:s5+$0x10];
	v11 =	vmax.f32 v2, $-2.000000000e+00;
	v14 =	vmax.f32 v3, $-2.000000000e+00;
	v7 =	vmax.f32 v7, $-2.000000000e+00  }
0x30: {  	v21 =	vld [tilespmem:s5+$0x30];
	v12 =	vmul.f32 $5.120000080e+01, v11;
	v3 =	vadd.f32 $8.388736000e+06, v10;
	v6 =	vand.u32 $0x7FF, v6  }
0x31: {  	v24 =	vld [tilespmem:s5+$0x50];
	v17 =	vmul.f32 $5.120000080e+01, v7  }
0x32: {  	v1 =	vld [tilespmem:s5+$0xFFFFFF90];
	v4 =	vmax.f32 v4, $-2.000000000e+00;
	v12 =	vadd.f32 $8.388736000e+06, v12;
	v3 =	vand.u32 $0x7FF, v3  }
0x33: {  	v5 =	vmax.f32 v5, $-2.000000000e+00;
	v8 =	vmax.f32 v8, $-2.000000000e+00;
	v10 =	vld [tilespmem:s5+$0x70];
	v17 =	vadd.f32 $8.388736000e+06, v17  }
0x34: {  	v2 =	vld [tilespmem:s5+$0xFFFFFFB0];
	v15 =	vmul.f32 $5.120000080e+01, v14;
	v19 =	vmul.f32 $5.120000080e+01, v4;
	v12 =	vand.u32 $0x7FF, v12  }
0x35: {  	v20 =	vmul.f32 $5.120000080e+01, v5;
	v23 =	vmul.f32 $5.120000080e+01, v8;
	v17 =	vand.u32 $0x7FF, v17;
	v22 =	vld.idx.msk [tilespmem:v6+s4+$0x0], $0xffff  }
0x36: {  	v15 =	vadd.f32 $8.388736000e+06, v15;
	v19 =	vadd.f32 $8.388736000e+06, v19;
	v6 =	vld.idx.msk [tilespmem:v6+s22+$0x0], $0xffff  }
0x37: {  	v33 =	vmax.f32 v13, $-2.000000000e+00;
	v20 =	vadd.f32 $8.388736000e+06, v20;
	v23 =	vadd.f32 $8.388736000e+06, v23;
	v26 =	vld.idx.msk [tilespmem:v3+s4+$0x0], $0xffff  }
0x38: {  	v15 =	vand.u32 $0x7FF, v15;
	v19 =	vand.u32 $0x7FF, v19;
	v10 =	vmax.f32 v10, $-2.000000000e+00;
	v28 =	vld.idx.msk [tilespmem:v3+s22+$0x0], $0xffff  }
0x39: {  	v27 =	vmax.f32 v1, $-2.000000000e+00;
	v20 =	vand.u32 $0x7FF, v20;
	v25 =	vmul.f32 $5.120000080e+01, v10;
	v29 =	vld.idx.msk [tilespmem:v12+s4+$0x0], $0xffff  }
0x3a: {  	v51 =	vmax.f32 v2, $-2.000000000e+00;
	v2 =	vmax.f32 v18, $-2.000000000e+00;
	v13 =	vmul.f32 $5.120000080e+01, v27;
	v30 =	vld.idx.msk [tilespmem:v17+s4+$0x0], $0xffff  }
0x3b: {  	v3 =	vmax.f32 v16, $-2.000000000e+00;
	v16 =	vld.idx.msk [tilespmem:v17+s22+$0x0], $0xffff;
	v17 =	vmul.f32 $5.120000080e+01, v33;
	v1 =	vadd.f32 $8.388736000e+06, v25  }
0x3c: {  	v23 =	vand.u32 $0x7FF, v23;
	v53 =	vmul.f32 $5.120000080e+01, v2;
	v12 =	vld.idx.msk [tilespmem:v12+s22+$0x0], $0xffff;
	v52 =	vmul.f32 $5.120000080e+01, v3  }
0x3d: {  	v13 =	vadd.f32 $8.388736000e+06, v13;
	v18 =	vld.idx.msk [tilespmem:v15+s4+$0x0], $0xffff;
	v17 =	vadd.f32 $8.388736000e+06, v17;
	v32 =	vand.u32 $0x7FF, v1  }
0x3e: {  	v15 =	vld.idx.msk [tilespmem:v15+s22+$0x0], $0xffff;
	v1 =	vmax.f32 v21, $-2.000000000e+00;
	v21 =	vadd.f32 $8.388736000e+06, v52;
	v31 =	vsub.f32 v6, v0  }
0x3f: {  	v37 =	vld.idx.msk [tilespmem:v19+s4+$0x0], $0xffff;
	v13 =	vand.u32 $0x7FF, v13;
	v0 =	vsub.f32 v0, v22;
	v55 =	vsub.f32 v7, v30  }
0x40: {  	v19 =	vld.idx.msk [tilespmem:v19+s22+$0x0], $0xffff;
	v54 =	vmul.f32 $5.120000080e+01, v1;
	v7 =	vsub.f32 v16, v7;
	v36 =	vsub.f32 v9, v26  }
0x41: {  	v57 =	vld.idx.msk [tilespmem:v20+s4+$0x0], $0xffff;
	v17 =	vand.u32 $0x7FF, v17;
	v9 =	vsub.f32 v28, v9;
	v56 =	vsub.f32 v11, v29  }
0x42: {  	v20 =	vld.idx.msk [tilespmem:v20+s22+$0x0], $0xffff;
	v11 =	vsub.f32 v12, v11;
	v58 =	vadd.f32 $8.388736000e+06, v54;
	vm0 =	vlt.f32 v31, v0  }
0x43: {  	v59 =	vld.idx.msk [tilespmem:v23+s4+$0x0], $0xffff;
	v0 =	vmul.f32 $5.120000080e+01, v51;
	vm6 =	vlt.f32 v7, v55;
	v6 =	vsel vm0, v6, v22  }
0x44: {  	vm7 =	vlt.f32 v9, v36;
	v9 =	vsub.f32 v14, v18;
	v14 =	vsub.f32 v15, v14;
	[tilespmem:s5+$0x60] =	vst v6  }
0x45: {  	vm8 =	vlt.f32 v11, v56;
	v16 =	vsel vm6, v16, v30;
	v6 =	vadd.f32 $8.388736000e+06, v0;
	v34 =	vld.idx.msk [tilespmem:v32+s4+$0x0], $0xffff  }
0x46: {  	v7 =	vadd.f32 $8.388736000e+06, v53;
	v26 =	vsel vm7, v28, v26;
	v11 =	vsel vm8, v12, v29;
	[tilespmem:s5+$0xFFFFFF80] =	vst v16;
	v32 =	vld.idx.msk [tilespmem:v32+s22+$0x0], $0xffff  }
0x47: {  	v0 =	vmax.f32 v24, $-2.000000000e+00;
	vm9 =	vlt.f32 v14, v9;
	v14 =	vld.idx.msk [tilespmem:v13+s4+$0x0], $0xffff;
	v6 =	vand.u32 $0x7FF, v6  }
0x48: {  	v9 =	vand.u32 $0x7FF, v21;
	v61 =	vld.idx.msk [tilespmem:v13+s22+$0x0], $0xffff;
	v13 =	vsub.f32 v4, v37;
	v4 =	vsub.f32 v19, v4  }
0x49: {  	v16 =	vld.idx.msk [tilespmem:v23+s22+$0x0], $0xffff;
	[tilespmem:s5+$0xFFFFFFC0] =	vst v11;
	v35 =	vmul.f32 $5.120000080e+01, v0;
	v11 =	vsel vm9, v15, v18;
	v18 =	vand.u32 $0x7FF, v7  }
0x4a: {  	[tilespmem:s5+$0xFFFFFFA0] =	vst v26;
	v7 =	vsub.f32 v5, v57;
	vm11 =	vlt.f32 v4, v13;
	v4 =	vsub.f32 v20, v5  }
0x4b: {  	[tilespmem:s5+$0xFFFFFFE0] =	vst v11;
	v11 =	vld.idx.msk [tilespmem:v17+s22+$0x0], $0xffff;
	v12 =	vsub.f32 v32, v10;
	v10 =	vsub.f32 v10, v34  }
0x4c: {  	v63 =	vand.u32 $0x7FF, v58;
	v60 =	vadd.f32 $8.388736000e+06, v35;
	v15 =	vld.idx.msk [tilespmem:v6+s4+$0x0], $0xffff  }
0x4d: {  	v13 =	vsub.f32 v8, v59;
	vm12 =	vlt.f32 v4, v7;
	v62 =	vld.idx.msk [tilespmem:v6+s22+$0x0], $0xffff;
	vm10 =	vlt.f32 v12, v10  }
0x4e: {  	v4 =	vsub.f32 v16, v8;
	v7 =	vld.idx.msk [tilespmem:v9+s4+$0x0], $0xffff;
	v8 =	vsub.f32 v27, v14;
	v10 =	vsel vm10, v32, v34  }
0x4f: {  	v6 =	vld.idx.msk [tilespmem:v17+s4+$0x0], $0xffff;
	v17 =	vsub.f32 v61, v27;
	[tilespmem:s5+$0x70] =	vst v10;
	v10 =	vsel vm11, v19, v37  }
0x50: {  	v5 =	vand.u32 $0x7FF, v60;
	v12 =	vld.idx.msk [tilespmem:v9+s22+$0x0], $0xffff;
	[tilespmem:s5+$0x0] =	vst v10;
	v10 =	vsel vm12, v20, v57  }
0x51: {  	vm13 =	vlt.f32 v4, v13;
	vm14 =	vlt.f32 v17, v8;
	[tilespmem:s5+$0x20] =	vst v10;
	v9 =	vld.idx.msk [tilespmem:v18+s4+$0x0], $0xffff  }
0x52: {  	v4 =	vsub.f32 v51, v15;
	v10 =	vsel vm13, v16, v59;
	v8 =	vsub.f32 v62, v51;
	v13 =	vld.idx.msk [tilespmem:v18+s22+$0x0], $0xffff  }
0x53: {  	v17 =	vsub.f32 v11, v33;
	[tilespmem:s5+$0x40] =	vst v10;
	v10 =	vld.idx.msk [tilespmem:v63+s4+$0x0], $0xffff  }
0x54: {  	v16 =	vsel vm14, v61, v14;
	v14 =	vsub.f32 v33, v6;
	vm15 =	vlt.f32 v8, v4;
	v8 =	vld.idx.msk [tilespmem:v63+s22+$0x0], $0xffff  }
0x55: {  	s6 =	simm.s32 $0x0;
	s8 =	simm.s32 $0x1180;
	[tilespmem:s5+$0xFFFFFF90] =	vst v16;
	v4 =	vld.idx.msk [tilespmem:v5+s4+$0x0], $0xffff;
	v16 =	vsel vm15, v62, v15;
	v15 =	vsub.f32 v3, v7  }
.LBB2_2:
0x56: {  	v18 =	vld [tilespmem:s8+$0x60];
	[tilespmem:s5+$0xFFFFFFB0] =	vst v16;
	vm0 =	vlt.f32 v17, v14;
	v3 =	vsub.f32 v12, v3  }
0x57: {  	v14 =	vld [tilespmem:s8+$0xFFFFFFA0];
	v6 =	vsel vm0, v11, v6;
	v11 =	vsub.f32 v2, v9  }
0x58: {  	s6 =	sadd.s32 $0x8, s6;
	v2 =	vsub.f32 v13, v2;
	v16 =	vld [tilespmem:s8+$0xFFFFFFC0];
	[tilespmem:s5+$0xFFFFFFD0] =	vst v6;
	vm0 =	vlt.f32 v3, v15  }
0x59: {  	p0 =	slt.u32 s6, $0x3F8;
	v3 =	vld [tilespmem:s8+$0xFFFFFFE0];
	v6 =	vsel vm0, v12, v7;
	v7 =	vsub.f32 v1, v10  }
0x5a: {  	vm0 =	vlt.f32 v2, v11;
	v1 =	vsub.f32 v8, v1;
	v12 =	vld [tilespmem:s8+$0x0];
	[tilespmem:s5+$0xFFFFFFF0] =	vst v6  }
0x5b: {  	v9 =	vsel vm0, v13, v9;
	v6 =	vsub.f32 v0, v4;
	v2 =	vld [tilespmem:s8+$0x20];
	v15 =	vmax.f32 v18, $-2.000000000e+00  }
0x5c: {  	vm0 =	vlt.f32 v1, v7;
	v13 =	vmax.f32 v14, $-2.000000000e+00;
	v14 =	vld [tilespmem:s8+$0x40];
	v11 =	vmul.f32 $5.120000080e+01, v15;
	[tilespmem:s5+$0x10] =	vst v9  }
0x5d: {  	v8 =	vsel vm0, v8, v10;
	v1 =	vld [tilespmem:s8+$0xFFFFFF80];
	v7 =	vmul.f32 $5.120000080e+01, v13;
	v16 =	vmax.f32 v16, $-2.000000000e+00  }
0x5e: {  	v10 =	vld [tilespmem:s8+$0xFFFFFF90];
	v17 =	vmul.f32 $5.120000080e+01, v16;
	v18 =	vmax.f32 v3, $-2.000000000e+00;
	v3 =	vadd.f32 $8.388736000e+06, v11  }
0x5f: {  	v19 =	vadd.f32 $8.388736000e+06, v7;
	v20 =	vld [tilespmem:s8+$0xFFFFFFB0];
	v21 =	vmul.f32 $5.120000080e+01, v18;
	v11 =	vmax.f32 v12, $-2.000000000e+00  }
0x60: {  	v22 =	vld [tilespmem:s8+$0xFFFFFFD0];
	v12 =	vmul.f32 $5.120000080e+01, v11;
	v9 =	vmax.f32 v2, $-2.000000000e+00;
	v2 =	vand.u32 $0x7FF, v3;
	[tilespmem:s5+$0x30] =	vst v8  }
0x61: {  	v3 =	vadd.f32 $8.388736000e+06, v17;
	v17 =	vld [tilespmem:s8+$0xFFFFFFF0];
	v8 =	vmul.f32 $5.120000080e+01, v9;
	v7 =	vmax.f32 v14, $-2.000000000e+00  }
0x62: {  	v14 =	vmax.f32 v1, $-2.000000000e+00;
	v1 =	vadd.f32 $8.388736000e+06, v21;
	v21 =	vmul.f32 $5.120000080e+01, v7;
	v23 =	vld [tilespmem:s8+$0x70]  }
0x63: {  	v12 =	vadd.f32 $8.388736000e+06, v12;
	v24 =	vmul.f32 $5.120000080e+01, v14;
	v25 =	vld [tilespmem:s8+$0x10];
	v8 =	vadd.f32 $8.388736000e+06, v8  }
0x64: {  	v19 =	vand.u32 $0x7FF, v19;
	v26 =	vand.u32 $0x7FF, v3;
	v27 =	vld [tilespmem:s8+$0x30];
	v3 =	vadd.f32 $8.388736000e+06, v21  }
0x65: {  	v28 =	vand.u32 $0x7FF, v12;
	v21 =	vadd.f32 $8.388736000e+06, v24;
	v24 =	vand.u32 $0x7FF, v1;
	v29 =	vld.idx.msk [tilespmem:v2+s4+$0x0], $0xffff  }
0x66: {  	v12 =	vmax.f32 v10, $-2.000000000e+00;
	v30 =	vand.u32 $0x7FF, v8;
	v31 =	vand.u32 $0x7FF, v3;
	v32 =	vld.idx.msk [tilespmem:v2+s22+$0x0], $0xffff  }
0x67: {  	v10 =	vmax.f32 v20, $-2.000000000e+00;
	v21 =	vand.u32 $0x7FF, v21;
	v20 =	vld [tilespmem:s8+$0x50];
	v23 =	vmax.f32 v23, $-2.000000000e+00  }
0x68: {  	v8 =	vmax.f32 v22, $-2.000000000e+00;
	v3 =	vmax.f32 v17, $-2.000000000e+00;
	v17 =	vmul.f32 $5.120000080e+01, v23;
	v22 =	vld.idx.msk [tilespmem:v5+s22+$0x0], $0xffff  }
0x69: {  	v5 =	vmul.f32 $5.120000080e+01, v12;
	v2 =	vmax.f32 v25, $-2.000000000e+00;
	v33 =	vld.idx.msk [tilespmem:v19+s4+$0x0], $0xffff;
	v1 =	vmax.f32 v27, $-2.000000000e+00  }
0x6a: {  	v25 =	vmul.f32 $5.120000080e+01, v10;
	v27 =	vmul.f32 $5.120000080e+01, v8;
	v19 =	vld.idx.msk [tilespmem:v19+s22+$0x0], $0xffff;
	v17 =	vadd.f32 $8.388736000e+06, v17  }
0x6b: {  	v35 =	vmul.f32 $5.120000080e+01, v3;
	v36 =	vmul.f32 $5.120000080e+01, v2;
	v5 =	vadd.f32 $8.388736000e+06, v5;
	v34 =	vld.idx.msk [tilespmem:v26+s4+$0x0], $0xffff  }
0x6c: {  	v38 =	vsub.f32 v32, v15;
	v15 =	vsub.f32 v15, v29;
	v37 =	vld.idx.msk [tilespmem:v21+s4+$0x0], $0xffff;
	v17 =	vand.u32 $0x7FF, v17  }
0x6d: {  	v25 =	vadd.f32 $8.388736000e+06, v25;
	v39 =	vmul.f32 $5.120000080e+01, v1;
	v20 =	vmax.f32 v20, $-2.000000000e+00;
	v21 =	vld.idx.msk [tilespmem:v21+s22+$0x0], $0xffff  }
0x6e: {  	v27 =	vadd.f32 $8.388736000e+06, v27;
	v40 =	vmul.f32 $5.120000080e+01, v20;
	vm0 =	vlt.f32 v38, v15;
	v26 =	vld.idx.msk [tilespmem:v26+s22+$0x0], $0xffff  }
0x6f: {  	v35 =	vadd.f32 $8.388736000e+06, v35;
	v15 =	vsub.f32 v13, v33;
	v29 =	vsel vm0, v32, v29;
	v38 =	vld.idx.msk [tilespmem:v24+s4+$0x0], $0xffff  }
0x70: {  	v32 =	vand.u32 $0x7FF, v5;
	v5 =	vsub.f32 v19, v13;
	v13 =	vld.idx.msk [tilespmem:v24+s22+$0x0], $0xffff;
	v24 =	vadd.f32 $8.388736000e+06, v36;
	[tilespmem:s8+$0x60] =	vst v29  }
0x71: {  	v25 =	vand.u32 $0x7FF, v25;
	v29 =	vsub.f32 v16, v34;
	v36 =	vadd.f32 $8.388736000e+06, v39;
	v39 =	vld.idx.msk [tilespmem:v17+s4+$0x0], $0xffff  }
0x72: {  	v41 =	vsub.f32 v14, v37;
	vm0 =	vlt.f32 v5, v15;
	v5 =	vadd.f32 $8.388736000e+06, v40;
	v15 =	vld.idx.msk [tilespmem:v17+s22+$0x0], $0xffff  }
0x73: {  	v14 =	vsub.f32 v21, v14;
	v17 =	vsel vm0, v19, v33;
	v19 =	vand.u32 $0x7FF, v27;
	v27 =	vld.idx.msk [tilespmem:v28+s4+$0x0], $0xffff  }
0x74: {  	v24 =	vand.u32 $0x7FF, v24;
	v16 =	vsub.f32 v26, v16;
	[tilespmem:s8+$0xFFFFFFA0] =	vst v17;
	v17 =	vand.u32 $0x7FF, v35;
	v28 =	vld.idx.msk [tilespmem:v28+s22+$0x0], $0xffff  }
0x75: {  	vm0 =	vlt.f32 v14, v41;
	v14 =	vsub.f32 v18, v38;
	v35 =	vand.u32 $0x7FF, v36;
	v33 =	vld.idx.msk [tilespmem:v30+s4+$0x0], $0xffff  }
0x76: {  	v21 =	vsel vm0, v21, v37;
	vm0 =	vlt.f32 v16, v29;
	v16 =	vsub.f32 v13, v18;
	v18 =	vld.idx.msk [tilespmem:v30+s22+$0x0], $0xffff  }
0x77: {  	v5 =	vand.u32 $0x7FF, v5;
	v29 =	vsub.f32 v22, v0;
	[tilespmem:s8+$0xFFFFFF80] =	vst v21;
	v21 =	vsel vm0, v26, v34;
	v26 =	vld.idx.msk [tilespmem:v31+s4+$0x0], $0xffff  }
0x78: {  	vm0 =	vlt.f32 v16, v14;
	v16 =	vsub.f32 v15, v23;
	v23 =	vsub.f32 v23, v39;
	v14 =	vld.idx.msk [tilespmem:v31+s22+$0x0], $0xffff  }
0x79: {  	v0 =	vmov v20;
	v13 =	vsel vm0, v13, v38;
	v30 =	vld.idx.msk [tilespmem:v32+s4+$0x0], $0xffff;
	[tilespmem:s8+$0xFFFFFFC0] =	vst v21;
	v21 =	vsub.f32 v11, v27  }
0x7a: {  	v11 =	vsub.f32 v28, v11;
	vm0 =	vlt.f32 v16, v23;
	v20 =	vld.idx.msk [tilespmem:v32+s22+$0x0], $0xffff;
	[tilespmem:s8+$0xFFFFFFE0] =	vst v13  }
0x7b: {  	v13 =	vsub.f32 v9, v33;
	v15 =	vsel vm0, v15, v39;
	vm0 =	vlt.f32 v29, v6;
	v16 =	vld.idx.msk [tilespmem:v25+s4+$0x0], $0xffff  }
0x7c: {  	vm1 =	vlt.f32 v11, v21;
	v9 =	vsub.f32 v18, v9;
	v23 =	vld.idx.msk [tilespmem:v25+s22+$0x0], $0xffff;
	[tilespmem:s8+$0x70] =	vst v15  }
0x7d: {  	v4 =	vsel vm0, v22, v4;
	v15 =	vsel vm1, v28, v27;
	v21 =	vsub.f32 v7, v26;
	v6 =	vld.idx.msk [tilespmem:v19+s4+$0x0], $0xffff  }
0x7e: {  	vm0 =	vlt.f32 v9, v13;
	v9 =	vsub.f32 v14, v7;
	v11 =	vld.idx.msk [tilespmem:v19+s22+$0x0], $0xffff;
	[tilespmem:s8+$0x0] =	vst v15  }
0x7f: {  	v13 =	vsub.f32 v12, v30;
	v15 =	vsel vm0, v18, v33;
	v7 =	vld.idx.msk [tilespmem:v17+s4+$0x0], $0xffff;
	[tilespmem:s5+$0x50] =	vst v4;
	s5 =	smov.u32 s8  }
0x80: {  	v4 =	vsub.f32 v20, v12;
	vm0 =	vlt.f32 v9, v21;
	v12 =	vld.idx.msk [tilespmem:v17+s22+$0x0], $0xffff;
	[tilespmem:s8+$0x20] =	vst v15  }
.Ltmp0:
0x81: {  	v15 =	vsub.f32 v10, v16;
	v14 =	vsel vm0, v14, v26;
	v9 =	vld.idx.msk [tilespmem:v24+s4+$0x0], $0xffff;
	(pc) =	sbr.rel @p0 .LBB2_2-.Ltmp0, $4  }
0x82: {  	vm0 =	vlt.f32 v4, v13;
	v4 =	vsub.f32 v23, v10;
	v13 =	vld.idx.msk [tilespmem:v24+s22+$0x0], $0xffff;
	[tilespmem:s8+$0x40] =	vst v14  }
0x83: {  	v17 =	vsel vm0, v20, v30;
	v14 =	vsub.f32 v8, v6;
	v10 =	vld.idx.msk [tilespmem:v35+s4+$0x0], $0xffff  }
0x84: {  	vm0 =	vlt.f32 v4, v15;
	[tilespmem:s8+$0xFFFFFF90] =	vst v17;
	v17 =	vsub.f32 v11, v8;
	v8 =	vld.idx.msk [tilespmem:v35+s22+$0x0], $0xffff  }
0x85: {  	v16 =	vsel vm0, v23, v16;
	v15 =	vsub.f32 v3, v7;
	s8 =	sadd.s32 $0x100, s8;
	v4 =	vld.idx.msk [tilespmem:v5+s4+$0x0], $0xffff  }
0x86: {  	_ =	sdelay $0x3  }
0x87: {  	v5 =	vld.idx.msk [tilespmem:v5+s22+$0x0], $0xffff  }
0x88: {  	v3 =	vsub.f32 v12, v3  }
0x89: {  	vm0 =	vlt.f32 v17, v14;
	v57 =	vsub.f32 v2, v9  }
0x8a: {  	v6 =	vsel vm0, v11, v6;
	v58 =	vsub.f32 v13, v2;
	vm12 =	vlt.f32 v3, v15  }
0x8b: {  	[tilespmem:s5+$0xFFFFFFB0] =	vst v16;
	v59 =	vsub.f32 v1, v10;
	v3 =	vsel vm12, v12, v7;
	v60 =	vsub.f32 v8, v1  }
0x8c: {  	[tilespmem:s5+$0xFFFFFFD0] =	vst v6;
	vm13 =	vlt.f32 v58, v57;
	v61 =	vsub.f32 v0, v4;
	v62 =	vsub.f32 v5, v0  }
0x8d: {  	[tilespmem:s5+$0xFFFFFFF0] =	vst v3;
	v63 =	vsel vm13, v13, v9;
	vm14 =	vlt.f32 v60, v59  }
0x8e: {  	[tilespmem:s5+$0x10] =	vst v63;
	v1 =	vsel vm14, v8, v10;
	vm15 =	vlt.f32 v62, v61  }
0x8f: {  	[tilespmem:s5+$0x30] =	vst v1;
	v0 =	vsel vm15, v5, v4  }
0x90: {  	[tilespmem:s5+$0x50] =	vst v0;
	s5 =	simm.s32 $0x0  }
0x91: {  	[hbm4b:s10+s5] =	stream.linear.scatter [tilespmem:s23], [sflag:$0x4], $0x8000, $0x38;
	[tilespmem:$0x19000] =	vst v63  }
.LBB2_4:
0x92: {  	_ =	swait.ge [sflag:s28], $0x8000  }
0x93: {  	[sflag:s28] =	ssyncset.done $0x0  }
0x94: {  	s8 =	simm.s32 $0x9080;
	[sflag:s28] =	ssyncadd.s32 $0xFFFF8000  }
0x95: {  	v0 =	vld [tilespmem:s8+$0x60]  }
0x96: {  	v1 =	vld [tilespmem:s8+$0xFFFFFFA0]  }
0x97: {  	v2 =	vld [tilespmem:s8+$0xFFFFFFC0]  }
0x98: {  	v3 =	vld [tilespmem:s8+$0xFFFFFFE0]  }
0x99: {  	v7 =	vld [tilespmem:s8+$0xFFFFFF80]  }
0x9a: {  	v4 =	vld [tilespmem:s8+$0x0];
	v0 =	vmax.f32 v0, $-2.000000000e+00  }
0x9b: {  	v5 =	vld [tilespmem:s8+$0x20];
	v6 =	vmul.f32 $5.120000080e+01, v0  }
0x9c: {  	v8 =	vld [tilespmem:s8+$0x40];
	v9 =	vmax.f32 v1, $-2.000000000e+00  }
0x9d: {  	v13 =	vld [tilespmem:s8+$0xFFFFFFD0];
	v10 =	vmul.f32 $5.120000080e+01, v9;
	v6 =	vadd.f32 $8.388736000e+06, v6  }
0x9e: {  	v16 =	vld [tilespmem:s8+$0xFFFFFFF0];
	v11 =	vmax.f32 v2, $-2.000000000e+00;
	v14 =	vmax.f32 v3, $-2.000000000e+00;
	v7 =	vmax.f32 v7, $-2.000000000e+00  }
0x9f: {  	v18 =	vld [tilespmem:s8+$0x10];
	v12 =	vmul.f32 $5.120000080e+01, v11;
	v3 =	vadd.f32 $8.388736000e+06, v10;
	v6 =	vand.u32 $0x7FF, v6  }
0xa0: {  	v21 =	vld [tilespmem:s8+$0x30];
	v17 =	vmul.f32 $5.120000080e+01, v7  }
0xa1: {  	v1 =	vld [tilespmem:s8+$0xFFFFFF90];
	v12 =	vadd.f32 $8.388736000e+06, v12;
	v3 =	vand.u32 $0x7FF, v3  }
0xa2: {  	v2 =	vld [tilespmem:s8+$0xFFFFFFB0];
	v4 =	vmax.f32 v4, $-2.000000000e+00;
	v5 =	vmax.f32 v5, $-2.000000000e+00;
	v17 =	vadd.f32 $8.388736000e+06, v17  }
0xa3: {  	v15 =	vmul.f32 $5.120000080e+01, v14;
	v19 =	vmul.f32 $5.120000080e+01, v4;
	v10 =	vld [tilespmem:s8+$0x70];
	v12 =	vand.u32 $0x7FF, v12  }
0xa4: {  	v8 =	vmax.f32 v8, $-2.000000000e+00;
	v20 =	vmul.f32 $5.120000080e+01, v5;
	v17 =	vand.u32 $0x7FF, v17;
	v22 =	vld.idx.msk [tilespmem:v6+s4+$0x0], $0xffff  }
0xa5: {  	v23 =	vmul.f32 $5.120000080e+01, v8;
	v15 =	vadd.f32 $8.388736000e+06, v15;
	v19 =	vadd.f32 $8.388736000e+06, v19;
	v6 =	vld.idx.msk [tilespmem:v6+s22+$0x0], $0xffff  }
0xa6: {  	v33 =	vmax.f32 v13, $-2.000000000e+00;
	v20 =	vadd.f32 $8.388736000e+06, v20;
	v26 =	vld.idx.msk [tilespmem:v3+s4+$0x0], $0xffff  }
0xa7: {  	v23 =	vadd.f32 $8.388736000e+06, v23;
	v15 =	vand.u32 $0x7FF, v15;
	v19 =	vand.u32 $0x7FF, v19;
	v28 =	vld.idx.msk [tilespmem:v3+s22+$0x0], $0xffff  }
0xa8: {  	v27 =	vmax.f32 v1, $-2.000000000e+00;
	v20 =	vand.u32 $0x7FF, v20;
	v10 =	vmax.f32 v10, $-2.000000000e+00;
	v29 =	vld.idx.msk [tilespmem:v12+s4+$0x0], $0xffff  }
0xa9: {  	v23 =	vand.u32 $0x7FF, v23;
	v51 =	vmax.f32 v2, $-2.000000000e+00;
	v25 =	vmul.f32 $5.120000080e+01, v10;
	v30 =	vld.idx.msk [tilespmem:v17+s4+$0x0], $0xffff  }
0xaa: {  	v13 =	vmul.f32 $5.120000080e+01, v27;
	v3 =	vmax.f32 v16, $-2.000000000e+00;
	v16 =	vld.idx.msk [tilespmem:v17+s22+$0x0], $0xffff;
	v17 =	vmul.f32 $5.120000080e+01, v33  }
0xab: {  	v2 =	vmax.f32 v18, $-2.000000000e+00;
	v12 =	vld.idx.msk [tilespmem:v12+s22+$0x0], $0xffff;
	v1 =	vadd.f32 $8.388736000e+06, v25;
	v52 =	vmul.f32 $5.120000080e+01, v3  }
0xac: {  	v53 =	vmul.f32 $5.120000080e+01, v2;
	v13 =	vadd.f32 $8.388736000e+06, v13;
	v18 =	vld.idx.msk [tilespmem:v15+s4+$0x0], $0xffff;
	v17 =	vadd.f32 $8.388736000e+06, v17  }
0xad: {  	v15 =	vld.idx.msk [tilespmem:v15+s22+$0x0], $0xffff;
	v32 =	vand.u32 $0x7FF, v1;
	v1 =	vmax.f32 v21, $-2.000000000e+00;
	v21 =	vadd.f32 $8.388736000e+06, v52  }
0xae: {  	v37 =	vld.idx.msk [tilespmem:v19+s4+$0x0], $0xffff;
	v13 =	vand.u32 $0x7FF, v13;
	v31 =	vsub.f32 v6, v0;
	v0 =	vsub.f32 v0, v22  }
0xaf: {  	v19 =	vld.idx.msk [tilespmem:v19+s22+$0x0], $0xffff;
	v54 =	vmul.f32 $5.120000080e+01, v1;
	v55 =	vsub.f32 v7, v30;
	v7 =	vsub.f32 v16, v7  }
0xb0: {  	v57 =	vld.idx.msk [tilespmem:v20+s4+$0x0], $0xffff;
	v17 =	vand.u32 $0x7FF, v17;
	v36 =	vsub.f32 v9, v26;
	v9 =	vsub.f32 v28, v9  }
0xb1: {  	v20 =	vld.idx.msk [tilespmem:v20+s22+$0x0], $0xffff;
	v56 =	vsub.f32 v11, v29;
	v11 =	vsub.f32 v12, v11;
	vm0 =	vlt.f32 v31, v0  }
0xb2: {  	v59 =	vld.idx.msk [tilespmem:v23+s4+$0x0], $0xffff;
	v0 =	vmul.f32 $5.120000080e+01, v51;
	vm6 =	vlt.f32 v7, v55;
	v6 =	vsel vm0, v6, v22  }
0xb3: {  	v24 =	vld [tilespmem:s8+$0x50];
	vm7 =	vlt.f32 v9, v36;
	v9 =	vsub.f32 v14, v18;
	v14 =	vsub.f32 v15, v14;
	[tilespmem:s8+$0x60] =	vst v6  }
0xb4: {  	vm8 =	vlt.f32 v11, v56;
	v16 =	vsel vm6, v16, v30;
	v6 =	vadd.f32 $8.388736000e+06, v0;
	v34 =	vld.idx.msk [tilespmem:v32+s4+$0x0], $0xffff  }
0xb5: {  	v58 =	vadd.f32 $8.388736000e+06, v54;
	v11 =	vsel vm8, v12, v29;
	v12 =	vand.u32 $0x7FF, v21;
	[tilespmem:s8+$0xFFFFFF80] =	vst v16;
	v32 =	vld.idx.msk [tilespmem:v32+s22+$0x0], $0xffff  }
0xb6: {  	v7 =	vadd.f32 $8.388736000e+06, v53;
	vm9 =	vlt.f32 v14, v9;
	v14 =	vld.idx.msk [tilespmem:v13+s4+$0x0], $0xffff;
	v6 =	vand.u32 $0x7FF, v6  }
0xb7: {  	v26 =	vsel vm7, v28, v26;
	v61 =	vld.idx.msk [tilespmem:v13+s22+$0x0], $0xffff;
	v13 =	vsub.f32 v4, v37;
	v4 =	vsub.f32 v19, v4  }
0xb8: {  	v16 =	vld.idx.msk [tilespmem:v23+s22+$0x0], $0xffff;
	[tilespmem:s8+$0xFFFFFFC0] =	vst v11;
	v11 =	vsel vm9, v15, v18;
	v18 =	vand.u32 $0x7FF, v7;
	v7 =	vsub.f32 v5, v57  }
0xb9: {  	v0 =	vmax.f32 v24, $-2.000000000e+00;
	[tilespmem:s8+$0xFFFFFFE0] =	vst v11;
	v11 =	vld.idx.msk [tilespmem:v17+s22+$0x0], $0xffff;
	vm11 =	vlt.f32 v4, v13;
	v4 =	vsub.f32 v20, v5  }
0xba: {  	[tilespmem:s8+$0xFFFFFFA0] =	vst v26;
	v35 =	vmul.f32 $5.120000080e+01, v0;
	v13 =	vld.idx.msk [tilespmem:v12+s22+$0x0], $0xffff;
	v9 =	vsub.f32 v32, v10;
	v10 =	vsub.f32 v10, v34  }
0xbb: {  	v63 =	vand.u32 $0x7FF, v58;
	v15 =	vld.idx.msk [tilespmem:v6+s4+$0x0], $0xffff  }
0xbc: {  	v60 =	vadd.f32 $8.388736000e+06, v35;
	vm12 =	vlt.f32 v4, v7;
	v62 =	vld.idx.msk [tilespmem:v6+s22+$0x0], $0xffff;
	vm10 =	vlt.f32 v9, v10  }
0xbd: {  	v4 =	vsub.f32 v16, v8;
	v6 =	vld.idx.msk [tilespmem:v17+s4+$0x0], $0xffff;
	v17 =	vsub.f32 v61, v27;
	v9 =	vsel vm10, v32, v34  }
0xbe: {  	v10 =	vsub.f32 v8, v59;
	v8 =	vsub.f32 v27, v14;
	[tilespmem:s8+$0x70] =	vst v9;
	v9 =	vsel vm11, v19, v37  }
0xbf: {  	v5 =	vand.u32 $0x7FF, v60;
	v7 =	vsel vm12, v20, v57;
	[tilespmem:s8+$0x0] =	vst v9;
	v9 =	vld.idx.msk [tilespmem:v12+s4+$0x0], $0xffff  }
0xc0: {  	[tilespmem:s8+$0x20] =	vst v7;
	vm13 =	vlt.f32 v4, v10;
	vm14 =	vlt.f32 v17, v8;
	v7 =	vld.idx.msk [tilespmem:v18+s4+$0x0], $0xffff  }
0xc1: {  	v10 =	vsel vm13, v16, v59;
	v4 =	vsub.f32 v51, v15;
	v8 =	vsub.f32 v62, v51;
	v12 =	vld.idx.msk [tilespmem:v18+s22+$0x0], $0xffff  }
0xc2: {  	v17 =	vsub.f32 v11, v33;
	[tilespmem:s8+$0x40] =	vst v10;
	v10 =	vld.idx.msk [tilespmem:v63+s4+$0x0], $0xffff  }
0xc3: {  	v16 =	vsel vm14, v61, v14;
	v14 =	vsub.f32 v33, v6;
	vm15 =	vlt.f32 v8, v4;
	v8 =	vld.idx.msk [tilespmem:v63+s22+$0x0], $0xffff  }
0xc4: {  	s6 =	simm.s32 $0x0;
	s9 =	simm.s32 $0x9180;
	[tilespmem:s8+$0xFFFFFF90] =	vst v16;
	v4 =	vld.idx.msk [tilespmem:v5+s4+$0x0], $0xffff;
	v16 =	vsel vm15, v62, v15;
	v15 =	vsub.f32 v3, v9  }
.LBB2_5:
0xc5: {  	v18 =	vld [tilespmem:s9+$0x60];
	[tilespmem:s8+$0xFFFFFFB0] =	vst v16;
	vm0 =	vlt.f32 v17, v14;
	v3 =	vsub.f32 v13, v3  }
0xc6: {  	v14 =	vld [tilespmem:s9+$0xFFFFFFA0];
	v6 =	vsel vm0, v11, v6;
	v11 =	vsub.f32 v2, v7  }
0xc7: {  	s6 =	sadd.s32 $0x8, s6;
	v2 =	vsub.f32 v12, v2;
	v16 =	vld [tilespmem:s9+$0xFFFFFFC0];
	[tilespmem:s8+$0xFFFFFFD0] =	vst v6;
	vm0 =	vlt.f32 v3, v15  }
0xc8: {  	p0 =	slt.u32 s6, $0x3F8;
	v3 =	vld [tilespmem:s9+$0xFFFFFFE0];
	v6 =	vsel vm0, v13, v9;
	v9 =	vsub.f32 v1, v10  }
0xc9: {  	vm0 =	vlt.f32 v2, v11;
	v1 =	vsub.f32 v8, v1;
	v13 =	vld [tilespmem:s9+$0x0];
	[tilespmem:s8+$0xFFFFFFF0] =	vst v6  }
0xca: {  	v7 =	vsel vm0, v12, v7;
	v6 =	vsub.f32 v0, v4;
	v2 =	vld [tilespmem:s9+$0x20];
	v15 =	vmax.f32 v18, $-2.000000000e+00  }
0xcb: {  	vm0 =	vlt.f32 v1, v9;
	v14 =	vmax.f32 v14, $-2.000000000e+00;
	v12 =	vld [tilespmem:s9+$0x40];
	v11 =	vmul.f32 $5.120000080e+01, v15;
	[tilespmem:s8+$0x10] =	vst v7  }
0xcc: {  	v8 =	vsel vm0, v8, v10;
	v1 =	vld [tilespmem:s9+$0xFFFFFF80];
	v7 =	vmul.f32 $5.120000080e+01, v14;
	v16 =	vmax.f32 v16, $-2.000000000e+00  }
0xcd: {  	v10 =	vld [tilespmem:s9+$0xFFFFFF90];
	v17 =	vmul.f32 $5.120000080e+01, v16;
	v18 =	vmax.f32 v3, $-2.000000000e+00;
	v3 =	vadd.f32 $8.388736000e+06, v11  }
0xce: {  	v19 =	vadd.f32 $8.388736000e+06, v7;
	v20 =	vld [tilespmem:s9+$0xFFFFFFB0];
	v21 =	vmul.f32 $5.120000080e+01, v18;
	v11 =	vmax.f32 v13, $-2.000000000e+00  }
0xcf: {  	v13 =	vld [tilespmem:s9+$0xFFFFFFD0];
	v22 =	vmul.f32 $5.120000080e+01, v11;
	v9 =	vmax.f32 v2, $-2.000000000e+00;
	v2 =	vand.u32 $0x7FF, v3;
	[tilespmem:s8+$0x30] =	vst v8  }
0xd0: {  	v3 =	vadd.f32 $8.388736000e+06, v17;
	v17 =	vld [tilespmem:s9+$0xFFFFFFF0];
	v8 =	vmul.f32 $5.120000080e+01, v9;
	v7 =	vmax.f32 v12, $-2.000000000e+00  }
0xd1: {  	v23 =	vmax.f32 v1, $-2.000000000e+00;
	v1 =	vadd.f32 $8.388736000e+06, v21;
	v12 =	vmul.f32 $5.120000080e+01, v7;
	v21 =	vld [tilespmem:s9+$0x70]  }
0xd2: {  	v22 =	vadd.f32 $8.388736000e+06, v22;
	v24 =	vmul.f32 $5.120000080e+01, v23;
	v25 =	vld [tilespmem:s9+$0x10];
	v8 =	vadd.f32 $8.388736000e+06, v8  }
0xd3: {  	v19 =	vand.u32 $0x7FF, v19;
	v26 =	vand.u32 $0x7FF, v3;
	v27 =	vld [tilespmem:s9+$0x30];
	v3 =	vadd.f32 $8.388736000e+06, v12  }
0xd4: {  	v28 =	vand.u32 $0x7FF, v1;
	v22 =	vand.u32 $0x7FF, v22;
	v24 =	vadd.f32 $8.388736000e+06, v24;
	v29 =	vld.idx.msk [tilespmem:v2+s4+$0x0], $0xffff  }
0xd5: {  	v12 =	vmax.f32 v10, $-2.000000000e+00;
	v30 =	vand.u32 $0x7FF, v8;
	v31 =	vand.u32 $0x7FF, v3;
	v32 =	vld.idx.msk [tilespmem:v2+s22+$0x0], $0xffff  }
0xd6: {  	v10 =	vmax.f32 v20, $-2.000000000e+00;
	v24 =	vand.u32 $0x7FF, v24;
	v20 =	vld [tilespmem:s9+$0x50];
	v21 =	vmax.f32 v21, $-2.000000000e+00  }
0xd7: {  	v8 =	vmax.f32 v13, $-2.000000000e+00;
	v3 =	vmax.f32 v17, $-2.000000000e+00;
	v13 =	vmul.f32 $5.120000080e+01, v21;
	v17 =	vld.idx.msk [tilespmem:v5+s22+$0x0], $0xffff  }
0xd8: {  	v5 =	vmul.f32 $5.120000080e+01, v12;
	v2 =	vmax.f32 v25, $-2.000000000e+00;
	v33 =	vld.idx.msk [tilespmem:v19+s4+$0x0], $0xffff;
	v1 =	vmax.f32 v27, $-2.000000000e+00  }
0xd9: {  	v25 =	vmul.f32 $5.120000080e+01, v10;
	v27 =	vmul.f32 $5.120000080e+01, v8;
	v19 =	vld.idx.msk [tilespmem:v19+s22+$0x0], $0xffff;
	v13 =	vadd.f32 $8.388736000e+06, v13  }
0xda: {  	v35 =	vmul.f32 $5.120000080e+01, v3;
	v36 =	vmul.f32 $5.120000080e+01, v2;
	v5 =	vadd.f32 $8.388736000e+06, v5;
	v34 =	vld.idx.msk [tilespmem:v26+s4+$0x0], $0xffff  }
0xdb: {  	v38 =	vsub.f32 v32, v15;
	v15 =	vsub.f32 v15, v29;
	v37 =	vld.idx.msk [tilespmem:v24+s4+$0x0], $0xffff;
	v13 =	vand.u32 $0x7FF, v13  }
0xdc: {  	v25 =	vadd.f32 $8.388736000e+06, v25;
	v39 =	vmul.f32 $5.120000080e+01, v1;
	v20 =	vmax.f32 v20, $-2.000000000e+00;
	v24 =	vld.idx.msk [tilespmem:v24+s22+$0x0], $0xffff  }
0xdd: {  	v27 =	vadd.f32 $8.388736000e+06, v27;
	v40 =	vmul.f32 $5.120000080e+01, v20;
	vm0 =	vlt.f32 v38, v15;
	v26 =	vld.idx.msk [tilespmem:v26+s22+$0x0], $0xffff  }
0xde: {  	v35 =	vadd.f32 $8.388736000e+06, v35;
	v15 =	vsub.f32 v14, v33;
	v29 =	vsel vm0, v32, v29;
	v38 =	vld.idx.msk [tilespmem:v28+s4+$0x0], $0xffff  }
0xdf: {  	v32 =	vand.u32 $0x7FF, v5;
	v5 =	vsub.f32 v19, v14;
	v14 =	vld.idx.msk [tilespmem:v28+s22+$0x0], $0xffff;
	v28 =	vadd.f32 $8.388736000e+06, v36;
	[tilespmem:s9+$0x60] =	vst v29  }
0xe0: {  	v25 =	vand.u32 $0x7FF, v25;
	v29 =	vsub.f32 v16, v34;
	v36 =	vadd.f32 $8.388736000e+06, v39;
	v39 =	vld.idx.msk [tilespmem:v13+s4+$0x0], $0xffff  }
0xe1: {  	v41 =	vsub.f32 v23, v37;
	vm0 =	vlt.f32 v5, v15;
	v5 =	vadd.f32 $8.388736000e+06, v40;
	v13 =	vld.idx.msk [tilespmem:v13+s22+$0x0], $0xffff  }
0xe2: {  	v15 =	vsub.f32 v24, v23;
	v19 =	vsel vm0, v19, v33;
	v23 =	vand.u32 $0x7FF, v27;
	v27 =	vld.idx.msk [tilespmem:v22+s4+$0x0], $0xffff  }
0xe3: {  	v28 =	vand.u32 $0x7FF, v28;
	v16 =	vsub.f32 v26, v16;
	[tilespmem:s9+$0xFFFFFFA0] =	vst v19;
	v19 =	vand.u32 $0x7FF, v35;
	v22 =	vld.idx.msk [tilespmem:v22+s22+$0x0], $0xffff  }
0xe4: {  	vm0 =	vlt.f32 v15, v41;
	v15 =	vsub.f32 v18, v38;
	v35 =	vand.u32 $0x7FF, v36;
	v33 =	vld.idx.msk [tilespmem:v30+s4+$0x0], $0xffff  }
0xe5: {  	v24 =	vsel vm0, v24, v37;
	vm0 =	vlt.f32 v16, v29;
	v16 =	vsub.f32 v14, v18;
	v18 =	vld.idx.msk [tilespmem:v30+s22+$0x0], $0xffff  }
0xe6: {  	v5 =	vand.u32 $0x7FF, v5;
	v29 =	vsub.f32 v17, v0;
	[tilespmem:s9+$0xFFFFFF80] =	vst v24;
	v24 =	vsel vm0, v26, v34;
	v26 =	vld.idx.msk [tilespmem:v31+s4+$0x0], $0xffff  }
0xe7: {  	vm0 =	vlt.f32 v16, v15;
	v16 =	vsub.f32 v13, v21;
	v21 =	vsub.f32 v21, v39;
	v15 =	vld.idx.msk [tilespmem:v31+s22+$0x0], $0xffff  }
0xe8: {  	v0 =	vmov v20;
	v14 =	vsel vm0, v14, v38;
	v30 =	vld.idx.msk [tilespmem:v32+s4+$0x0], $0xffff;
	[tilespmem:s9+$0xFFFFFFC0] =	vst v24;
	v24 =	vsub.f32 v11, v27  }
0xe9: {  	v11 =	vsub.f32 v22, v11;
	vm0 =	vlt.f32 v16, v21;
	v20 =	vld.idx.msk [tilespmem:v32+s22+$0x0], $0xffff;
	[tilespmem:s9+$0xFFFFFFE0] =	vst v14  }
0xea: {  	v14 =	vsub.f32 v9, v33;
	v13 =	vsel vm0, v13, v39;
	vm0 =	vlt.f32 v29, v6;
	v16 =	vld.idx.msk [tilespmem:v25+s4+$0x0], $0xffff  }
0xeb: {  	vm1 =	vlt.f32 v11, v24;
	v9 =	vsub.f32 v18, v9;
	v21 =	vld.idx.msk [tilespmem:v25+s22+$0x0], $0xffff;
	[tilespmem:s9+$0x70] =	vst v13  }
0xec: {  	v4 =	vsel vm0, v17, v4;
	v13 =	vsel vm1, v22, v27;
	v22 =	vsub.f32 v7, v26;
	v6 =	vld.idx.msk [tilespmem:v23+s4+$0x0], $0xffff  }
0xed: {  	vm0 =	vlt.f32 v9, v14;
	v7 =	vsub.f32 v15, v7;
	v11 =	vld.idx.msk [tilespmem:v23+s22+$0x0], $0xffff;
	[tilespmem:s9+$0x0] =	vst v13  }
0xee: {  	v14 =	vsub.f32 v12, v30;
	v17 =	vsel vm0, v18, v33;
	v9 =	vld.idx.msk [tilespmem:v19+s4+$0x0], $0xffff;
	[tilespmem:s8+$0x50] =	vst v4;
	s8 =	smov.u32 s9  }
0xef: {  	v4 =	vsub.f32 v20, v12;
	vm0 =	vlt.f32 v7, v22;
	v13 =	vld.idx.msk [tilespmem:v19+s22+$0x0], $0xffff;
	[tilespmem:s9+$0x20] =	vst v17  }
.Ltmp1:
0xf0: {  	v17 =	vsub.f32 v10, v16;
	v15 =	vsel vm0, v15, v26;
	v7 =	vld.idx.msk [tilespmem:v28+s4+$0x0], $0xffff;
	(pc) =	sbr.rel @p0 .LBB2_5-.Ltmp1, $4  }
0xf1: {  	vm0 =	vlt.f32 v4, v14;
	v4 =	vsub.f32 v21, v10;
	v12 =	vld.idx.msk [tilespmem:v28+s22+$0x0], $0xffff;
	[tilespmem:s9+$0x40] =	vst v15  }
0xf2: {  	v15 =	vsel vm0, v20, v30;
	v14 =	vsub.f32 v8, v6;
	v10 =	vld.idx.msk [tilespmem:v35+s4+$0x0], $0xffff  }
0xf3: {  	vm0 =	vlt.f32 v4, v17;
	v17 =	vsub.f32 v11, v8;
	[tilespmem:s9+$0xFFFFFF90] =	vst v15;
	v8 =	vld.idx.msk [tilespmem:v35+s22+$0x0], $0xffff  }
0xf4: {  	v16 =	vsel vm0, v21, v16;
	v15 =	vsub.f32 v3, v9;
	s9 =	sadd.s32 $0x100, s9;
	v4 =	vld.idx.msk [tilespmem:v5+s4+$0x0], $0xffff  }
0xf5: {  	_ =	sdelay $0x3  }
0xf6: {  	v5 =	vld.idx.msk [tilespmem:v5+s22+$0x0], $0xffff  }
0xf7: {  	vm0 =	vlt.f32 v17, v14;
	v3 =	vsub.f32 v13, v3  }
0xf8: {  	v6 =	vsel vm0, v11, v6  }
0xf9: {  	v11 =	vsub.f32 v2, v7;
	v2 =	vsub.f32 v12, v2;
	vm13 =	vlt.f32 v3, v15  }
0xfa: {  	[tilespmem:s8+$0xFFFFFFB0] =	vst v16;
	v3 =	vsel vm13, v13, v9;
	v9 =	vsub.f32 v1, v10;
	v1 =	vsub.f32 v8, v1  }
0xfb: {  	s6 =	smul.u32 $0x18000, s5;
	[tilespmem:s8+$0xFFFFFFD0] =	vst v6;
	vm14 =	vlt.f32 v2, v11;
	v2 =	vsub.f32 v0, v4;
	v0 =	vsub.f32 v5, v0  }
0xfc: {  	[tilespmem:s8+$0xFFFFFFF0] =	vst v3;
	v3 =	vsel vm14, v12, v7;
	vm15 =	vlt.f32 v1, v9  }
0xfd: {  	s9 =	sadd.s32 s6, s11;
	[tilespmem:s8+$0x10] =	vst v3;
	v1 =	vsel vm15, v8, v10;
	vm4 =	vlt.f32 v0, v2  }
0xfe: {  	s9 =	sshrl.u32 s9, $0x3;
	[tilespmem:s8+$0x30] =	vst v1;
	v0 =	vsel vm4, v5, v4  }
0xff: {  	s9 =	sadd.s32 s3, s9;
	[tilespmem:s8+$0x50] =	vst v0  }
0x100: {  	[hbm4b:s9+s4] =	stream.linear.scatter [tilespmem:s24], [sflag:$0x5], $0x8000, $0x38;
	[tilespmem:$0x19000] =	vst v63  }
0x101: {  	s16 =	sadd.s32 s6, s12;
	_ =	swait.ge [sflag:s29], $0x8000  }
0x102: {  	s8 =	sshrl.u32 s16, $0x3;
	[sflag:s29] =	ssyncset.done $0x0  }
0x103: {  	s17 =	sadd.s32 s1, s8;
	[sflag:s29] =	ssyncadd.s32 $0xFFFF8000  }
0x104: {  	[tilespmem:s23], [sflag:$0x1] =	stream.linear.gather [hbm4b:s17+s4], $0x8000, $0x38;
	[tilespmem:$0x19000] =	vst v63  }
0x105: {  	_ =	swait.ge [sflag:s30], $0x8000  }
0x106: {  	[sflag:s30] =	ssyncset.done $0x0  }
0x107: {  	s9 =	simm.s32 $0x11080;
	[sflag:s30] =	ssyncadd.s32 $0xFFFF8000  }
0x108: {  	v0 =	vld [tilespmem:s9+$0x60]  }
0x109: {  	v1 =	vld [tilespmem:s9+$0xFFFFFFA0]  }
0x10a: {  	v2 =	vld [tilespmem:s9+$0xFFFFFFC0]  }
0x10b: {  	v3 =	vld [tilespmem:s9+$0xFFFFFFE0]  }
0x10c: {  	v4 =	vld [tilespmem:s9+$0x0]  }
0x10d: {  	v7 =	vld [tilespmem:s9+$0xFFFFFF80]  }
0x10e: {  	v5 =	vld [tilespmem:s9+$0x20];
	v0 =	vmax.f32 v0, $-2.000000000e+00  }
0x10f: {  	v8 =	vld [tilespmem:s9+$0x40];
	v6 =	vmul.f32 $5.120000080e+01, v0  }
0x110: {  	v13 =	vld [tilespmem:s9+$0xFFFFFFD0];
	v9 =	vmax.f32 v1, $-2.000000000e+00  }
0x111: {  	v16 =	vld [tilespmem:s9+$0xFFFFFFF0];
	v10 =	vmul.f32 $5.120000080e+01, v9;
	v6 =	vadd.f32 $8.388736000e+06, v6  }
0x112: {  	v18 =	vld [tilespmem:s9+$0x10];
	v11 =	vmax.f32 v2, $-2.000000000e+00;
	v14 =	vmax.f32 v3, $-2.000000000e+00;
	v7 =	vmax.f32 v7, $-2.000000000e+00  }
0x113: {  	v21 =	vld [tilespmem:s9+$0x30];
	v12 =	vmul.f32 $5.120000080e+01, v11;
	v3 =	vadd.f32 $8.388736000e+06, v10;
	v6 =	vand.u32 $0x7FF, v6  }
0x114: {  	v24 =	vld [tilespmem:s9+$0x50];
	v17 =	vmul.f32 $5.120000080e+01, v7  }
0x115: {  	v1 =	vld [tilespmem:s9+$0xFFFFFF90];
	v4 =	vmax.f32 v4, $-2.000000000e+00;
	v12 =	vadd.f32 $8.388736000e+06, v12;
	v3 =	vand.u32 $0x7FF, v3  }
0x116: {  	v5 =	vmax.f32 v5, $-2.000000000e+00;
	v8 =	vmax.f32 v8, $-2.000000000e+00;
	v10 =	vld [tilespmem:s9+$0x70];
	v17 =	vadd.f32 $8.388736000e+06, v17  }
0x117: {  	v2 =	vld [tilespmem:s9+$0xFFFFFFB0];
	v15 =	vmul.f32 $5.120000080e+01, v14;
	v19 =	vmul.f32 $5.120000080e+01, v4;
	v12 =	vand.u32 $0x7FF, v12  }
0x118: {  	v20 =	vmul.f32 $5.120000080e+01, v5;
	v23 =	vmul.f32 $5.120000080e+01, v8;
	v17 =	vand.u32 $0x7FF, v17;
	v22 =	vld.idx.msk [tilespmem:v6+s4+$0x0], $0xffff  }
0x119: {  	v15 =	vadd.f32 $8.388736000e+06, v15;
	v19 =	vadd.f32 $8.388736000e+06, v19;
	v6 =	vld.idx.msk [tilespmem:v6+s22+$0x0], $0xffff  }
0x11a: {  	v33 =	vmax.f32 v13, $-2.000000000e+00;
	v20 =	vadd.f32 $8.388736000e+06, v20;
	v23 =	vadd.f32 $8.388736000e+06, v23;
	v26 =	vld.idx.msk [tilespmem:v3+s4+$0x0], $0xffff  }
0x11b: {  	v15 =	vand.u32 $0x7FF, v15;
	v19 =	vand.u32 $0x7FF, v19;
	v10 =	vmax.f32 v10, $-2.000000000e+00;
	v28 =	vld.idx.msk [tilespmem:v3+s22+$0x0], $0xffff  }
0x11c: {  	v27 =	vmax.f32 v1, $-2.000000000e+00;
	v20 =	vand.u32 $0x7FF, v20;
	v25 =	vmul.f32 $5.120000080e+01, v10;
	v29 =	vld.idx.msk [tilespmem:v12+s4+$0x0], $0xffff  }
0x11d: {  	v51 =	vmax.f32 v2, $-2.000000000e+00;
	v2 =	vmax.f32 v18, $-2.000000000e+00;
	v13 =	vmul.f32 $5.120000080e+01, v27;
	v30 =	vld.idx.msk [tilespmem:v17+s4+$0x0], $0xffff  }
0x11e: {  	v3 =	vmax.f32 v16, $-2.000000000e+00;
	v16 =	vld.idx.msk [tilespmem:v17+s22+$0x0], $0xffff;
	v17 =	vmul.f32 $5.120000080e+01, v33;
	v1 =	vadd.f32 $8.388736000e+06, v25  }
0x11f: {  	v23 =	vand.u32 $0x7FF, v23;
	v53 =	vmul.f32 $5.120000080e+01, v2;
	v12 =	vld.idx.msk [tilespmem:v12+s22+$0x0], $0xffff;
	v52 =	vmul.f32 $5.120000080e+01, v3  }
0x120: {  	v13 =	vadd.f32 $8.388736000e+06, v13;
	v18 =	vld.idx.msk [tilespmem:v15+s4+$0x0], $0xffff;
	v17 =	vadd.f32 $8.388736000e+06, v17;
	v32 =	vand.u32 $0x7FF, v1  }
0x121: {  	v15 =	vld.idx.msk [tilespmem:v15+s22+$0x0], $0xffff;
	v1 =	vmax.f32 v21, $-2.000000000e+00;
	v21 =	vadd.f32 $8.388736000e+06, v52;
	v31 =	vsub.f32 v6, v0  }
0x122: {  	v37 =	vld.idx.msk [tilespmem:v19+s4+$0x0], $0xffff;
	v13 =	vand.u32 $0x7FF, v13;
	v0 =	vsub.f32 v0, v22;
	v55 =	vsub.f32 v7, v30  }
0x123: {  	v19 =	vld.idx.msk [tilespmem:v19+s22+$0x0], $0xffff;
	v54 =	vmul.f32 $5.120000080e+01, v1;
	v7 =	vsub.f32 v16, v7;
	v36 =	vsub.f32 v9, v26  }
0x124: {  	v57 =	vld.idx.msk [tilespmem:v20+s4+$0x0], $0xffff;
	v17 =	vand.u32 $0x7FF, v17;
	v9 =	vsub.f32 v28, v9;
	v56 =	vsub.f32 v11, v29  }
0x125: {  	v20 =	vld.idx.msk [tilespmem:v20+s22+$0x0], $0xffff;
	v11 =	vsub.f32 v12, v11;
	v58 =	vadd.f32 $8.388736000e+06, v54;
	vm5 =	vlt.f32 v31, v0  }
0x126: {  	v59 =	vld.idx.msk [tilespmem:v23+s4+$0x0], $0xffff;
	v0 =	vmul.f32 $5.120000080e+01, v51;
	vm6 =	vlt.f32 v7, v55;
	v6 =	vsel vm5, v6, v22  }
0x127: {  	vm7 =	vlt.f32 v9, v36;
	v9 =	vsub.f32 v14, v18;
	v14 =	vsub.f32 v15, v14;
	[tilespmem:s9+$0x60] =	vst v6  }
0x128: {  	vm8 =	vlt.f32 v11, v56;
	v16 =	vsel vm6, v16, v30;
	v6 =	vadd.f32 $8.388736000e+06, v0;
	v34 =	vld.idx.msk [tilespmem:v32+s4+$0x0], $0xffff  }
0x129: {  	v7 =	vadd.f32 $8.388736000e+06, v53;
	v26 =	vsel vm7, v28, v26;
	v11 =	vsel vm8, v12, v29;
	[tilespmem:s9+$0xFFFFFF80] =	vst v16;
	v32 =	vld.idx.msk [tilespmem:v32+s22+$0x0], $0xffff  }
0x12a: {  	v0 =	vmax.f32 v24, $-2.000000000e+00;
	vm9 =	vlt.f32 v14, v9;
	v14 =	vld.idx.msk [tilespmem:v13+s4+$0x0], $0xffff;
	v6 =	vand.u32 $0x7FF, v6  }
0x12b: {  	v9 =	vand.u32 $0x7FF, v21;
	v61 =	vld.idx.msk [tilespmem:v13+s22+$0x0], $0xffff;
	v13 =	vsub.f32 v4, v37;
	v4 =	vsub.f32 v19, v4  }
0x12c: {  	v16 =	vld.idx.msk [tilespmem:v23+s22+$0x0], $0xffff;
	[tilespmem:s9+$0xFFFFFFC0] =	vst v11;
	v35 =	vmul.f32 $5.120000080e+01, v0;
	v11 =	vsel vm9, v15, v18;
	v18 =	vand.u32 $0x7FF, v7  }
0x12d: {  	[tilespmem:s9+$0xFFFFFFA0] =	vst v26;
	v7 =	vsub.f32 v5, v57;
	vm11 =	vlt.f32 v4, v13;
	v4 =	vsub.f32 v20, v5  }
0x12e: {  	[tilespmem:s9+$0xFFFFFFE0] =	vst v11;
	v11 =	vld.idx.msk [tilespmem:v17+s22+$0x0], $0xffff;
	v12 =	vsub.f32 v32, v10;
	v10 =	vsub.f32 v10, v34  }
0x12f: {  	v63 =	vand.u32 $0x7FF, v58;
	v60 =	vadd.f32 $8.388736000e+06, v35;
	v15 =	vld.idx.msk [tilespmem:v6+s4+$0x0], $0xffff  }
0x130: {  	v13 =	vsub.f32 v8, v59;
	vm12 =	vlt.f32 v4, v7;
	v62 =	vld.idx.msk [tilespmem:v6+s22+$0x0], $0xffff;
	vm10 =	vlt.f32 v12, v10  }
0x131: {  	v4 =	vsub.f32 v16, v8;
	v7 =	vld.idx.msk [tilespmem:v9+s4+$0x0], $0xffff;
	v8 =	vsub.f32 v27, v14;
	v10 =	vsel vm10, v32, v34  }
0x132: {  	v6 =	vld.idx.msk [tilespmem:v17+s4+$0x0], $0xffff;
	v17 =	vsub.f32 v61, v27;
	[tilespmem:s9+$0x70] =	vst v10;
	v10 =	vsel vm11, v19, v37  }
0x133: {  	v5 =	vand.u32 $0x7FF, v60;
	v12 =	vld.idx.msk [tilespmem:v9+s22+$0x0], $0xffff;
	[tilespmem:s9+$0x0] =	vst v10;
	v10 =	vsel vm12, v20, v57  }
0x134: {  	vm13 =	vlt.f32 v4, v13;
	vm14 =	vlt.f32 v17, v8;
	[tilespmem:s9+$0x20] =	vst v10;
	v9 =	vld.idx.msk [tilespmem:v18+s4+$0x0], $0xffff  }
0x135: {  	v4 =	vsub.f32 v51, v15;
	v10 =	vsel vm13, v16, v59;
	v8 =	vsub.f32 v62, v51;
	v13 =	vld.idx.msk [tilespmem:v18+s22+$0x0], $0xffff  }
0x136: {  	v17 =	vsub.f32 v11, v33;
	[tilespmem:s9+$0x40] =	vst v10;
	v10 =	vld.idx.msk [tilespmem:v63+s4+$0x0], $0xffff  }
0x137: {  	v16 =	vsel vm14, v61, v14;
	v14 =	vsub.f32 v33, v6;
	vm15 =	vlt.f32 v8, v4;
	v8 =	vld.idx.msk [tilespmem:v63+s22+$0x0], $0xffff  }
0x138: {  	s16 =	simm.s32 $0x0;
	s17 =	simm.s32 $0x11180;
	[tilespmem:s9+$0xFFFFFF90] =	vst v16;
	v4 =	vld.idx.msk [tilespmem:v5+s4+$0x0], $0xffff;
	v16 =	vsel vm15, v62, v15;
	v15 =	vsub.f32 v3, v7  }
.LBB2_7:
0x139: {  	v18 =	vld [tilespmem:s17+$0x60];
	[tilespmem:s9+$0xFFFFFFB0] =	vst v16;
	vm0 =	vlt.f32 v17, v14;
	v3 =	vsub.f32 v12, v3  }
0x13a: {  	v14 =	vld [tilespmem:s17+$0xFFFFFFA0];
	v6 =	vsel vm0, v11, v6;
	v11 =	vsub.f32 v2, v9  }
0x13b: {  	s16 =	sadd.s32 $0x8, s16;
	v2 =	vsub.f32 v13, v2;
	v16 =	vld [tilespmem:s17+$0xFFFFFFC0];
	[tilespmem:s9+$0xFFFFFFD0] =	vst v6;
	vm0 =	vlt.f32 v3, v15  }
0x13c: {  	p0 =	slt.u32 s16, $0x3F8;
	v3 =	vld [tilespmem:s17+$0xFFFFFFE0];
	v6 =	vsel vm0, v12, v7;
	v7 =	vsub.f32 v1, v10  }
0x13d: {  	vm0 =	vlt.f32 v2, v11;
	v1 =	vsub.f32 v8, v1;
	v12 =	vld [tilespmem:s17+$0x0];
	[tilespmem:s9+$0xFFFFFFF0] =	vst v6  }
0x13e: {  	v9 =	vsel vm0, v13, v9;
	v6 =	vsub.f32 v0, v4;
	v2 =	vld [tilespmem:s17+$0x20];
	v15 =	vmax.f32 v18, $-2.000000000e+00  }
0x13f: {  	vm0 =	vlt.f32 v1, v7;
	v13 =	vmax.f32 v14, $-2.000000000e+00;
	v14 =	vld [tilespmem:s17+$0x40];
	v11 =	vmul.f32 $5.120000080e+01, v15;
	[tilespmem:s9+$0x10] =	vst v9  }
0x140: {  	v8 =	vsel vm0, v8, v10;
	v1 =	vld [tilespmem:s17+$0xFFFFFF80];
	v7 =	vmul.f32 $5.120000080e+01, v13;
	v16 =	vmax.f32 v16, $-2.000000000e+00  }
0x141: {  	v10 =	vld [tilespmem:s17+$0xFFFFFF90];
	v17 =	vmul.f32 $5.120000080e+01, v16;
	v18 =	vmax.f32 v3, $-2.000000000e+00;
	v3 =	vadd.f32 $8.388736000e+06, v11  }
0x142: {  	v19 =	vadd.f32 $8.388736000e+06, v7;
	v20 =	vld [tilespmem:s17+$0xFFFFFFB0];
	v21 =	vmul.f32 $5.120000080e+01, v18;
	v11 =	vmax.f32 v12, $-2.000000000e+00  }
0x143: {  	v22 =	vld [tilespmem:s17+$0xFFFFFFD0];
	v12 =	vmul.f32 $5.120000080e+01, v11;
	v9 =	vmax.f32 v2, $-2.000000000e+00;
	v2 =	vand.u32 $0x7FF, v3;
	[tilespmem:s9+$0x30] =	vst v8  }
0x144: {  	v3 =	vadd.f32 $8.388736000e+06, v17;
	v17 =	vld [tilespmem:s17+$0xFFFFFFF0];
	v8 =	vmul.f32 $5.120000080e+01, v9;
	v7 =	vmax.f32 v14, $-2.000000000e+00  }
0x145: {  	v14 =	vmax.f32 v1, $-2.000000000e+00;
	v1 =	vadd.f32 $8.388736000e+06, v21;
	v21 =	vmul.f32 $5.120000080e+01, v7;
	v23 =	vld [tilespmem:s17+$0x70]  }
0x146: {  	v12 =	vadd.f32 $8.388736000e+06, v12;
	v24 =	vmul.f32 $5.120000080e+01, v14;
	v25 =	vld [tilespmem:s17+$0x10];
	v8 =	vadd.f32 $8.388736000e+06, v8  }
0x147: {  	v19 =	vand.u32 $0x7FF, v19;
	v26 =	vand.u32 $0x7FF, v3;
	v27 =	vld [tilespmem:s17+$0x30];
	v3 =	vadd.f32 $8.388736000e+06, v21  }
0x148: {  	v28 =	vand.u32 $0x7FF, v12;
	v21 =	vadd.f32 $8.388736000e+06, v24;
	v24 =	vand.u32 $0x7FF, v1;
	v29 =	vld.idx.msk [tilespmem:v2+s4+$0x0], $0xffff  }
0x149: {  	v12 =	vmax.f32 v10, $-2.000000000e+00;
	v30 =	vand.u32 $0x7FF, v8;
	v31 =	vand.u32 $0x7FF, v3;
	v32 =	vld.idx.msk [tilespmem:v2+s22+$0x0], $0xffff  }
0x14a: {  	v10 =	vmax.f32 v20, $-2.000000000e+00;
	v21 =	vand.u32 $0x7FF, v21;
	v20 =	vld [tilespmem:s17+$0x50];
	v23 =	vmax.f32 v23, $-2.000000000e+00  }
0x14b: {  	v8 =	vmax.f32 v22, $-2.000000000e+00;
	v3 =	vmax.f32 v17, $-2.000000000e+00;
	v17 =	vmul.f32 $5.120000080e+01, v23;
	v22 =	vld.idx.msk [tilespmem:v5+s22+$0x0], $0xffff  }
0x14c: {  	v5 =	vmul.f32 $5.120000080e+01, v12;
	v2 =	vmax.f32 v25, $-2.000000000e+00;
	v33 =	vld.idx.msk [tilespmem:v19+s4+$0x0], $0xffff;
	v1 =	vmax.f32 v27, $-2.000000000e+00  }
0x14d: {  	v25 =	vmul.f32 $5.120000080e+01, v10;
	v27 =	vmul.f32 $5.120000080e+01, v8;
	v19 =	vld.idx.msk [tilespmem:v19+s22+$0x0], $0xffff;
	v17 =	vadd.f32 $8.388736000e+06, v17  }
0x14e: {  	v35 =	vmul.f32 $5.120000080e+01, v3;
	v36 =	vmul.f32 $5.120000080e+01, v2;
	v5 =	vadd.f32 $8.388736000e+06, v5;
	v34 =	vld.idx.msk [tilespmem:v26+s4+$0x0], $0xffff  }
0x14f: {  	v38 =	vsub.f32 v32, v15;
	v15 =	vsub.f32 v15, v29;
	v37 =	vld.idx.msk [tilespmem:v21+s4+$0x0], $0xffff;
	v17 =	vand.u32 $0x7FF, v17  }
0x150: {  	v25 =	vadd.f32 $8.388736000e+06, v25;
	v39 =	vmul.f32 $5.120000080e+01, v1;
	v20 =	vmax.f32 v20, $-2.000000000e+00;
	v21 =	vld.idx.msk [tilespmem:v21+s22+$0x0], $0xffff  }
0x151: {  	v27 =	vadd.f32 $8.388736000e+06, v27;
	v40 =	vmul.f32 $5.120000080e+01, v20;
	vm0 =	vlt.f32 v38, v15;
	v26 =	vld.idx.msk [tilespmem:v26+s22+$0x0], $0xffff  }
0x152: {  	v35 =	vadd.f32 $8.388736000e+06, v35;
	v15 =	vsub.f32 v13, v33;
	v29 =	vsel vm0, v32, v29;
	v38 =	vld.idx.msk [tilespmem:v24+s4+$0x0], $0xffff  }
0x153: {  	v32 =	vand.u32 $0x7FF, v5;
	v5 =	vsub.f32 v19, v13;
	v13 =	vld.idx.msk [tilespmem:v24+s22+$0x0], $0xffff;
	v24 =	vadd.f32 $8.388736000e+06, v36;
	[tilespmem:s17+$0x60] =	vst v29  }
0x154: {  	v25 =	vand.u32 $0x7FF, v25;
	v29 =	vsub.f32 v16, v34;
	v36 =	vadd.f32 $8.388736000e+06, v39;
	v39 =	vld.idx.msk [tilespmem:v17+s4+$0x0], $0xffff  }
0x155: {  	v41 =	vsub.f32 v14, v37;
	vm0 =	vlt.f32 v5, v15;
	v5 =	vadd.f32 $8.388736000e+06, v40;
	v15 =	vld.idx.msk [tilespmem:v17+s22+$0x0], $0xffff  }
0x156: {  	v14 =	vsub.f32 v21, v14;
	v17 =	vsel vm0, v19, v33;
	v19 =	vand.u32 $0x7FF, v27;
	v27 =	vld.idx.msk [tilespmem:v28+s4+$0x0], $0xffff  }
0x157: {  	v24 =	vand.u32 $0x7FF, v24;
	v16 =	vsub.f32 v26, v16;
	[tilespmem:s17+$0xFFFFFFA0] =	vst v17;
	v17 =	vand.u32 $0x7FF, v35;
	v28 =	vld.idx.msk [tilespmem:v28+s22+$0x0], $0xffff  }
0x158: {  	vm0 =	vlt.f32 v14, v41;
	v14 =	vsub.f32 v18, v38;
	v35 =	vand.u32 $0x7FF, v36;
	v33 =	vld.idx.msk [tilespmem:v30+s4+$0x0], $0xffff  }
0x159: {  	v21 =	vsel vm0, v21, v37;
	vm0 =	vlt.f32 v16, v29;
	v16 =	vsub.f32 v13, v18;
	v18 =	vld.idx.msk [tilespmem:v30+s22+$0x0], $0xffff  }
0x15a: {  	v5 =	vand.u32 $0x7FF, v5;
	v29 =	vsub.f32 v22, v0;
	[tilespmem:s17+$0xFFFFFF80] =	vst v21;
	v21 =	vsel vm0, v26, v34;
	v26 =	vld.idx.msk [tilespmem:v31+s4+$0x0], $0xffff  }
0x15b: {  	vm0 =	vlt.f32 v16, v14;
	v16 =	vsub.f32 v15, v23;
	v23 =	vsub.f32 v23, v39;
	v14 =	vld.idx.msk [tilespmem:v31+s22+$0x0], $0xffff  }
0x15c: {  	v0 =	vmov v20;
	v13 =	vsel vm0, v13, v38;
	v30 =	vld.idx.msk [tilespmem:v32+s4+$0x0], $0xffff;
	[tilespmem:s17+$0xFFFFFFC0] =	vst v21;
	v21 =	vsub.f32 v11, v27  }
0x15d: {  	v11 =	vsub.f32 v28, v11;
	vm0 =	vlt.f32 v16, v23;
	v20 =	vld.idx.msk [tilespmem:v32+s22+$0x0], $0xffff;
	[tilespmem:s17+$0xFFFFFFE0] =	vst v13  }
0x15e: {  	v13 =	vsub.f32 v9, v33;
	v15 =	vsel vm0, v15, v39;
	vm0 =	vlt.f32 v29, v6;
	v16 =	vld.idx.msk [tilespmem:v25+s4+$0x0], $0xffff  }
0x15f: {  	vm1 =	vlt.f32 v11, v21;
	v9 =	vsub.f32 v18, v9;
	v23 =	vld.idx.msk [tilespmem:v25+s22+$0x0], $0xffff;
	[tilespmem:s17+$0x70] =	vst v15  }
0x160: {  	v4 =	vsel vm0, v22, v4;
	v15 =	vsel vm1, v28, v27;
	v21 =	vsub.f32 v7, v26;
	v6 =	vld.idx.msk [tilespmem:v19+s4+$0x0], $0xffff  }
0x161: {  	vm0 =	vlt.f32 v9, v13;
	v9 =	vsub.f32 v14, v7;
	v11 =	vld.idx.msk [tilespmem:v19+s22+$0x0], $0xffff;
	[tilespmem:s17+$0x0] =	vst v15  }
0x162: {  	v13 =	vsub.f32 v12, v30;
	v15 =	vsel vm0, v18, v33;
	v7 =	vld.idx.msk [tilespmem:v17+s4+$0x0], $0xffff;
	[tilespmem:s9+$0x50] =	vst v4;
	s9 =	smov.u32 s17  }
0x163: {  	v4 =	vsub.f32 v20, v12;
	vm0 =	vlt.f32 v9, v21;
	v12 =	vld.idx.msk [tilespmem:v17+s22+$0x0], $0xffff;
	[tilespmem:s17+$0x20] =	vst v15  }
.Ltmp2:
0x164: {  	v15 =	vsub.f32 v10, v16;
	v14 =	vsel vm0, v14, v26;
	v9 =	vld.idx.msk [tilespmem:v24+s4+$0x0], $0xffff;
	(pc) =	sbr.rel @p0 .LBB2_7-.Ltmp2, $4  }
0x165: {  	vm0 =	vlt.f32 v4, v13;
	v4 =	vsub.f32 v23, v10;
	v13 =	vld.idx.msk [tilespmem:v24+s22+$0x0], $0xffff;
	[tilespmem:s17+$0x40] =	vst v14  }
0x166: {  	v17 =	vsel vm0, v20, v30;
	v14 =	vsub.f32 v8, v6;
	v10 =	vld.idx.msk [tilespmem:v35+s4+$0x0], $0xffff  }
0x167: {  	vm0 =	vlt.f32 v4, v15;
	[tilespmem:s17+$0xFFFFFF90] =	vst v17;
	v17 =	vsub.f32 v11, v8;
	v8 =	vld.idx.msk [tilespmem:v35+s22+$0x0], $0xffff  }
0x168: {  	v16 =	vsel vm0, v23, v16;
	v15 =	vsub.f32 v3, v7;
	s17 =	sadd.s32 $0x100, s17;
	v4 =	vld.idx.msk [tilespmem:v5+s4+$0x0], $0xffff  }
0x169: {  	_ =	sdelay $0x3  }
0x16a: {  	v5 =	vld.idx.msk [tilespmem:v5+s22+$0x0], $0xffff  }
0x16b: {  	vm0 =	vlt.f32 v17, v14;
	v3 =	vsub.f32 v12, v3  }
0x16c: {  	v6 =	vsel vm0, v11, v6  }
0x16d: {  	v11 =	vsub.f32 v2, v9;
	v2 =	vsub.f32 v13, v2;
	vm13 =	vlt.f32 v3, v15  }
0x16e: {  	[tilespmem:s9+$0xFFFFFFB0] =	vst v16;
	v3 =	vsel vm13, v12, v7;
	v7 =	vsub.f32 v1, v10;
	v1 =	vsub.f32 v8, v1  }
0x16f: {  	[tilespmem:s9+$0xFFFFFFD0] =	vst v6;
	vm14 =	vlt.f32 v2, v11;
	v2 =	vsub.f32 v0, v4;
	v0 =	vsub.f32 v5, v0  }
0x170: {  	[tilespmem:s9+$0xFFFFFFF0] =	vst v3;
	v3 =	vsel vm14, v13, v9;
	vm15 =	vlt.f32 v1, v7  }
0x171: {  	s16 =	sadd.s32 s6, s13;
	[tilespmem:s9+$0x10] =	vst v3;
	v1 =	vsel vm15, v8, v10;
	vm4 =	vlt.f32 v0, v2  }
0x172: {  	s16 =	sshrl.u32 s16, $0x3;
	[tilespmem:s9+$0x30] =	vst v1;
	v0 =	vsel vm4, v5, v4  }
0x173: {  	s16 =	sadd.s32 s3, s16;
	[tilespmem:s9+$0x50] =	vst v0  }
0x174: {  	[hbm4b:s16+s4] =	stream.linear.scatter [tilespmem:s25], [sflag:$0x6], $0x8000, $0x38;
	[tilespmem:$0x19000] =	vst v63  }
0x175: {  	s17 =	sadd.s32 s6, s14;
	_ =	swait.ge [sflag:s31], $0x8000  }
0x176: {  	s9 =	sshrl.u32 s17, $0x3;
	[sflag:s31] =	ssyncset.done $0x0  }
0x177: {  	s9 =	sadd.s32 s1, s9;
	[sflag:s31] =	ssyncadd.s32 $0xFFFF8000  }
0x178: {  	[tilespmem:s24], [sflag:$0x2] =	stream.linear.gather [hbm4b:s9+s4], $0x8000, $0x38;
	[tilespmem:$0x19000] =	vst v63  }
0x179: {  	_ =	swait.ge [sflag:s26], $0x8000  }
0x17a: {  	[sflag:s26] =	ssyncset.done $0x0  }
0x17b: {  	s9 =	simm.s32 $0x1080;
	[sflag:s26] =	ssyncadd.s32 $0xFFFF8000  }
0x17c: {  	v0 =	vld [tilespmem:s9+$0x60]  }
0x17d: {  	v1 =	vld [tilespmem:s9+$0xFFFFFFA0]  }
0x17e: {  	v2 =	vld [tilespmem:s9+$0xFFFFFFC0]  }
0x17f: {  	v3 =	vld [tilespmem:s9+$0xFFFFFFE0]  }
0x180: {  	v4 =	vld [tilespmem:s9+$0x0]  }
0x181: {  	v7 =	vld [tilespmem:s9+$0xFFFFFF80]  }
0x182: {  	v5 =	vld [tilespmem:s9+$0x20];
	v0 =	vmax.f32 v0, $-2.000000000e+00  }
0x183: {  	v8 =	vld [tilespmem:s9+$0x40];
	v6 =	vmul.f32 $5.120000080e+01, v0  }
0x184: {  	v13 =	vld [tilespmem:s9+$0xFFFFFFD0];
	v9 =	vmax.f32 v1, $-2.000000000e+00  }
0x185: {  	v16 =	vld [tilespmem:s9+$0xFFFFFFF0];
	v10 =	vmul.f32 $5.120000080e+01, v9;
	v6 =	vadd.f32 $8.388736000e+06, v6  }
0x186: {  	v18 =	vld [tilespmem:s9+$0x10];
	v11 =	vmax.f32 v2, $-2.000000000e+00;
	v14 =	vmax.f32 v3, $-2.000000000e+00;
	v7 =	vmax.f32 v7, $-2.000000000e+00  }
0x187: {  	v21 =	vld [tilespmem:s9+$0x30];
	v12 =	vmul.f32 $5.120000080e+01, v11;
	v3 =	vadd.f32 $8.388736000e+06, v10;
	v6 =	vand.u32 $0x7FF, v6  }
0x188: {  	v24 =	vld [tilespmem:s9+$0x50];
	v17 =	vmul.f32 $5.120000080e+01, v7  }
0x189: {  	v1 =	vld [tilespmem:s9+$0xFFFFFF90];
	v4 =	vmax.f32 v4, $-2.000000000e+00;
	v12 =	vadd.f32 $8.388736000e+06, v12;
	v3 =	vand.u32 $0x7FF, v3  }
0x18a: {  	v5 =	vmax.f32 v5, $-2.000000000e+00;
	v8 =	vmax.f32 v8, $-2.000000000e+00;
	v10 =	vld [tilespmem:s9+$0x70];
	v17 =	vadd.f32 $8.388736000e+06, v17  }
0x18b: {  	v2 =	vld [tilespmem:s9+$0xFFFFFFB0];
	v15 =	vmul.f32 $5.120000080e+01, v14;
	v19 =	vmul.f32 $5.120000080e+01, v4;
	v12 =	vand.u32 $0x7FF, v12  }
0x18c: {  	v20 =	vmul.f32 $5.120000080e+01, v5;
	v23 =	vmul.f32 $5.120000080e+01, v8;
	v17 =	vand.u32 $0x7FF, v17;
	v22 =	vld.idx.msk [tilespmem:v6+s4+$0x0], $0xffff  }
0x18d: {  	v15 =	vadd.f32 $8.388736000e+06, v15;
	v19 =	vadd.f32 $8.388736000e+06, v19;
	v6 =	vld.idx.msk [tilespmem:v6+s22+$0x0], $0xffff  }
0x18e: {  	v33 =	vmax.f32 v13, $-2.000000000e+00;
	v20 =	vadd.f32 $8.388736000e+06, v20;
	v23 =	vadd.f32 $8.388736000e+06, v23;
	v26 =	vld.idx.msk [tilespmem:v3+s4+$0x0], $0xffff  }
0x18f: {  	v15 =	vand.u32 $0x7FF, v15;
	v19 =	vand.u32 $0x7FF, v19;
	v10 =	vmax.f32 v10, $-2.000000000e+00;
	v28 =	vld.idx.msk [tilespmem:v3+s22+$0x0], $0xffff  }
0x190: {  	v27 =	vmax.f32 v1, $-2.000000000e+00;
	v20 =	vand.u32 $0x7FF, v20;
	v25 =	vmul.f32 $5.120000080e+01, v10;
	v29 =	vld.idx.msk [tilespmem:v12+s4+$0x0], $0xffff  }
0x191: {  	v51 =	vmax.f32 v2, $-2.000000000e+00;
	v2 =	vmax.f32 v18, $-2.000000000e+00;
	v13 =	vmul.f32 $5.120000080e+01, v27;
	v30 =	vld.idx.msk [tilespmem:v17+s4+$0x0], $0xffff  }
0x192: {  	v3 =	vmax.f32 v16, $-2.000000000e+00;
	v16 =	vld.idx.msk [tilespmem:v17+s22+$0x0], $0xffff;
	v17 =	vmul.f32 $5.120000080e+01, v33;
	v1 =	vadd.f32 $8.388736000e+06, v25  }
0x193: {  	v23 =	vand.u32 $0x7FF, v23;
	v53 =	vmul.f32 $5.120000080e+01, v2;
	v12 =	vld.idx.msk [tilespmem:v12+s22+$0x0], $0xffff;
	v52 =	vmul.f32 $5.120000080e+01, v3  }
0x194: {  	v13 =	vadd.f32 $8.388736000e+06, v13;
	v18 =	vld.idx.msk [tilespmem:v15+s4+$0x0], $0xffff;
	v17 =	vadd.f32 $8.388736000e+06, v17;
	v32 =	vand.u32 $0x7FF, v1  }
0x195: {  	v15 =	vld.idx.msk [tilespmem:v15+s22+$0x0], $0xffff;
	v1 =	vmax.f32 v21, $-2.000000000e+00;
	v21 =	vadd.f32 $8.388736000e+06, v52;
	v31 =	vsub.f32 v6, v0  }
0x196: {  	v37 =	vld.idx.msk [tilespmem:v19+s4+$0x0], $0xffff;
	v13 =	vand.u32 $0x7FF, v13;
	v0 =	vsub.f32 v0, v22;
	v55 =	vsub.f32 v7, v30  }
0x197: {  	v19 =	vld.idx.msk [tilespmem:v19+s22+$0x0], $0xffff;
	v54 =	vmul.f32 $5.120000080e+01, v1;
	v7 =	vsub.f32 v16, v7;
	v36 =	vsub.f32 v9, v26  }
0x198: {  	v57 =	vld.idx.msk [tilespmem:v20+s4+$0x0], $0xffff;
	v17 =	vand.u32 $0x7FF, v17;
	v9 =	vsub.f32 v28, v9;
	v56 =	vsub.f32 v11, v29  }
0x199: {  	v20 =	vld.idx.msk [tilespmem:v20+s22+$0x0], $0xffff;
	v11 =	vsub.f32 v12, v11;
	v58 =	vadd.f32 $8.388736000e+06, v54;
	vm5 =	vlt.f32 v31, v0  }
0x19a: {  	v59 =	vld.idx.msk [tilespmem:v23+s4+$0x0], $0xffff;
	v0 =	vmul.f32 $5.120000080e+01, v51;
	vm6 =	vlt.f32 v7, v55;
	v6 =	vsel vm5, v6, v22  }
0x19b: {  	vm7 =	vlt.f32 v9, v36;
	v9 =	vsub.f32 v14, v18;
	v14 =	vsub.f32 v15, v14;
	[tilespmem:s9+$0x60] =	vst v6  }
0x19c: {  	vm8 =	vlt.f32 v11, v56;
	v16 =	vsel vm6, v16, v30;
	v6 =	vadd.f32 $8.388736000e+06, v0;
	v34 =	vld.idx.msk [tilespmem:v32+s4+$0x0], $0xffff  }
0x19d: {  	v7 =	vadd.f32 $8.388736000e+06, v53;
	v26 =	vsel vm7, v28, v26;
	v11 =	vsel vm8, v12, v29;
	[tilespmem:s9+$0xFFFFFF80] =	vst v16;
	v32 =	vld.idx.msk [tilespmem:v32+s22+$0x0], $0xffff  }
0x19e: {  	v0 =	vmax.f32 v24, $-2.000000000e+00;
	vm9 =	vlt.f32 v14, v9;
	v14 =	vld.idx.msk [tilespmem:v13+s4+$0x0], $0xffff;
	v6 =	vand.u32 $0x7FF, v6  }
0x19f: {  	v9 =	vand.u32 $0x7FF, v21;
	v61 =	vld.idx.msk [tilespmem:v13+s22+$0x0], $0xffff;
	v13 =	vsub.f32 v4, v37;
	v4 =	vsub.f32 v19, v4  }
0x1a0: {  	v16 =	vld.idx.msk [tilespmem:v23+s22+$0x0], $0xffff;
	[tilespmem:s9+$0xFFFFFFC0] =	vst v11;
	v35 =	vmul.f32 $5.120000080e+01, v0;
	v11 =	vsel vm9, v15, v18;
	v18 =	vand.u32 $0x7FF, v7  }
0x1a1: {  	[tilespmem:s9+$0xFFFFFFA0] =	vst v26;
	v7 =	vsub.f32 v5, v57;
	vm11 =	vlt.f32 v4, v13;
	v4 =	vsub.f32 v20, v5  }
0x1a2: {  	[tilespmem:s9+$0xFFFFFFE0] =	vst v11;
	v11 =	vld.idx.msk [tilespmem:v17+s22+$0x0], $0xffff;
	v12 =	vsub.f32 v32, v10;
	v10 =	vsub.f32 v10, v34  }
0x1a3: {  	v63 =	vand.u32 $0x7FF, v58;
	v60 =	vadd.f32 $8.388736000e+06, v35;
	v15 =	vld.idx.msk [tilespmem:v6+s4+$0x0], $0xffff  }
0x1a4: {  	v13 =	vsub.f32 v8, v59;
	vm12 =	vlt.f32 v4, v7;
	v62 =	vld.idx.msk [tilespmem:v6+s22+$0x0], $0xffff;
	vm10 =	vlt.f32 v12, v10  }
0x1a5: {  	v4 =	vsub.f32 v16, v8;
	v7 =	vld.idx.msk [tilespmem:v9+s4+$0x0], $0xffff;
	v8 =	vsub.f32 v27, v14;
	v10 =	vsel vm10, v32, v34  }
0x1a6: {  	v6 =	vld.idx.msk [tilespmem:v17+s4+$0x0], $0xffff;
	v17 =	vsub.f32 v61, v27;
	[tilespmem:s9+$0x70] =	vst v10;
	v10 =	vsel vm11, v19, v37  }
0x1a7: {  	v5 =	vand.u32 $0x7FF, v60;
	v12 =	vld.idx.msk [tilespmem:v9+s22+$0x0], $0xffff;
	[tilespmem:s9+$0x0] =	vst v10;
	v10 =	vsel vm12, v20, v57  }
0x1a8: {  	vm13 =	vlt.f32 v4, v13;
	vm14 =	vlt.f32 v17, v8;
	[tilespmem:s9+$0x20] =	vst v10;
	v9 =	vld.idx.msk [tilespmem:v18+s4+$0x0], $0xffff  }
0x1a9: {  	v4 =	vsub.f32 v51, v15;
	v10 =	vsel vm13, v16, v59;
	v8 =	vsub.f32 v62, v51;
	v13 =	vld.idx.msk [tilespmem:v18+s22+$0x0], $0xffff  }
0x1aa: {  	v17 =	vsub.f32 v11, v33;
	[tilespmem:s9+$0x40] =	vst v10;
	v10 =	vld.idx.msk [tilespmem:v63+s4+$0x0], $0xffff  }
0x1ab: {  	v16 =	vsel vm14, v61, v14;
	v14 =	vsub.f32 v33, v6;
	vm15 =	vlt.f32 v8, v4;
	v8 =	vld.idx.msk [tilespmem:v63+s22+$0x0], $0xffff  }
0x1ac: {  	s17 =	simm.s32 $0x1180;
	s16 =	simm.s32 $0x0;
	[tilespmem:s9+$0xFFFFFF90] =	vst v16;
	v4 =	vld.idx.msk [tilespmem:v5+s4+$0x0], $0xffff;
	v16 =	vsel vm15, v62, v15;
	v15 =	vsub.f32 v3, v7  }
.LBB2_9:
0x1ad: {  	v18 =	vld [tilespmem:s17+$0x60];
	[tilespmem:s9+$0xFFFFFFB0] =	vst v16;
	vm0 =	vlt.f32 v17, v14;
	v3 =	vsub.f32 v12, v3  }
0x1ae: {  	v14 =	vld [tilespmem:s17+$0xFFFFFFA0];
	v6 =	vsel vm0, v11, v6;
	v11 =	vsub.f32 v2, v9  }
0x1af: {  	s16 =	sadd.s32 $0x8, s16;
	v2 =	vsub.f32 v13, v2;
	v16 =	vld [tilespmem:s17+$0xFFFFFFC0];
	[tilespmem:s9+$0xFFFFFFD0] =	vst v6;
	vm0 =	vlt.f32 v3, v15  }
0x1b0: {  	p0 =	slt.u32 s16, $0x3F8;
	v3 =	vld [tilespmem:s17+$0xFFFFFFE0];
	v6 =	vsel vm0, v12, v7;
	v7 =	vsub.f32 v1, v10  }
0x1b1: {  	vm0 =	vlt.f32 v2, v11;
	v1 =	vsub.f32 v8, v1;
	v12 =	vld [tilespmem:s17+$0x0];
	[tilespmem:s9+$0xFFFFFFF0] =	vst v6  }
0x1b2: {  	v9 =	vsel vm0, v13, v9;
	v6 =	vsub.f32 v0, v4;
	v2 =	vld [tilespmem:s17+$0x20];
	v15 =	vmax.f32 v18, $-2.000000000e+00  }
0x1b3: {  	vm0 =	vlt.f32 v1, v7;
	v13 =	vmax.f32 v14, $-2.000000000e+00;
	v14 =	vld [tilespmem:s17+$0x40];
	v11 =	vmul.f32 $5.120000080e+01, v15;
	[tilespmem:s9+$0x10] =	vst v9  }
0x1b4: {  	v8 =	vsel vm0, v8, v10;
	v1 =	vld [tilespmem:s17+$0xFFFFFF80];
	v7 =	vmul.f32 $5.120000080e+01, v13;
	v16 =	vmax.f32 v16, $-2.000000000e+00  }
0x1b5: {  	v10 =	vld [tilespmem:s17+$0xFFFFFF90];
	v17 =	vmul.f32 $5.120000080e+01, v16;
	v18 =	vmax.f32 v3, $-2.000000000e+00;
	v3 =	vadd.f32 $8.388736000e+06, v11  }
0x1b6: {  	v19 =	vadd.f32 $8.388736000e+06, v7;
	v20 =	vld [tilespmem:s17+$0xFFFFFFB0];
	v21 =	vmul.f32 $5.120000080e+01, v18;
	v11 =	vmax.f32 v12, $-2.000000000e+00  }
0x1b7: {  	v22 =	vld [tilespmem:s17+$0xFFFFFFD0];
	v12 =	vmul.f32 $5.120000080e+01, v11;
	v9 =	vmax.f32 v2, $-2.000000000e+00;
	v2 =	vand.u32 $0x7FF, v3;
	[tilespmem:s9+$0x30] =	vst v8  }
0x1b8: {  	v3 =	vadd.f32 $8.388736000e+06, v17;
	v17 =	vld [tilespmem:s17+$0xFFFFFFF0];
	v8 =	vmul.f32 $5.120000080e+01, v9;
	v7 =	vmax.f32 v14, $-2.000000000e+00  }
0x1b9: {  	v14 =	vmax.f32 v1, $-2.000000000e+00;
	v1 =	vadd.f32 $8.388736000e+06, v21;
	v21 =	vmul.f32 $5.120000080e+01, v7;
	v23 =	vld [tilespmem:s17+$0x70]  }
0x1ba: {  	v12 =	vadd.f32 $8.388736000e+06, v12;
	v24 =	vmul.f32 $5.120000080e+01, v14;
	v25 =	vld [tilespmem:s17+$0x10];
	v8 =	vadd.f32 $8.388736000e+06, v8  }
0x1bb: {  	v19 =	vand.u32 $0x7FF, v19;
	v26 =	vand.u32 $0x7FF, v3;
	v27 =	vld [tilespmem:s17+$0x30];
	v3 =	vadd.f32 $8.388736000e+06, v21  }
0x1bc: {  	v28 =	vand.u32 $0x7FF, v12;
	v21 =	vadd.f32 $8.388736000e+06, v24;
	v24 =	vand.u32 $0x7FF, v1;
	v29 =	vld.idx.msk [tilespmem:v2+s4+$0x0], $0xffff  }
0x1bd: {  	v12 =	vmax.f32 v10, $-2.000000000e+00;
	v30 =	vand.u32 $0x7FF, v8;
	v31 =	vand.u32 $0x7FF, v3;
	v32 =	vld.idx.msk [tilespmem:v2+s22+$0x0], $0xffff  }
0x1be: {  	v10 =	vmax.f32 v20, $-2.000000000e+00;
	v21 =	vand.u32 $0x7FF, v21;
	v20 =	vld [tilespmem:s17+$0x50];
	v23 =	vmax.f32 v23, $-2.000000000e+00  }
0x1bf: {  	v8 =	vmax.f32 v22, $-2.000000000e+00;
	v3 =	vmax.f32 v17, $-2.000000000e+00;
	v17 =	vmul.f32 $5.120000080e+01, v23;
	v22 =	vld.idx.msk [tilespmem:v5+s22+$0x0], $0xffff  }
0x1c0: {  	v5 =	vmul.f32 $5.120000080e+01, v12;
	v2 =	vmax.f32 v25, $-2.000000000e+00;
	v33 =	vld.idx.msk [tilespmem:v19+s4+$0x0], $0xffff;
	v1 =	vmax.f32 v27, $-2.000000000e+00  }
0x1c1: {  	v25 =	vmul.f32 $5.120000080e+01, v10;
	v27 =	vmul.f32 $5.120000080e+01, v8;
	v19 =	vld.idx.msk [tilespmem:v19+s22+$0x0], $0xffff;
	v17 =	vadd.f32 $8.388736000e+06, v17  }
0x1c2: {  	v35 =	vmul.f32 $5.120000080e+01, v3;
	v36 =	vmul.f32 $5.120000080e+01, v2;
	v5 =	vadd.f32 $8.388736000e+06, v5;
	v34 =	vld.idx.msk [tilespmem:v26+s4+$0x0], $0xffff  }
0x1c3: {  	v38 =	vsub.f32 v32, v15;
	v15 =	vsub.f32 v15, v29;
	v37 =	vld.idx.msk [tilespmem:v21+s4+$0x0], $0xffff;
	v17 =	vand.u32 $0x7FF, v17  }
0x1c4: {  	v25 =	vadd.f32 $8.388736000e+06, v25;
	v39 =	vmul.f32 $5.120000080e+01, v1;
	v20 =	vmax.f32 v20, $-2.000000000e+00;
	v21 =	vld.idx.msk [tilespmem:v21+s22+$0x0], $0xffff  }
0x1c5: {  	v27 =	vadd.f32 $8.388736000e+06, v27;
	v40 =	vmul.f32 $5.120000080e+01, v20;
	vm0 =	vlt.f32 v38, v15;
	v26 =	vld.idx.msk [tilespmem:v26+s22+$0x0], $0xffff  }
0x1c6: {  	v35 =	vadd.f32 $8.388736000e+06, v35;
	v15 =	vsub.f32 v13, v33;
	v29 =	vsel vm0, v32, v29;
	v38 =	vld.idx.msk [tilespmem:v24+s4+$0x0], $0xffff  }
0x1c7: {  	v32 =	vand.u32 $0x7FF, v5;
	v5 =	vsub.f32 v19, v13;
	v13 =	vld.idx.msk [tilespmem:v24+s22+$0x0], $0xffff;
	v24 =	vadd.f32 $8.388736000e+06, v36;
	[tilespmem:s17+$0x60] =	vst v29  }
0x1c8: {  	v25 =	vand.u32 $0x7FF, v25;
	v29 =	vsub.f32 v16, v34;
	v36 =	vadd.f32 $8.388736000e+06, v39;
	v39 =	vld.idx.msk [tilespmem:v17+s4+$0x0], $0xffff  }
0x1c9: {  	v41 =	vsub.f32 v14, v37;
	vm0 =	vlt.f32 v5, v15;
	v5 =	vadd.f32 $8.388736000e+06, v40;
	v15 =	vld.idx.msk [tilespmem:v17+s22+$0x0], $0xffff  }
0x1ca: {  	v14 =	vsub.f32 v21, v14;
	v17 =	vsel vm0, v19, v33;
	v19 =	vand.u32 $0x7FF, v27;
	v27 =	vld.idx.msk [tilespmem:v28+s4+$0x0], $0xffff  }
0x1cb: {  	v24 =	vand.u32 $0x7FF, v24;
	v16 =	vsub.f32 v26, v16;
	[tilespmem:s17+$0xFFFFFFA0] =	vst v17;
	v17 =	vand.u32 $0x7FF, v35;
	v28 =	vld.idx.msk [tilespmem:v28+s22+$0x0], $0xffff  }
0x1cc: {  	vm0 =	vlt.f32 v14, v41;
	v14 =	vsub.f32 v18, v38;
	v35 =	vand.u32 $0x7FF, v36;
	v33 =	vld.idx.msk [tilespmem:v30+s4+$0x0], $0xffff  }
0x1cd: {  	v21 =	vsel vm0, v21, v37;
	vm0 =	vlt.f32 v16, v29;
	v16 =	vsub.f32 v13, v18;
	v18 =	vld.idx.msk [tilespmem:v30+s22+$0x0], $0xffff  }
0x1ce: {  	v5 =	vand.u32 $0x7FF, v5;
	v29 =	vsub.f32 v22, v0;
	[tilespmem:s17+$0xFFFFFF80] =	vst v21;
	v21 =	vsel vm0, v26, v34;
	v26 =	vld.idx.msk [tilespmem:v31+s4+$0x0], $0xffff  }
0x1cf: {  	vm0 =	vlt.f32 v16, v14;
	v16 =	vsub.f32 v15, v23;
	v23 =	vsub.f32 v23, v39;
	v14 =	vld.idx.msk [tilespmem:v31+s22+$0x0], $0xffff  }
0x1d0: {  	v0 =	vmov v20;
	v13 =	vsel vm0, v13, v38;
	v30 =	vld.idx.msk [tilespmem:v32+s4+$0x0], $0xffff;
	[tilespmem:s17+$0xFFFFFFC0] =	vst v21;
	v21 =	vsub.f32 v11, v27  }
0x1d1: {  	v11 =	vsub.f32 v28, v11;
	vm0 =	vlt.f32 v16, v23;
	v20 =	vld.idx.msk [tilespmem:v32+s22+$0x0], $0xffff;
	[tilespmem:s17+$0xFFFFFFE0] =	vst v13  }
0x1d2: {  	v13 =	vsub.f32 v9, v33;
	v15 =	vsel vm0, v15, v39;
	vm0 =	vlt.f32 v29, v6;
	v16 =	vld.idx.msk [tilespmem:v25+s4+$0x0], $0xffff  }
0x1d3: {  	vm1 =	vlt.f32 v11, v21;
	v9 =	vsub.f32 v18, v9;
	v23 =	vld.idx.msk [tilespmem:v25+s22+$0x0], $0xffff;
	[tilespmem:s17+$0x70] =	vst v15  }
0x1d4: {  	v4 =	vsel vm0, v22, v4;
	v15 =	vsel vm1, v28, v27;
	v21 =	vsub.f32 v7, v26;
	v6 =	vld.idx.msk [tilespmem:v19+s4+$0x0], $0xffff  }
0x1d5: {  	vm0 =	vlt.f32 v9, v13;
	v9 =	vsub.f32 v14, v7;
	v11 =	vld.idx.msk [tilespmem:v19+s22+$0x0], $0xffff;
	[tilespmem:s17+$0x0] =	vst v15  }
0x1d6: {  	v13 =	vsub.f32 v12, v30;
	v15 =	vsel vm0, v18, v33;
	v7 =	vld.idx.msk [tilespmem:v17+s4+$0x0], $0xffff;
	[tilespmem:s9+$0x50] =	vst v4;
	s9 =	smov.u32 s17  }
0x1d7: {  	v4 =	vsub.f32 v20, v12;
	vm0 =	vlt.f32 v9, v21;
	v12 =	vld.idx.msk [tilespmem:v17+s22+$0x0], $0xffff;
	[tilespmem:s17+$0x20] =	vst v15  }
.Ltmp3:
0x1d8: {  	v15 =	vsub.f32 v10, v16;
	v14 =	vsel vm0, v14, v26;
	v9 =	vld.idx.msk [tilespmem:v24+s4+$0x0], $0xffff;
	(pc) =	sbr.rel @p0 .LBB2_9-.Ltmp3, $4  }
0x1d9: {  	vm0 =	vlt.f32 v4, v13;
	v4 =	vsub.f32 v23, v10;
	v13 =	vld.idx.msk [tilespmem:v24+s22+$0x0], $0xffff;
	[tilespmem:s17+$0x40] =	vst v14  }
0x1da: {  	v17 =	vsel vm0, v20, v30;
	v14 =	vsub.f32 v8, v6;
	v10 =	vld.idx.msk [tilespmem:v35+s4+$0x0], $0xffff  }
0x1db: {  	vm0 =	vlt.f32 v4, v15;
	[tilespmem:s17+$0xFFFFFF90] =	vst v17;
	v17 =	vsub.f32 v11, v8;
	v8 =	vld.idx.msk [tilespmem:v35+s22+$0x0], $0xffff  }
0x1dc: {  	v16 =	vsel vm0, v23, v16;
	v15 =	vsub.f32 v3, v7;
	s17 =	sadd.s32 $0x100, s17;
	v4 =	vld.idx.msk [tilespmem:v5+s4+$0x0], $0xffff  }
0x1dd: {  	_ =	sdelay $0x3  }
0x1de: {  	v5 =	vld.idx.msk [tilespmem:v5+s22+$0x0], $0xffff  }
0x1df: {  	v3 =	vsub.f32 v12, v3  }
0x1e0: {  	vm0 =	vlt.f32 v17, v14;
	v57 =	vsub.f32 v2, v9  }
0x1e1: {  	v6 =	vsel vm0, v11, v6;
	v58 =	vsub.f32 v13, v2;
	vm12 =	vlt.f32 v3, v15  }
0x1e2: {  	[tilespmem:s9+$0xFFFFFFB0] =	vst v16;
	v59 =	vsub.f32 v1, v10;
	v3 =	vsel vm12, v12, v7;
	v60 =	vsub.f32 v8, v1  }
0x1e3: {  	[tilespmem:s9+$0xFFFFFFD0] =	vst v6;
	vm13 =	vlt.f32 v58, v57;
	v61 =	vsub.f32 v0, v4;
	v62 =	vsub.f32 v5, v0  }
0x1e4: {  	[tilespmem:s9+$0xFFFFFFF0] =	vst v3;
	v63 =	vsel vm13, v13, v9;
	vm14 =	vlt.f32 v60, v59  }
0x1e5: {  	[tilespmem:s9+$0x10] =	vst v63;
	v1 =	vsel vm14, v8, v10;
	vm15 =	vlt.f32 v62, v61  }
0x1e6: {  	s5 =	sadd.s32 $0x1, s5;
	[tilespmem:s9+$0x30] =	vst v1;
	v0 =	vsel vm15, v5, v4  }
0x1e7: {  	s8 =	sadd.s32 s3, s8;
	p0 =	sne.s32 s5, $0x4;
	[tilespmem:s9+$0x50] =	vst v0  }
0x1e8: {  	[hbm4b:s8+s4] =	stream.linear.scatter [tilespmem:s23], [sflag:$0x4], $0x8000, $0x38;
	[tilespmem:$0x19000] =	vst v63  }
.Ltmp4:
0x1e9: {  	_ = 	snop;
	(pc) =	sbr.rel @p0 .LBB2_4-.Ltmp4, $4  }
0x1ea: {  	s6 =	sadd.s32 s6, s15;
	_ =	swait.ge [sflag:s0], $0x8000  }
0x1eb: {  	s6 =	sshrl.u32 s6, $0x3;
	[sflag:s0] =	ssyncset.done $0x0  }
0x1ec: {  	s6 =	sadd.s32 s1, s6;
	[sflag:s0] =	ssyncadd.s32 $0xFFFF8000  }
0x1ed: {  	[tilespmem:s25], [sflag:$0x3] =	stream.linear.gather [hbm4b:s6+s4], $0x8000, $0x38;
	[tilespmem:$0x19000] =	vst v63  }
0x1ee: {  	_ =	swait.ge [sflag:s28], $0x8000  }
0x1ef: {  	[sflag:s28] =	ssyncset.done $0x0  }
0x1f0: {  	s5 =	simm.s32 $0x9080;
	[sflag:s28] =	ssyncadd.s32 $0xFFFF8000  }
0x1f1: {  	v0 =	vld [tilespmem:s5+$0x60]  }
0x1f2: {  	v1 =	vld [tilespmem:s5+$0xFFFFFFA0]  }
0x1f3: {  	v2 =	vld [tilespmem:s5+$0xFFFFFFC0]  }
0x1f4: {  	v3 =	vld [tilespmem:s5+$0xFFFFFFE0]  }
0x1f5: {  	v4 =	vld [tilespmem:s5+$0x0]  }
0x1f6: {  	v7 =	vld [tilespmem:s5+$0xFFFFFF80]  }
0x1f7: {  	v5 =	vld [tilespmem:s5+$0x20];
	v0 =	vmax.f32 v0, $-2.000000000e+00  }
0x1f8: {  	v8 =	vld [tilespmem:s5+$0x40];
	v6 =	vmul.f32 $5.120000080e+01, v0  }
0x1f9: {  	v13 =	vld [tilespmem:s5+$0xFFFFFFD0];
	v9 =	vmax.f32 v1, $-2.000000000e+00  }
0x1fa: {  	v16 =	vld [tilespmem:s5+$0xFFFFFFF0];
	v10 =	vmul.f32 $5.120000080e+01, v9;
	v6 =	vadd.f32 $8.388736000e+06, v6  }
0x1fb: {  	v18 =	vld [tilespmem:s5+$0x10];
	v11 =	vmax.f32 v2, $-2.000000000e+00;
	v14 =	vmax.f32 v3, $-2.000000000e+00;
	v7 =	vmax.f32 v7, $-2.000000000e+00  }
0x1fc: {  	v21 =	vld [tilespmem:s5+$0x30];
	v12 =	vmul.f32 $5.120000080e+01, v11;
	v3 =	vadd.f32 $8.388736000e+06, v10;
	v6 =	vand.u32 $0x7FF, v6  }
0x1fd: {  	v24 =	vld [tilespmem:s5+$0x50];
	v17 =	vmul.f32 $5.120000080e+01, v7  }
0x1fe: {  	v1 =	vld [tilespmem:s5+$0xFFFFFF90];
	v4 =	vmax.f32 v4, $-2.000000000e+00;
	v12 =	vadd.f32 $8.388736000e+06, v12;
	v3 =	vand.u32 $0x7FF, v3  }
0x1ff: {  	v5 =	vmax.f32 v5, $-2.000000000e+00;
	v8 =	vmax.f32 v8, $-2.000000000e+00;
	v10 =	vld [tilespmem:s5+$0x70];
	v17 =	vadd.f32 $8.388736000e+06, v17  }
0x200: {  	v2 =	vld [tilespmem:s5+$0xFFFFFFB0];
	v15 =	vmul.f32 $5.120000080e+01, v14;
	v19 =	vmul.f32 $5.120000080e+01, v4;
	v12 =	vand.u32 $0x7FF, v12  }
0x201: {  	v20 =	vmul.f32 $5.120000080e+01, v5;
	v23 =	vmul.f32 $5.120000080e+01, v8;
	v17 =	vand.u32 $0x7FF, v17;
	v22 =	vld.idx.msk [tilespmem:v6+s4+$0x0], $0xffff  }
0x202: {  	v15 =	vadd.f32 $8.388736000e+06, v15;
	v19 =	vadd.f32 $8.388736000e+06, v19;
	v6 =	vld.idx.msk [tilespmem:v6+s22+$0x0], $0xffff  }
0x203: {  	v33 =	vmax.f32 v13, $-2.000000000e+00;
	v20 =	vadd.f32 $8.388736000e+06, v20;
	v23 =	vadd.f32 $8.388736000e+06, v23;
	v26 =	vld.idx.msk [tilespmem:v3+s4+$0x0], $0xffff  }
0x204: {  	v15 =	vand.u32 $0x7FF, v15;
	v19 =	vand.u32 $0x7FF, v19;
	v10 =	vmax.f32 v10, $-2.000000000e+00;
	v28 =	vld.idx.msk [tilespmem:v3+s22+$0x0], $0xffff  }
0x205: {  	v27 =	vmax.f32 v1, $-2.000000000e+00;
	v20 =	vand.u32 $0x7FF, v20;
	v25 =	vmul.f32 $5.120000080e+01, v10;
	v29 =	vld.idx.msk [tilespmem:v12+s4+$0x0], $0xffff  }
0x206: {  	v51 =	vmax.f32 v2, $-2.000000000e+00;
	v2 =	vmax.f32 v18, $-2.000000000e+00;
	v13 =	vmul.f32 $5.120000080e+01, v27;
	v30 =	vld.idx.msk [tilespmem:v17+s4+$0x0], $0xffff  }
0x207: {  	v3 =	vmax.f32 v16, $-2.000000000e+00;
	v16 =	vld.idx.msk [tilespmem:v17+s22+$0x0], $0xffff;
	v17 =	vmul.f32 $5.120000080e+01, v33;
	v1 =	vadd.f32 $8.388736000e+06, v25  }
0x208: {  	v23 =	vand.u32 $0x7FF, v23;
	v53 =	vmul.f32 $5.120000080e+01, v2;
	v12 =	vld.idx.msk [tilespmem:v12+s22+$0x0], $0xffff;
	v52 =	vmul.f32 $5.120000080e+01, v3  }
0x209: {  	v13 =	vadd.f32 $8.388736000e+06, v13;
	v18 =	vld.idx.msk [tilespmem:v15+s4+$0x0], $0xffff;
	v17 =	vadd.f32 $8.388736000e+06, v17;
	v32 =	vand.u32 $0x7FF, v1  }
0x20a: {  	v15 =	vld.idx.msk [tilespmem:v15+s22+$0x0], $0xffff;
	v1 =	vmax.f32 v21, $-2.000000000e+00;
	v21 =	vadd.f32 $8.388736000e+06, v52;
	v31 =	vsub.f32 v6, v0  }
0x20b: {  	v37 =	vld.idx.msk [tilespmem:v19+s4+$0x0], $0xffff;
	v13 =	vand.u32 $0x7FF, v13;
	v0 =	vsub.f32 v0, v22;
	v55 =	vsub.f32 v7, v30  }
0x20c: {  	v19 =	vld.idx.msk [tilespmem:v19+s22+$0x0], $0xffff;
	v54 =	vmul.f32 $5.120000080e+01, v1;
	v7 =	vsub.f32 v16, v7;
	v36 =	vsub.f32 v9, v26  }
0x20d: {  	v57 =	vld.idx.msk [tilespmem:v20+s4+$0x0], $0xffff;
	v17 =	vand.u32 $0x7FF, v17;
	v9 =	vsub.f32 v28, v9;
	v56 =	vsub.f32 v11, v29  }
0x20e: {  	v20 =	vld.idx.msk [tilespmem:v20+s22+$0x0], $0xffff;
	v11 =	vsub.f32 v12, v11;
	v58 =	vadd.f32 $8.388736000e+06, v54;
	vm0 =	vlt.f32 v31, v0  }
0x20f: {  	v59 =	vld.idx.msk [tilespmem:v23+s4+$0x0], $0xffff;
	v0 =	vmul.f32 $5.120000080e+01, v51;
	vm6 =	vlt.f32 v7, v55;
	v6 =	vsel vm0, v6, v22  }
0x210: {  	vm7 =	vlt.f32 v9, v36;
	v9 =	vsub.f32 v14, v18;
	v14 =	vsub.f32 v15, v14;
	[tilespmem:s5+$0x60] =	vst v6  }
0x211: {  	vm8 =	vlt.f32 v11, v56;
	v16 =	vsel vm6, v16, v30;
	v6 =	vadd.f32 $8.388736000e+06, v0;
	v34 =	vld.idx.msk [tilespmem:v32+s4+$0x0], $0xffff  }
0x212: {  	v7 =	vadd.f32 $8.388736000e+06, v53;
	v26 =	vsel vm7, v28, v26;
	v11 =	vsel vm8, v12, v29;
	[tilespmem:s5+$0xFFFFFF80] =	vst v16;
	v32 =	vld.idx.msk [tilespmem:v32+s22+$0x0], $0xffff  }
0x213: {  	v0 =	vmax.f32 v24, $-2.000000000e+00;
	vm9 =	vlt.f32 v14, v9;
	v14 =	vld.idx.msk [tilespmem:v13+s4+$0x0], $0xffff;
	v6 =	vand.u32 $0x7FF, v6  }
0x214: {  	v9 =	vand.u32 $0x7FF, v21;
	v61 =	vld.idx.msk [tilespmem:v13+s22+$0x0], $0xffff;
	v13 =	vsub.f32 v4, v37;
	v4 =	vsub.f32 v19, v4  }
0x215: {  	v16 =	vld.idx.msk [tilespmem:v23+s22+$0x0], $0xffff;
	[tilespmem:s5+$0xFFFFFFC0] =	vst v11;
	v35 =	vmul.f32 $5.120000080e+01, v0;
	v11 =	vsel vm9, v15, v18;
	v18 =	vand.u32 $0x7FF, v7  }
0x216: {  	[tilespmem:s5+$0xFFFFFFA0] =	vst v26;
	v7 =	vsub.f32 v5, v57;
	vm11 =	vlt.f32 v4, v13;
	v4 =	vsub.f32 v20, v5  }
0x217: {  	[tilespmem:s5+$0xFFFFFFE0] =	vst v11;
	v11 =	vld.idx.msk [tilespmem:v17+s22+$0x0], $0xffff;
	v12 =	vsub.f32 v32, v10;
	v10 =	vsub.f32 v10, v34  }
0x218: {  	v63 =	vand.u32 $0x7FF, v58;
	v60 =	vadd.f32 $8.388736000e+06, v35;
	v15 =	vld.idx.msk [tilespmem:v6+s4+$0x0], $0xffff  }
0x219: {  	v13 =	vsub.f32 v8, v59;
	vm12 =	vlt.f32 v4, v7;
	v62 =	vld.idx.msk [tilespmem:v6+s22+$0x0], $0xffff;
	vm10 =	vlt.f32 v12, v10  }
0x21a: {  	v4 =	vsub.f32 v16, v8;
	v7 =	vld.idx.msk [tilespmem:v9+s4+$0x0], $0xffff;
	v8 =	vsub.f32 v27, v14;
	v10 =	vsel vm10, v32, v34  }
0x21b: {  	v6 =	vld.idx.msk [tilespmem:v17+s4+$0x0], $0xffff;
	v17 =	vsub.f32 v61, v27;
	[tilespmem:s5+$0x70] =	vst v10;
	v10 =	vsel vm11, v19, v37  }
0x21c: {  	v5 =	vand.u32 $0x7FF, v60;
	v12 =	vld.idx.msk [tilespmem:v9+s22+$0x0], $0xffff;
	[tilespmem:s5+$0x0] =	vst v10;
	v10 =	vsel vm12, v20, v57  }
0x21d: {  	vm13 =	vlt.f32 v4, v13;
	vm14 =	vlt.f32 v17, v8;
	[tilespmem:s5+$0x20] =	vst v10;
	v9 =	vld.idx.msk [tilespmem:v18+s4+$0x0], $0xffff  }
0x21e: {  	v4 =	vsub.f32 v51, v15;
	v10 =	vsel vm13, v16, v59;
	v8 =	vsub.f32 v62, v51;
	v13 =	vld.idx.msk [tilespmem:v18+s22+$0x0], $0xffff  }
0x21f: {  	v17 =	vsub.f32 v11, v33;
	[tilespmem:s5+$0x40] =	vst v10;
	v10 =	vld.idx.msk [tilespmem:v63+s4+$0x0], $0xffff  }
0x220: {  	v16 =	vsel vm14, v61, v14;
	v14 =	vsub.f32 v33, v6;
	vm15 =	vlt.f32 v8, v4;
	v8 =	vld.idx.msk [tilespmem:v63+s22+$0x0], $0xffff  }
0x221: {  	s6 =	simm.s32 $0x0;
	s8 =	simm.s32 $0x9180;
	[tilespmem:s5+$0xFFFFFF90] =	vst v16;
	v4 =	vld.idx.msk [tilespmem:v5+s4+$0x0], $0xffff;
	v16 =	vsel vm15, v62, v15;
	v15 =	vsub.f32 v3, v7  }
.LBB2_12:
0x222: {  	v18 =	vld [tilespmem:s8+$0x60];
	[tilespmem:s5+$0xFFFFFFB0] =	vst v16;
	vm0 =	vlt.f32 v17, v14;
	v3 =	vsub.f32 v12, v3  }
0x223: {  	v14 =	vld [tilespmem:s8+$0xFFFFFFA0];
	v6 =	vsel vm0, v11, v6;
	v11 =	vsub.f32 v2, v9  }
0x224: {  	s6 =	sadd.s32 $0x8, s6;
	v2 =	vsub.f32 v13, v2;
	v16 =	vld [tilespmem:s8+$0xFFFFFFC0];
	[tilespmem:s5+$0xFFFFFFD0] =	vst v6;
	vm0 =	vlt.f32 v3, v15  }
0x225: {  	p0 =	slt.u32 s6, $0x3F8;
	v3 =	vld [tilespmem:s8+$0xFFFFFFE0];
	v6 =	vsel vm0, v12, v7;
	v7 =	vsub.f32 v1, v10  }
0x226: {  	vm0 =	vlt.f32 v2, v11;
	v1 =	vsub.f32 v8, v1;
	v12 =	vld [tilespmem:s8+$0x0];
	[tilespmem:s5+$0xFFFFFFF0] =	vst v6  }
0x227: {  	v9 =	vsel vm0, v13, v9;
	v6 =	vsub.f32 v0, v4;
	v2 =	vld [tilespmem:s8+$0x20];
	v15 =	vmax.f32 v18, $-2.000000000e+00  }
0x228: {  	vm0 =	vlt.f32 v1, v7;
	v13 =	vmax.f32 v14, $-2.000000000e+00;
	v14 =	vld [tilespmem:s8+$0x40];
	v11 =	vmul.f32 $5.120000080e+01, v15;
	[tilespmem:s5+$0x10] =	vst v9  }
0x229: {  	v8 =	vsel vm0, v8, v10;
	v1 =	vld [tilespmem:s8+$0xFFFFFF80];
	v7 =	vmul.f32 $5.120000080e+01, v13;
	v16 =	vmax.f32 v16, $-2.000000000e+00  }
0x22a: {  	v10 =	vld [tilespmem:s8+$0xFFFFFF90];
	v17 =	vmul.f32 $5.120000080e+01, v16;
	v18 =	vmax.f32 v3, $-2.000000000e+00;
	v3 =	vadd.f32 $8.388736000e+06, v11  }
0x22b: {  	v19 =	vadd.f32 $8.388736000e+06, v7;
	v20 =	vld [tilespmem:s8+$0xFFFFFFB0];
	v21 =	vmul.f32 $5.120000080e+01, v18;
	v11 =	vmax.f32 v12, $-2.000000000e+00  }
0x22c: {  	v22 =	vld [tilespmem:s8+$0xFFFFFFD0];
	v12 =	vmul.f32 $5.120000080e+01, v11;
	v9 =	vmax.f32 v2, $-2.000000000e+00;
	v2 =	vand.u32 $0x7FF, v3;
	[tilespmem:s5+$0x30] =	vst v8  }
0x22d: {  	v3 =	vadd.f32 $8.388736000e+06, v17;
	v17 =	vld [tilespmem:s8+$0xFFFFFFF0];
	v8 =	vmul.f32 $5.120000080e+01, v9;
	v7 =	vmax.f32 v14, $-2.000000000e+00  }
0x22e: {  	v14 =	vmax.f32 v1, $-2.000000000e+00;
	v1 =	vadd.f32 $8.388736000e+06, v21;
	v21 =	vmul.f32 $5.120000080e+01, v7;
	v23 =	vld [tilespmem:s8+$0x70]  }
0x22f: {  	v12 =	vadd.f32 $8.388736000e+06, v12;
	v24 =	vmul.f32 $5.120000080e+01, v14;
	v25 =	vld [tilespmem:s8+$0x10];
	v8 =	vadd.f32 $8.388736000e+06, v8  }
0x230: {  	v19 =	vand.u32 $0x7FF, v19;
	v26 =	vand.u32 $0x7FF, v3;
	v27 =	vld [tilespmem:s8+$0x30];
	v3 =	vadd.f32 $8.388736000e+06, v21  }
0x231: {  	v28 =	vand.u32 $0x7FF, v12;
	v21 =	vadd.f32 $8.388736000e+06, v24;
	v24 =	vand.u32 $0x7FF, v1;
	v29 =	vld.idx.msk [tilespmem:v2+s4+$0x0], $0xffff  }
0x232: {  	v12 =	vmax.f32 v10, $-2.000000000e+00;
	v30 =	vand.u32 $0x7FF, v8;
	v31 =	vand.u32 $0x7FF, v3;
	v32 =	vld.idx.msk [tilespmem:v2+s22+$0x0], $0xffff  }
0x233: {  	v10 =	vmax.f32 v20, $-2.000000000e+00;
	v21 =	vand.u32 $0x7FF, v21;
	v20 =	vld [tilespmem:s8+$0x50];
	v23 =	vmax.f32 v23, $-2.000000000e+00  }
0x234: {  	v8 =	vmax.f32 v22, $-2.000000000e+00;
	v3 =	vmax.f32 v17, $-2.000000000e+00;
	v17 =	vmul.f32 $5.120000080e+01, v23;
	v22 =	vld.idx.msk [tilespmem:v5+s22+$0x0], $0xffff  }
0x235: {  	v5 =	vmul.f32 $5.120000080e+01, v12;
	v2 =	vmax.f32 v25, $-2.000000000e+00;
	v33 =	vld.idx.msk [tilespmem:v19+s4+$0x0], $0xffff;
	v1 =	vmax.f32 v27, $-2.000000000e+00  }
0x236: {  	v25 =	vmul.f32 $5.120000080e+01, v10;
	v27 =	vmul.f32 $5.120000080e+01, v8;
	v19 =	vld.idx.msk [tilespmem:v19+s22+$0x0], $0xffff;
	v17 =	vadd.f32 $8.388736000e+06, v17  }
0x237: {  	v35 =	vmul.f32 $5.120000080e+01, v3;
	v36 =	vmul.f32 $5.120000080e+01, v2;
	v5 =	vadd.f32 $8.388736000e+06, v5;
	v34 =	vld.idx.msk [tilespmem:v26+s4+$0x0], $0xffff  }
0x238: {  	v38 =	vsub.f32 v32, v15;
	v15 =	vsub.f32 v15, v29;
	v37 =	vld.idx.msk [tilespmem:v21+s4+$0x0], $0xffff;
	v17 =	vand.u32 $0x7FF, v17  }
0x239: {  	v25 =	vadd.f32 $8.388736000e+06, v25;
	v39 =	vmul.f32 $5.120000080e+01, v1;
	v20 =	vmax.f32 v20, $-2.000000000e+00;
	v21 =	vld.idx.msk [tilespmem:v21+s22+$0x0], $0xffff  }
0x23a: {  	v27 =	vadd.f32 $8.388736000e+06, v27;
	v40 =	vmul.f32 $5.120000080e+01, v20;
	vm0 =	vlt.f32 v38, v15;
	v26 =	vld.idx.msk [tilespmem:v26+s22+$0x0], $0xffff  }
0x23b: {  	v35 =	vadd.f32 $8.388736000e+06, v35;
	v15 =	vsub.f32 v13, v33;
	v29 =	vsel vm0, v32, v29;
	v38 =	vld.idx.msk [tilespmem:v24+s4+$0x0], $0xffff  }
0x23c: {  	v32 =	vand.u32 $0x7FF, v5;
	v5 =	vsub.f32 v19, v13;
	v13 =	vld.idx.msk [tilespmem:v24+s22+$0x0], $0xffff;
	v24 =	vadd.f32 $8.388736000e+06, v36;
	[tilespmem:s8+$0x60] =	vst v29  }
0x23d: {  	v25 =	vand.u32 $0x7FF, v25;
	v29 =	vsub.f32 v16, v34;
	v36 =	vadd.f32 $8.388736000e+06, v39;
	v39 =	vld.idx.msk [tilespmem:v17+s4+$0x0], $0xffff  }
0x23e: {  	v41 =	vsub.f32 v14, v37;
	vm0 =	vlt.f32 v5, v15;
	v5 =	vadd.f32 $8.388736000e+06, v40;
	v15 =	vld.idx.msk [tilespmem:v17+s22+$0x0], $0xffff  }
0x23f: {  	v14 =	vsub.f32 v21, v14;
	v17 =	vsel vm0, v19, v33;
	v19 =	vand.u32 $0x7FF, v27;
	v27 =	vld.idx.msk [tilespmem:v28+s4+$0x0], $0xffff  }
0x240: {  	v24 =	vand.u32 $0x7FF, v24;
	v16 =	vsub.f32 v26, v16;
	[tilespmem:s8+$0xFFFFFFA0] =	vst v17;
	v17 =	vand.u32 $0x7FF, v35;
	v28 =	vld.idx.msk [tilespmem:v28+s22+$0x0], $0xffff  }
0x241: {  	vm0 =	vlt.f32 v14, v41;
	v14 =	vsub.f32 v18, v38;
	v35 =	vand.u32 $0x7FF, v36;
	v33 =	vld.idx.msk [tilespmem:v30+s4+$0x0], $0xffff  }
0x242: {  	v21 =	vsel vm0, v21, v37;
	vm0 =	vlt.f32 v16, v29;
	v16 =	vsub.f32 v13, v18;
	v18 =	vld.idx.msk [tilespmem:v30+s22+$0x0], $0xffff  }
0x243: {  	v5 =	vand.u32 $0x7FF, v5;
	v29 =	vsub.f32 v22, v0;
	[tilespmem:s8+$0xFFFFFF80] =	vst v21;
	v21 =	vsel vm0, v26, v34;
	v26 =	vld.idx.msk [tilespmem:v31+s4+$0x0], $0xffff  }
0x244: {  	vm0 =	vlt.f32 v16, v14;
	v16 =	vsub.f32 v15, v23;
	v23 =	vsub.f32 v23, v39;
	v14 =	vld.idx.msk [tilespmem:v31+s22+$0x0], $0xffff  }
0x245: {  	v0 =	vmov v20;
	v13 =	vsel vm0, v13, v38;
	v30 =	vld.idx.msk [tilespmem:v32+s4+$0x0], $0xffff;
	[tilespmem:s8+$0xFFFFFFC0] =	vst v21;
	v21 =	vsub.f32 v11, v27  }
0x246: {  	v11 =	vsub.f32 v28, v11;
	vm0 =	vlt.f32 v16, v23;
	v20 =	vld.idx.msk [tilespmem:v32+s22+$0x0], $0xffff;
	[tilespmem:s8+$0xFFFFFFE0] =	vst v13  }
0x247: {  	v13 =	vsub.f32 v9, v33;
	v15 =	vsel vm0, v15, v39;
	vm0 =	vlt.f32 v29, v6;
	v16 =	vld.idx.msk [tilespmem:v25+s4+$0x0], $0xffff  }
0x248: {  	vm1 =	vlt.f32 v11, v21;
	v9 =	vsub.f32 v18, v9;
	v23 =	vld.idx.msk [tilespmem:v25+s22+$0x0], $0xffff;
	[tilespmem:s8+$0x70] =	vst v15  }
0x249: {  	v4 =	vsel vm0, v22, v4;
	v15 =	vsel vm1, v28, v27;
	v21 =	vsub.f32 v7, v26;
	v6 =	vld.idx.msk [tilespmem:v19+s4+$0x0], $0xffff  }
0x24a: {  	vm0 =	vlt.f32 v9, v13;
	v9 =	vsub.f32 v14, v7;
	v11 =	vld.idx.msk [tilespmem:v19+s22+$0x0], $0xffff;
	[tilespmem:s8+$0x0] =	vst v15  }
0x24b: {  	v13 =	vsub.f32 v12, v30;
	v15 =	vsel vm0, v18, v33;
	v7 =	vld.idx.msk [tilespmem:v17+s4+$0x0], $0xffff;
	[tilespmem:s5+$0x50] =	vst v4;
	s5 =	smov.u32 s8  }
0x24c: {  	v4 =	vsub.f32 v20, v12;
	vm0 =	vlt.f32 v9, v21;
	v12 =	vld.idx.msk [tilespmem:v17+s22+$0x0], $0xffff;
	[tilespmem:s8+$0x20] =	vst v15  }
.Ltmp5:
0x24d: {  	v15 =	vsub.f32 v10, v16;
	v14 =	vsel vm0, v14, v26;
	v9 =	vld.idx.msk [tilespmem:v24+s4+$0x0], $0xffff;
	(pc) =	sbr.rel @p0 .LBB2_12-.Ltmp5, $4  }
0x24e: {  	vm0 =	vlt.f32 v4, v13;
	v4 =	vsub.f32 v23, v10;
	v13 =	vld.idx.msk [tilespmem:v24+s22+$0x0], $0xffff;
	[tilespmem:s8+$0x40] =	vst v14  }
0x24f: {  	v17 =	vsel vm0, v20, v30;
	v14 =	vsub.f32 v8, v6;
	v10 =	vld.idx.msk [tilespmem:v35+s4+$0x0], $0xffff  }
0x250: {  	vm0 =	vlt.f32 v4, v15;
	[tilespmem:s8+$0xFFFFFF90] =	vst v17;
	v17 =	vsub.f32 v11, v8;
	v8 =	vld.idx.msk [tilespmem:v35+s22+$0x0], $0xffff  }
0x251: {  	v16 =	vsel vm0, v23, v16;
	v15 =	vsub.f32 v3, v7;
	s8 =	sadd.s32 $0x100, s8;
	v4 =	vld.idx.msk [tilespmem:v5+s4+$0x0], $0xffff  }
0x252: {  	_ =	sdelay $0x3  }
0x253: {  	v5 =	vld.idx.msk [tilespmem:v5+s22+$0x0], $0xffff  }
0x254: {  	vm0 =	vlt.f32 v17, v14;
	v3 =	vsub.f32 v12, v3  }
0x255: {  	v6 =	vsel vm0, v11, v6  }
0x256: {  	v11 =	vsub.f32 v2, v9;
	v2 =	vsub.f32 v13, v2;
	vm13 =	vlt.f32 v3, v15  }
0x257: {  	[tilespmem:s5+$0xFFFFFFB0] =	vst v16;
	v3 =	vsel vm13, v12, v7;
	v7 =	vsub.f32 v1, v10;
	v1 =	vsub.f32 v8, v1  }
0x258: {  	[tilespmem:s5+$0xFFFFFFD0] =	vst v6;
	vm14 =	vlt.f32 v2, v11;
	v2 =	vsub.f32 v0, v4;
	v0 =	vsub.f32 v5, v0  }
0x259: {  	[tilespmem:s5+$0xFFFFFFF0] =	vst v3;
	v3 =	vsel vm14, v13, v9;
	vm15 =	vlt.f32 v1, v7  }
0x25a: {  	[tilespmem:s5+$0x10] =	vst v3;
	v1 =	vsel vm15, v8, v10;
	vm4 =	vlt.f32 v0, v2  }
0x25b: {  	[tilespmem:s5+$0x30] =	vst v1;
	v0 =	vsel vm4, v5, v4  }
0x25c: {  	[tilespmem:s5+$0x50] =	vst v0  }
0x25d: {  	s5 =	rddreg [dreg:$0x8]  }
0x25e: {  	[hbm4b:s5+s4] =	stream.linear.scatter [tilespmem:s24], [sflag:$0x5], $0x8000, $0x38;
	[tilespmem:$0x19000] =	vst v63  }
0x25f: {  	_ =	swait.ge [sflag:s29], $0x8000  }
0x260: {  	[sflag:s29] =	ssyncset.done $0x0  }
0x261: {  	s17 =	rddreg [dreg:$0x9];
	[sflag:s29] =	ssyncadd.s32 $0xFFFF8000  }
0x262: {  	[tilespmem:s23], [sflag:$0x1] =	stream.linear.gather [hbm4b:s17+s4], $0x8000, $0x38;
	[tilespmem:$0x19000] =	vst v63  }
0x263: {  	_ =	swait.ge [sflag:s30], $0x8000  }
0x264: {  	[sflag:s30] =	ssyncset.done $0x0  }
0x265: {  	s5 =	simm.s32 $0x11080;
	[sflag:s30] =	ssyncadd.s32 $0xFFFF8000  }
0x266: {  	v0 =	vld [tilespmem:s5+$0x60]  }
0x267: {  	v1 =	vld [tilespmem:s5+$0xFFFFFFA0]  }
0x268: {  	v2 =	vld [tilespmem:s5+$0xFFFFFFC0]  }
0x269: {  	v3 =	vld [tilespmem:s5+$0xFFFFFFE0]  }
0x26a: {  	v4 =	vld [tilespmem:s5+$0x0]  }
0x26b: {  	v7 =	vld [tilespmem:s5+$0xFFFFFF80]  }
0x26c: {  	v5 =	vld [tilespmem:s5+$0x20];
	v0 =	vmax.f32 v0, $-2.000000000e+00  }
0x26d: {  	v8 =	vld [tilespmem:s5+$0x40];
	v6 =	vmul.f32 $5.120000080e+01, v0  }
0x26e: {  	v13 =	vld [tilespmem:s5+$0xFFFFFFD0];
	v9 =	vmax.f32 v1, $-2.000000000e+00  }
0x26f: {  	v16 =	vld [tilespmem:s5+$0xFFFFFFF0];
	v10 =	vmul.f32 $5.120000080e+01, v9;
	v6 =	vadd.f32 $8.388736000e+06, v6  }
0x270: {  	v18 =	vld [tilespmem:s5+$0x10];
	v11 =	vmax.f32 v2, $-2.000000000e+00;
	v14 =	vmax.f32 v3, $-2.000000000e+00;
	v7 =	vmax.f32 v7, $-2.000000000e+00  }
0x271: {  	v21 =	vld [tilespmem:s5+$0x30];
	v12 =	vmul.f32 $5.120000080e+01, v11;
	v3 =	vadd.f32 $8.388736000e+06, v10;
	v6 =	vand.u32 $0x7FF, v6  }
0x272: {  	v24 =	vld [tilespmem:s5+$0x50];
	v17 =	vmul.f32 $5.120000080e+01, v7  }
0x273: {  	v1 =	vld [tilespmem:s5+$0xFFFFFF90];
	v4 =	vmax.f32 v4, $-2.000000000e+00;
	v12 =	vadd.f32 $8.388736000e+06, v12;
	v3 =	vand.u32 $0x7FF, v3  }
0x274: {  	v5 =	vmax.f32 v5, $-2.000000000e+00;
	v8 =	vmax.f32 v8, $-2.000000000e+00;
	v10 =	vld [tilespmem:s5+$0x70];
	v17 =	vadd.f32 $8.388736000e+06, v17  }
0x275: {  	v2 =	vld [tilespmem:s5+$0xFFFFFFB0];
	v15 =	vmul.f32 $5.120000080e+01, v14;
	v19 =	vmul.f32 $5.120000080e+01, v4;
	v12 =	vand.u32 $0x7FF, v12  }
0x276: {  	v20 =	vmul.f32 $5.120000080e+01, v5;
	v23 =	vmul.f32 $5.120000080e+01, v8;
	v17 =	vand.u32 $0x7FF, v17;
	v22 =	vld.idx.msk [tilespmem:v6+s4+$0x0], $0xffff  }
0x277: {  	v15 =	vadd.f32 $8.388736000e+06, v15;
	v19 =	vadd.f32 $8.388736000e+06, v19;
	v6 =	vld.idx.msk [tilespmem:v6+s22+$0x0], $0xffff  }
0x278: {  	v33 =	vmax.f32 v13, $-2.000000000e+00;
	v20 =	vadd.f32 $8.388736000e+06, v20;
	v23 =	vadd.f32 $8.388736000e+06, v23;
	v26 =	vld.idx.msk [tilespmem:v3+s4+$0x0], $0xffff  }
0x279: {  	v15 =	vand.u32 $0x7FF, v15;
	v19 =	vand.u32 $0x7FF, v19;
	v10 =	vmax.f32 v10, $-2.000000000e+00;
	v28 =	vld.idx.msk [tilespmem:v3+s22+$0x0], $0xffff  }
0x27a: {  	v27 =	vmax.f32 v1, $-2.000000000e+00;
	v20 =	vand.u32 $0x7FF, v20;
	v25 =	vmul.f32 $5.120000080e+01, v10;
	v29 =	vld.idx.msk [tilespmem:v12+s4+$0x0], $0xffff  }
0x27b: {  	v51 =	vmax.f32 v2, $-2.000000000e+00;
	v2 =	vmax.f32 v18, $-2.000000000e+00;
	v13 =	vmul.f32 $5.120000080e+01, v27;
	v30 =	vld.idx.msk [tilespmem:v17+s4+$0x0], $0xffff  }
0x27c: {  	v3 =	vmax.f32 v16, $-2.000000000e+00;
	v16 =	vld.idx.msk [tilespmem:v17+s22+$0x0], $0xffff;
	v17 =	vmul.f32 $5.120000080e+01, v33;
	v1 =	vadd.f32 $8.388736000e+06, v25  }
0x27d: {  	v23 =	vand.u32 $0x7FF, v23;
	v53 =	vmul.f32 $5.120000080e+01, v2;
	v12 =	vld.idx.msk [tilespmem:v12+s22+$0x0], $0xffff;
	v52 =	vmul.f32 $5.120000080e+01, v3  }
0x27e: {  	v13 =	vadd.f32 $8.388736000e+06, v13;
	v18 =	vld.idx.msk [tilespmem:v15+s4+$0x0], $0xffff;
	v17 =	vadd.f32 $8.388736000e+06, v17;
	v32 =	vand.u32 $0x7FF, v1  }
0x27f: {  	v15 =	vld.idx.msk [tilespmem:v15+s22+$0x0], $0xffff;
	v1 =	vmax.f32 v21, $-2.000000000e+00;
	v21 =	vadd.f32 $8.388736000e+06, v52;
	v31 =	vsub.f32 v6, v0  }
0x280: {  	v37 =	vld.idx.msk [tilespmem:v19+s4+$0x0], $0xffff;
	v13 =	vand.u32 $0x7FF, v13;
	v0 =	vsub.f32 v0, v22;
	v55 =	vsub.f32 v7, v30  }
0x281: {  	v19 =	vld.idx.msk [tilespmem:v19+s22+$0x0], $0xffff;
	v54 =	vmul.f32 $5.120000080e+01, v1;
	v7 =	vsub.f32 v16, v7;
	v36 =	vsub.f32 v9, v26  }
0x282: {  	v57 =	vld.idx.msk [tilespmem:v20+s4+$0x0], $0xffff;
	v17 =	vand.u32 $0x7FF, v17;
	v9 =	vsub.f32 v28, v9;
	v56 =	vsub.f32 v11, v29  }
0x283: {  	v20 =	vld.idx.msk [tilespmem:v20+s22+$0x0], $0xffff;
	v11 =	vsub.f32 v12, v11;
	v58 =	vadd.f32 $8.388736000e+06, v54;
	vm5 =	vlt.f32 v31, v0  }
0x284: {  	v59 =	vld.idx.msk [tilespmem:v23+s4+$0x0], $0xffff;
	v0 =	vmul.f32 $5.120000080e+01, v51;
	vm6 =	vlt.f32 v7, v55;
	v6 =	vsel vm5, v6, v22  }
0x285: {  	vm7 =	vlt.f32 v9, v36;
	v9 =	vsub.f32 v14, v18;
	v14 =	vsub.f32 v15, v14;
	[tilespmem:s5+$0x60] =	vst v6  }
0x286: {  	vm8 =	vlt.f32 v11, v56;
	v16 =	vsel vm6, v16, v30;
	v6 =	vadd.f32 $8.388736000e+06, v0;
	v34 =	vld.idx.msk [tilespmem:v32+s4+$0x0], $0xffff  }
0x287: {  	v7 =	vadd.f32 $8.388736000e+06, v53;
	v26 =	vsel vm7, v28, v26;
	v11 =	vsel vm8, v12, v29;
	[tilespmem:s5+$0xFFFFFF80] =	vst v16;
	v32 =	vld.idx.msk [tilespmem:v32+s22+$0x0], $0xffff  }
0x288: {  	v0 =	vmax.f32 v24, $-2.000000000e+00;
	vm9 =	vlt.f32 v14, v9;
	v14 =	vld.idx.msk [tilespmem:v13+s4+$0x0], $0xffff;
	v6 =	vand.u32 $0x7FF, v6  }
0x289: {  	v9 =	vand.u32 $0x7FF, v21;
	v61 =	vld.idx.msk [tilespmem:v13+s22+$0x0], $0xffff;
	v13 =	vsub.f32 v4, v37;
	v4 =	vsub.f32 v19, v4  }
0x28a: {  	v16 =	vld.idx.msk [tilespmem:v23+s22+$0x0], $0xffff;
	[tilespmem:s5+$0xFFFFFFC0] =	vst v11;
	v35 =	vmul.f32 $5.120000080e+01, v0;
	v11 =	vsel vm9, v15, v18;
	v18 =	vand.u32 $0x7FF, v7  }
0x28b: {  	[tilespmem:s5+$0xFFFFFFA0] =	vst v26;
	v7 =	vsub.f32 v5, v57;
	vm11 =	vlt.f32 v4, v13;
	v4 =	vsub.f32 v20, v5  }
0x28c: {  	[tilespmem:s5+$0xFFFFFFE0] =	vst v11;
	v11 =	vld.idx.msk [tilespmem:v17+s22+$0x0], $0xffff;
	v12 =	vsub.f32 v32, v10;
	v10 =	vsub.f32 v10, v34  }
0x28d: {  	v63 =	vand.u32 $0x7FF, v58;
	v60 =	vadd.f32 $8.388736000e+06, v35;
	v15 =	vld.idx.msk [tilespmem:v6+s4+$0x0], $0xffff  }
0x28e: {  	v13 =	vsub.f32 v8, v59;
	vm12 =	vlt.f32 v4, v7;
	v62 =	vld.idx.msk [tilespmem:v6+s22+$0x0], $0xffff;
	vm10 =	vlt.f32 v12, v10  }
0x28f: {  	v4 =	vsub.f32 v16, v8;
	v7 =	vld.idx.msk [tilespmem:v9+s4+$0x0], $0xffff;
	v8 =	vsub.f32 v27, v14;
	v10 =	vsel vm10, v32, v34  }
0x290: {  	v6 =	vld.idx.msk [tilespmem:v17+s4+$0x0], $0xffff;
	v17 =	vsub.f32 v61, v27;
	[tilespmem:s5+$0x70] =	vst v10;
	v10 =	vsel vm11, v19, v37  }
0x291: {  	v5 =	vand.u32 $0x7FF, v60;
	v12 =	vld.idx.msk [tilespmem:v9+s22+$0x0], $0xffff;
	[tilespmem:s5+$0x0] =	vst v10;
	v10 =	vsel vm12, v20, v57  }
0x292: {  	vm13 =	vlt.f32 v4, v13;
	vm14 =	vlt.f32 v17, v8;
	[tilespmem:s5+$0x20] =	vst v10;
	v9 =	vld.idx.msk [tilespmem:v18+s4+$0x0], $0xffff  }
0x293: {  	v4 =	vsub.f32 v51, v15;
	v10 =	vsel vm13, v16, v59;
	v8 =	vsub.f32 v62, v51;
	v13 =	vld.idx.msk [tilespmem:v18+s22+$0x0], $0xffff  }
0x294: {  	v17 =	vsub.f32 v11, v33;
	[tilespmem:s5+$0x40] =	vst v10;
	v10 =	vld.idx.msk [tilespmem:v63+s4+$0x0], $0xffff  }
0x295: {  	v16 =	vsel vm14, v61, v14;
	v14 =	vsub.f32 v33, v6;
	vm15 =	vlt.f32 v8, v4;
	v8 =	vld.idx.msk [tilespmem:v63+s22+$0x0], $0xffff  }
0x296: {  	s6 =	simm.s32 $0x0;
	s8 =	simm.s32 $0x11180;
	[tilespmem:s5+$0xFFFFFF90] =	vst v16;
	v4 =	vld.idx.msk [tilespmem:v5+s4+$0x0], $0xffff;
	v16 =	vsel vm15, v62, v15;
	v15 =	vsub.f32 v3, v7  }
.LBB2_14:
0x297: {  	v18 =	vld [tilespmem:s8+$0x60];
	[tilespmem:s5+$0xFFFFFFB0] =	vst v16;
	vm0 =	vlt.f32 v17, v14;
	v3 =	vsub.f32 v12, v3  }
0x298: {  	v14 =	vld [tilespmem:s8+$0xFFFFFFA0];
	v6 =	vsel vm0, v11, v6;
	v11 =	vsub.f32 v2, v9  }
0x299: {  	s6 =	sadd.s32 $0x8, s6;
	v2 =	vsub.f32 v13, v2;
	v16 =	vld [tilespmem:s8+$0xFFFFFFC0];
	[tilespmem:s5+$0xFFFFFFD0] =	vst v6;
	vm0 =	vlt.f32 v3, v15  }
0x29a: {  	p0 =	slt.u32 s6, $0x3F8;
	v3 =	vld [tilespmem:s8+$0xFFFFFFE0];
	v6 =	vsel vm0, v12, v7;
	v7 =	vsub.f32 v1, v10  }
0x29b: {  	vm0 =	vlt.f32 v2, v11;
	v1 =	vsub.f32 v8, v1;
	v12 =	vld [tilespmem:s8+$0x0];
	[tilespmem:s5+$0xFFFFFFF0] =	vst v6  }
0x29c: {  	v9 =	vsel vm0, v13, v9;
	v6 =	vsub.f32 v0, v4;
	v2 =	vld [tilespmem:s8+$0x20];
	v15 =	vmax.f32 v18, $-2.000000000e+00  }
0x29d: {  	vm0 =	vlt.f32 v1, v7;
	v13 =	vmax.f32 v14, $-2.000000000e+00;
	v14 =	vld [tilespmem:s8+$0x40];
	v11 =	vmul.f32 $5.120000080e+01, v15;
	[tilespmem:s5+$0x10] =	vst v9  }
0x29e: {  	v8 =	vsel vm0, v8, v10;
	v1 =	vld [tilespmem:s8+$0xFFFFFF80];
	v7 =	vmul.f32 $5.120000080e+01, v13;
	v16 =	vmax.f32 v16, $-2.000000000e+00  }
0x29f: {  	v10 =	vld [tilespmem:s8+$0xFFFFFF90];
	v17 =	vmul.f32 $5.120000080e+01, v16;
	v18 =	vmax.f32 v3, $-2.000000000e+00;
	v3 =	vadd.f32 $8.388736000e+06, v11  }
0x2a0: {  	v19 =	vadd.f32 $8.388736000e+06, v7;
	v20 =	vld [tilespmem:s8+$0xFFFFFFB0];
	v21 =	vmul.f32 $5.120000080e+01, v18;
	v11 =	vmax.f32 v12, $-2.000000000e+00  }
0x2a1: {  	v22 =	vld [tilespmem:s8+$0xFFFFFFD0];
	v12 =	vmul.f32 $5.120000080e+01, v11;
	v9 =	vmax.f32 v2, $-2.000000000e+00;
	v2 =	vand.u32 $0x7FF, v3;
	[tilespmem:s5+$0x30] =	vst v8  }
0x2a2: {  	v3 =	vadd.f32 $8.388736000e+06, v17;
	v17 =	vld [tilespmem:s8+$0xFFFFFFF0];
	v8 =	vmul.f32 $5.120000080e+01, v9;
	v7 =	vmax.f32 v14, $-2.000000000e+00  }
0x2a3: {  	v14 =	vmax.f32 v1, $-2.000000000e+00;
	v1 =	vadd.f32 $8.388736000e+06, v21;
	v21 =	vmul.f32 $5.120000080e+01, v7;
	v23 =	vld [tilespmem:s8+$0x70]  }
0x2a4: {  	v12 =	vadd.f32 $8.388736000e+06, v12;
	v24 =	vmul.f32 $5.120000080e+01, v14;
	v25 =	vld [tilespmem:s8+$0x10];
	v8 =	vadd.f32 $8.388736000e+06, v8  }
0x2a5: {  	v19 =	vand.u32 $0x7FF, v19;
	v26 =	vand.u32 $0x7FF, v3;
	v27 =	vld [tilespmem:s8+$0x30];
	v3 =	vadd.f32 $8.388736000e+06, v21  }
0x2a6: {  	v28 =	vand.u32 $0x7FF, v12;
	v21 =	vadd.f32 $8.388736000e+06, v24;
	v24 =	vand.u32 $0x7FF, v1;
	v29 =	vld.idx.msk [tilespmem:v2+s4+$0x0], $0xffff  }
0x2a7: {  	v12 =	vmax.f32 v10, $-2.000000000e+00;
	v30 =	vand.u32 $0x7FF, v8;
	v31 =	vand.u32 $0x7FF, v3;
	v32 =	vld.idx.msk [tilespmem:v2+s22+$0x0], $0xffff  }
0x2a8: {  	v10 =	vmax.f32 v20, $-2.000000000e+00;
	v21 =	vand.u32 $0x7FF, v21;
	v20 =	vld [tilespmem:s8+$0x50];
	v23 =	vmax.f32 v23, $-2.000000000e+00  }
0x2a9: {  	v8 =	vmax.f32 v22, $-2.000000000e+00;
	v3 =	vmax.f32 v17, $-2.000000000e+00;
	v17 =	vmul.f32 $5.120000080e+01, v23;
	v22 =	vld.idx.msk [tilespmem:v5+s22+$0x0], $0xffff  }
0x2aa: {  	v5 =	vmul.f32 $5.120000080e+01, v12;
	v2 =	vmax.f32 v25, $-2.000000000e+00;
	v33 =	vld.idx.msk [tilespmem:v19+s4+$0x0], $0xffff;
	v1 =	vmax.f32 v27, $-2.000000000e+00  }
0x2ab: {  	v25 =	vmul.f32 $5.120000080e+01, v10;
	v27 =	vmul.f32 $5.120000080e+01, v8;
	v19 =	vld.idx.msk [tilespmem:v19+s22+$0x0], $0xffff;
	v17 =	vadd.f32 $8.388736000e+06, v17  }
0x2ac: {  	v35 =	vmul.f32 $5.120000080e+01, v3;
	v36 =	vmul.f32 $5.120000080e+01, v2;
	v5 =	vadd.f32 $8.388736000e+06, v5;
	v34 =	vld.idx.msk [tilespmem:v26+s4+$0x0], $0xffff  }
0x2ad: {  	v38 =	vsub.f32 v32, v15;
	v15 =	vsub.f32 v15, v29;
	v37 =	vld.idx.msk [tilespmem:v21+s4+$0x0], $0xffff;
	v17 =	vand.u32 $0x7FF, v17  }
0x2ae: {  	v25 =	vadd.f32 $8.388736000e+06, v25;
	v39 =	vmul.f32 $5.120000080e+01, v1;
	v20 =	vmax.f32 v20, $-2.000000000e+00;
	v21 =	vld.idx.msk [tilespmem:v21+s22+$0x0], $0xffff  }
0x2af: {  	v27 =	vadd.f32 $8.388736000e+06, v27;
	v40 =	vmul.f32 $5.120000080e+01, v20;
	vm0 =	vlt.f32 v38, v15;
	v26 =	vld.idx.msk [tilespmem:v26+s22+$0x0], $0xffff  }
0x2b0: {  	v35 =	vadd.f32 $8.388736000e+06, v35;
	v15 =	vsub.f32 v13, v33;
	v29 =	vsel vm0, v32, v29;
	v38 =	vld.idx.msk [tilespmem:v24+s4+$0x0], $0xffff  }
0x2b1: {  	v32 =	vand.u32 $0x7FF, v5;
	v5 =	vsub.f32 v19, v13;
	v13 =	vld.idx.msk [tilespmem:v24+s22+$0x0], $0xffff;
	v24 =	vadd.f32 $8.388736000e+06, v36;
	[tilespmem:s8+$0x60] =	vst v29  }
0x2b2: {  	v25 =	vand.u32 $0x7FF, v25;
	v29 =	vsub.f32 v16, v34;
	v36 =	vadd.f32 $8.388736000e+06, v39;
	v39 =	vld.idx.msk [tilespmem:v17+s4+$0x0], $0xffff  }
0x2b3: {  	v41 =	vsub.f32 v14, v37;
	vm0 =	vlt.f32 v5, v15;
	v5 =	vadd.f32 $8.388736000e+06, v40;
	v15 =	vld.idx.msk [tilespmem:v17+s22+$0x0], $0xffff  }
0x2b4: {  	v14 =	vsub.f32 v21, v14;
	v17 =	vsel vm0, v19, v33;
	v19 =	vand.u32 $0x7FF, v27;
	v27 =	vld.idx.msk [tilespmem:v28+s4+$0x0], $0xffff  }
0x2b5: {  	v24 =	vand.u32 $0x7FF, v24;
	v16 =	vsub.f32 v26, v16;
	[tilespmem:s8+$0xFFFFFFA0] =	vst v17;
	v17 =	vand.u32 $0x7FF, v35;
	v28 =	vld.idx.msk [tilespmem:v28+s22+$0x0], $0xffff  }
0x2b6: {  	vm0 =	vlt.f32 v14, v41;
	v14 =	vsub.f32 v18, v38;
	v35 =	vand.u32 $0x7FF, v36;
	v33 =	vld.idx.msk [tilespmem:v30+s4+$0x0], $0xffff  }
0x2b7: {  	v21 =	vsel vm0, v21, v37;
	vm0 =	vlt.f32 v16, v29;
	v16 =	vsub.f32 v13, v18;
	v18 =	vld.idx.msk [tilespmem:v30+s22+$0x0], $0xffff  }
0x2b8: {  	v5 =	vand.u32 $0x7FF, v5;
	v29 =	vsub.f32 v22, v0;
	[tilespmem:s8+$0xFFFFFF80] =	vst v21;
	v21 =	vsel vm0, v26, v34;
	v26 =	vld.idx.msk [tilespmem:v31+s4+$0x0], $0xffff  }
0x2b9: {  	vm0 =	vlt.f32 v16, v14;
	v16 =	vsub.f32 v15, v23;
	v23 =	vsub.f32 v23, v39;
	v14 =	vld.idx.msk [tilespmem:v31+s22+$0x0], $0xffff  }
0x2ba: {  	v0 =	vmov v20;
	v13 =	vsel vm0, v13, v38;
	v30 =	vld.idx.msk [tilespmem:v32+s4+$0x0], $0xffff;
	[tilespmem:s8+$0xFFFFFFC0] =	vst v21;
	v21 =	vsub.f32 v11, v27  }
0x2bb: {  	v11 =	vsub.f32 v28, v11;
	vm0 =	vlt.f32 v16, v23;
	v20 =	vld.idx.msk [tilespmem:v32+s22+$0x0], $0xffff;
	[tilespmem:s8+$0xFFFFFFE0] =	vst v13  }
0x2bc: {  	v13 =	vsub.f32 v9, v33;
	v15 =	vsel vm0, v15, v39;
	vm0 =	vlt.f32 v29, v6;
	v16 =	vld.idx.msk [tilespmem:v25+s4+$0x0], $0xffff  }
0x2bd: {  	vm1 =	vlt.f32 v11, v21;
	v9 =	vsub.f32 v18, v9;
	v23 =	vld.idx.msk [tilespmem:v25+s22+$0x0], $0xffff;
	[tilespmem:s8+$0x70] =	vst v15  }
0x2be: {  	v4 =	vsel vm0, v22, v4;
	v15 =	vsel vm1, v28, v27;
	v21 =	vsub.f32 v7, v26;
	v6 =	vld.idx.msk [tilespmem:v19+s4+$0x0], $0xffff  }
0x2bf: {  	vm0 =	vlt.f32 v9, v13;
	v9 =	vsub.f32 v14, v7;
	v11 =	vld.idx.msk [tilespmem:v19+s22+$0x0], $0xffff;
	[tilespmem:s8+$0x0] =	vst v15  }
0x2c0: {  	v13 =	vsub.f32 v12, v30;
	v15 =	vsel vm0, v18, v33;
	v7 =	vld.idx.msk [tilespmem:v17+s4+$0x0], $0xffff;
	[tilespmem:s5+$0x50] =	vst v4;
	s5 =	smov.u32 s8  }
0x2c1: {  	v4 =	vsub.f32 v20, v12;
	vm0 =	vlt.f32 v9, v21;
	v12 =	vld.idx.msk [tilespmem:v17+s22+$0x0], $0xffff;
	[tilespmem:s8+$0x20] =	vst v15  }
.Ltmp6:
0x2c2: {  	v15 =	vsub.f32 v10, v16;
	v14 =	vsel vm0, v14, v26;
	v9 =	vld.idx.msk [tilespmem:v24+s4+$0x0], $0xffff;
	(pc) =	sbr.rel @p0 .LBB2_14-.Ltmp6, $4  }
0x2c3: {  	vm0 =	vlt.f32 v4, v13;
	v4 =	vsub.f32 v23, v10;
	v13 =	vld.idx.msk [tilespmem:v24+s22+$0x0], $0xffff;
	[tilespmem:s8+$0x40] =	vst v14  }
0x2c4: {  	v17 =	vsel vm0, v20, v30;
	v14 =	vsub.f32 v8, v6;
	v10 =	vld.idx.msk [tilespmem:v35+s4+$0x0], $0xffff  }
0x2c5: {  	vm0 =	vlt.f32 v4, v15;
	[tilespmem:s8+$0xFFFFFF90] =	vst v17;
	v17 =	vsub.f32 v11, v8;
	v8 =	vld.idx.msk [tilespmem:v35+s22+$0x0], $0xffff  }
0x2c6: {  	v16 =	vsel vm0, v23, v16;
	v15 =	vsub.f32 v3, v7;
	s8 =	sadd.s32 $0x100, s8;
	v4 =	vld.idx.msk [tilespmem:v5+s4+$0x0], $0xffff  }
0x2c7: {  	_ =	sdelay $0x3  }
0x2c8: {  	v5 =	vld.idx.msk [tilespmem:v5+s22+$0x0], $0xffff  }
0x2c9: {  	vm0 =	vlt.f32 v17, v14;
	v3 =	vsub.f32 v12, v3  }
0x2ca: {  	v6 =	vsel vm0, v11, v6  }
0x2cb: {  	v11 =	vsub.f32 v2, v9;
	v2 =	vsub.f32 v13, v2;
	vm13 =	vlt.f32 v3, v15  }
0x2cc: {  	[tilespmem:s5+$0xFFFFFFB0] =	vst v16;
	v3 =	vsel vm13, v12, v7;
	v7 =	vsub.f32 v1, v10;
	v1 =	vsub.f32 v8, v1  }
0x2cd: {  	[tilespmem:s5+$0xFFFFFFD0] =	vst v6;
	vm14 =	vlt.f32 v2, v11;
	v2 =	vsub.f32 v0, v4;
	v0 =	vsub.f32 v5, v0  }
0x2ce: {  	[tilespmem:s5+$0xFFFFFFF0] =	vst v3;
	v3 =	vsel vm14, v13, v9;
	vm15 =	vlt.f32 v1, v7  }
0x2cf: {  	[tilespmem:s5+$0x10] =	vst v3;
	v1 =	vsel vm15, v8, v10;
	vm4 =	vlt.f32 v0, v2  }
0x2d0: {  	[tilespmem:s5+$0x30] =	vst v1;
	v0 =	vsel vm4, v5, v4  }
0x2d1: {  	[tilespmem:s5+$0x50] =	vst v0  }
0x2d2: {  	[hbm4b:s18+s4] =	stream.linear.scatter [tilespmem:s25], [sflag:$0x6], $0x8000, $0x38;
	[tilespmem:$0x19000] =	vst v63  }
0x2d3: {  	_ =	swait.ge [sflag:s31], $0x8000  }
0x2d4: {  	[sflag:s31] =	ssyncset.done $0x0  }
0x2d5: {  	[sflag:s31] =	ssyncadd.s32 $0xFFFF8000  }
0x2d6: {  	_ =	swait.ge [sflag:s26], $0x8000  }
0x2d7: {  	[sflag:s26] =	ssyncset.done $0x0  }
0x2d8: {  	s5 =	simm.s32 $0x1080;
	[sflag:s26] =	ssyncadd.s32 $0xFFFF8000  }
0x2d9: {  	v0 =	vld [tilespmem:s5+$0x60]  }
0x2da: {  	v1 =	vld [tilespmem:s5+$0xFFFFFFA0]  }
0x2db: {  	v2 =	vld [tilespmem:s5+$0xFFFFFFC0]  }
0x2dc: {  	v3 =	vld [tilespmem:s5+$0xFFFFFFE0]  }
0x2dd: {  	v4 =	vld [tilespmem:s5+$0x0]  }
0x2de: {  	v7 =	vld [tilespmem:s5+$0xFFFFFF80]  }
0x2df: {  	v5 =	vld [tilespmem:s5+$0x20];
	v0 =	vmax.f32 v0, $-2.000000000e+00  }
0x2e0: {  	v8 =	vld [tilespmem:s5+$0x40];
	v6 =	vmul.f32 $5.120000080e+01, v0  }
0x2e1: {  	v13 =	vld [tilespmem:s5+$0xFFFFFFD0];
	v9 =	vmax.f32 v1, $-2.000000000e+00  }
0x2e2: {  	v16 =	vld [tilespmem:s5+$0xFFFFFFF0];
	v10 =	vmul.f32 $5.120000080e+01, v9;
	v6 =	vadd.f32 $8.388736000e+06, v6  }
0x2e3: {  	v18 =	vld [tilespmem:s5+$0x10];
	v11 =	vmax.f32 v2, $-2.000000000e+00;
	v14 =	vmax.f32 v3, $-2.000000000e+00;
	v7 =	vmax.f32 v7, $-2.000000000e+00  }
0x2e4: {  	v21 =	vld [tilespmem:s5+$0x30];
	v12 =	vmul.f32 $5.120000080e+01, v11;
	v3 =	vadd.f32 $8.388736000e+06, v10;
	v6 =	vand.u32 $0x7FF, v6  }
0x2e5: {  	v24 =	vld [tilespmem:s5+$0x50];
	v17 =	vmul.f32 $5.120000080e+01, v7  }
0x2e6: {  	v1 =	vld [tilespmem:s5+$0xFFFFFF90];
	v4 =	vmax.f32 v4, $-2.000000000e+00;
	v12 =	vadd.f32 $8.388736000e+06, v12;
	v3 =	vand.u32 $0x7FF, v3  }
0x2e7: {  	v5 =	vmax.f32 v5, $-2.000000000e+00;
	v8 =	vmax.f32 v8, $-2.000000000e+00;
	v10 =	vld [tilespmem:s5+$0x70];
	v17 =	vadd.f32 $8.388736000e+06, v17  }
0x2e8: {  	v2 =	vld [tilespmem:s5+$0xFFFFFFB0];
	v15 =	vmul.f32 $5.120000080e+01, v14;
	v19 =	vmul.f32 $5.120000080e+01, v4;
	v12 =	vand.u32 $0x7FF, v12  }
0x2e9: {  	v20 =	vmul.f32 $5.120000080e+01, v5;
	v23 =	vmul.f32 $5.120000080e+01, v8;
	v17 =	vand.u32 $0x7FF, v17;
	v22 =	vld.idx.msk [tilespmem:v6+s4+$0x0], $0xffff  }
0x2ea: {  	v15 =	vadd.f32 $8.388736000e+06, v15;
	v19 =	vadd.f32 $8.388736000e+06, v19;
	v6 =	vld.idx.msk [tilespmem:v6+s22+$0x0], $0xffff  }
0x2eb: {  	v33 =	vmax.f32 v13, $-2.000000000e+00;
	v20 =	vadd.f32 $8.388736000e+06, v20;
	v23 =	vadd.f32 $8.388736000e+06, v23;
	v26 =	vld.idx.msk [tilespmem:v3+s4+$0x0], $0xffff  }
0x2ec: {  	v15 =	vand.u32 $0x7FF, v15;
	v19 =	vand.u32 $0x7FF, v19;
	v10 =	vmax.f32 v10, $-2.000000000e+00;
	v28 =	vld.idx.msk [tilespmem:v3+s22+$0x0], $0xffff  }
0x2ed: {  	v27 =	vmax.f32 v1, $-2.000000000e+00;
	v20 =	vand.u32 $0x7FF, v20;
	v25 =	vmul.f32 $5.120000080e+01, v10;
	v29 =	vld.idx.msk [tilespmem:v12+s4+$0x0], $0xffff  }
0x2ee: {  	v51 =	vmax.f32 v2, $-2.000000000e+00;
	v2 =	vmax.f32 v18, $-2.000000000e+00;
	v13 =	vmul.f32 $5.120000080e+01, v27;
	v30 =	vld.idx.msk [tilespmem:v17+s4+$0x0], $0xffff  }
0x2ef: {  	v3 =	vmax.f32 v16, $-2.000000000e+00;
	v16 =	vld.idx.msk [tilespmem:v17+s22+$0x0], $0xffff;
	v17 =	vmul.f32 $5.120000080e+01, v33;
	v1 =	vadd.f32 $8.388736000e+06, v25  }
0x2f0: {  	v23 =	vand.u32 $0x7FF, v23;
	v53 =	vmul.f32 $5.120000080e+01, v2;
	v12 =	vld.idx.msk [tilespmem:v12+s22+$0x0], $0xffff;
	v52 =	vmul.f32 $5.120000080e+01, v3  }
0x2f1: {  	v13 =	vadd.f32 $8.388736000e+06, v13;
	v18 =	vld.idx.msk [tilespmem:v15+s4+$0x0], $0xffff;
	v17 =	vadd.f32 $8.388736000e+06, v17;
	v32 =	vand.u32 $0x7FF, v1  }
0x2f2: {  	v15 =	vld.idx.msk [tilespmem:v15+s22+$0x0], $0xffff;
	v1 =	vmax.f32 v21, $-2.000000000e+00;
	v21 =	vadd.f32 $8.388736000e+06, v52;
	v31 =	vsub.f32 v6, v0  }
0x2f3: {  	v37 =	vld.idx.msk [tilespmem:v19+s4+$0x0], $0xffff;
	v13 =	vand.u32 $0x7FF, v13;
	v0 =	vsub.f32 v0, v22;
	v55 =	vsub.f32 v7, v30  }
0x2f4: {  	v19 =	vld.idx.msk [tilespmem:v19+s22+$0x0], $0xffff;
	v54 =	vmul.f32 $5.120000080e+01, v1;
	v7 =	vsub.f32 v16, v7;
	v36 =	vsub.f32 v9, v26  }
0x2f5: {  	v57 =	vld.idx.msk [tilespmem:v20+s4+$0x0], $0xffff;
	v17 =	vand.u32 $0x7FF, v17;
	v9 =	vsub.f32 v28, v9;
	v56 =	vsub.f32 v11, v29  }
0x2f6: {  	v20 =	vld.idx.msk [tilespmem:v20+s22+$0x0], $0xffff;
	v11 =	vsub.f32 v12, v11;
	v58 =	vadd.f32 $8.388736000e+06, v54;
	vm5 =	vlt.f32 v31, v0  }
0x2f7: {  	v59 =	vld.idx.msk [tilespmem:v23+s4+$0x0], $0xffff;
	v0 =	vmul.f32 $5.120000080e+01, v51;
	vm6 =	vlt.f32 v7, v55;
	v6 =	vsel vm5, v6, v22  }
0x2f8: {  	vm7 =	vlt.f32 v9, v36;
	v9 =	vsub.f32 v14, v18;
	v14 =	vsub.f32 v15, v14;
	[tilespmem:s5+$0x60] =	vst v6  }
0x2f9: {  	vm8 =	vlt.f32 v11, v56;
	v16 =	vsel vm6, v16, v30;
	v6 =	vadd.f32 $8.388736000e+06, v0;
	v34 =	vld.idx.msk [tilespmem:v32+s4+$0x0], $0xffff  }
0x2fa: {  	v7 =	vadd.f32 $8.388736000e+06, v53;
	v26 =	vsel vm7, v28, v26;
	v11 =	vsel vm8, v12, v29;
	[tilespmem:s5+$0xFFFFFF80] =	vst v16;
	v32 =	vld.idx.msk [tilespmem:v32+s22+$0x0], $0xffff  }
0x2fb: {  	v0 =	vmax.f32 v24, $-2.000000000e+00;
	vm9 =	vlt.f32 v14, v9;
	v14 =	vld.idx.msk [tilespmem:v13+s4+$0x0], $0xffff;
	v6 =	vand.u32 $0x7FF, v6  }
0x2fc: {  	v9 =	vand.u32 $0x7FF, v21;
	v61 =	vld.idx.msk [tilespmem:v13+s22+$0x0], $0xffff;
	v13 =	vsub.f32 v4, v37;
	v4 =	vsub.f32 v19, v4  }
0x2fd: {  	v16 =	vld.idx.msk [tilespmem:v23+s22+$0x0], $0xffff;
	[tilespmem:s5+$0xFFFFFFC0] =	vst v11;
	v35 =	vmul.f32 $5.120000080e+01, v0;
	v11 =	vsel vm9, v15, v18;
	v18 =	vand.u32 $0x7FF, v7  }
0x2fe: {  	[tilespmem:s5+$0xFFFFFFA0] =	vst v26;
	v7 =	vsub.f32 v5, v57;
	vm11 =	vlt.f32 v4, v13;
	v4 =	vsub.f32 v20, v5  }
0x2ff: {  	[tilespmem:s5+$0xFFFFFFE0] =	vst v11;
	v11 =	vld.idx.msk [tilespmem:v17+s22+$0x0], $0xffff;
	v12 =	vsub.f32 v32, v10;
	v10 =	vsub.f32 v10, v34  }
0x300: {  	v63 =	vand.u32 $0x7FF, v58;
	v60 =	vadd.f32 $8.388736000e+06, v35;
	v15 =	vld.idx.msk [tilespmem:v6+s4+$0x0], $0xffff  }
0x301: {  	v13 =	vsub.f32 v8, v59;
	vm12 =	vlt.f32 v4, v7;
	v62 =	vld.idx.msk [tilespmem:v6+s22+$0x0], $0xffff;
	vm10 =	vlt.f32 v12, v10  }
0x302: {  	v4 =	vsub.f32 v16, v8;
	v7 =	vld.idx.msk [tilespmem:v9+s4+$0x0], $0xffff;
	v8 =	vsub.f32 v27, v14;
	v10 =	vsel vm10, v32, v34  }
0x303: {  	v6 =	vld.idx.msk [tilespmem:v17+s4+$0x0], $0xffff;
	v17 =	vsub.f32 v61, v27;
	[tilespmem:s5+$0x70] =	vst v10;
	v10 =	vsel vm11, v19, v37  }
0x304: {  	v5 =	vand.u32 $0x7FF, v60;
	v12 =	vld.idx.msk [tilespmem:v9+s22+$0x0], $0xffff;
	[tilespmem:s5+$0x0] =	vst v10;
	v10 =	vsel vm12, v20, v57  }
0x305: {  	vm13 =	vlt.f32 v4, v13;
	vm14 =	vlt.f32 v17, v8;
	[tilespmem:s5+$0x20] =	vst v10;
	v9 =	vld.idx.msk [tilespmem:v18+s4+$0x0], $0xffff  }
0x306: {  	v4 =	vsub.f32 v51, v15;
	v10 =	vsel vm13, v16, v59;
	v8 =	vsub.f32 v62, v51;
	v13 =	vld.idx.msk [tilespmem:v18+s22+$0x0], $0xffff  }
0x307: {  	v17 =	vsub.f32 v11, v33;
	[tilespmem:s5+$0x40] =	vst v10;
	v10 =	vld.idx.msk [tilespmem:v63+s4+$0x0], $0xffff  }
0x308: {  	v16 =	vsel vm14, v61, v14;
	v14 =	vsub.f32 v33, v6;
	vm15 =	vlt.f32 v8, v4;
	v8 =	vld.idx.msk [tilespmem:v63+s22+$0x0], $0xffff  }
0x309: {  	s6 =	simm.s32 $0x0;
	s8 =	simm.s32 $0x1180;
	[tilespmem:s5+$0xFFFFFF90] =	vst v16;
	v4 =	vld.idx.msk [tilespmem:v5+s4+$0x0], $0xffff;
	v16 =	vsel vm15, v62, v15;
	v15 =	vsub.f32 v3, v7  }
.LBB2_16:
0x30a: {  	v18 =	vld [tilespmem:s8+$0x60];
	[tilespmem:s5+$0xFFFFFFB0] =	vst v16;
	vm0 =	vlt.f32 v17, v14;
	v3 =	vsub.f32 v12, v3  }
0x30b: {  	v14 =	vld [tilespmem:s8+$0xFFFFFFA0];
	v6 =	vsel vm0, v11, v6;
	v11 =	vsub.f32 v2, v9  }
0x30c: {  	s6 =	sadd.s32 $0x8, s6;
	v2 =	vsub.f32 v13, v2;
	v16 =	vld [tilespmem:s8+$0xFFFFFFC0];
	[tilespmem:s5+$0xFFFFFFD0] =	vst v6;
	vm0 =	vlt.f32 v3, v15  }
0x30d: {  	p0 =	slt.u32 s6, $0x3F8;
	v3 =	vld [tilespmem:s8+$0xFFFFFFE0];
	v6 =	vsel vm0, v12, v7;
	v7 =	vsub.f32 v1, v10  }
0x30e: {  	vm0 =	vlt.f32 v2, v11;
	v1 =	vsub.f32 v8, v1;
	v12 =	vld [tilespmem:s8+$0x0];
	[tilespmem:s5+$0xFFFFFFF0] =	vst v6  }
0x30f: {  	v9 =	vsel vm0, v13, v9;
	v6 =	vsub.f32 v0, v4;
	v2 =	vld [tilespmem:s8+$0x20];
	v15 =	vmax.f32 v18, $-2.000000000e+00  }
0x310: {  	vm0 =	vlt.f32 v1, v7;
	v13 =	vmax.f32 v14, $-2.000000000e+00;
	v14 =	vld [tilespmem:s8+$0x40];
	v11 =	vmul.f32 $5.120000080e+01, v15;
	[tilespmem:s5+$0x10] =	vst v9  }
0x311: {  	v8 =	vsel vm0, v8, v10;
	v1 =	vld [tilespmem:s8+$0xFFFFFF80];
	v7 =	vmul.f32 $5.120000080e+01, v13;
	v16 =	vmax.f32 v16, $-2.000000000e+00  }
0x312: {  	v10 =	vld [tilespmem:s8+$0xFFFFFF90];
	v17 =	vmul.f32 $5.120000080e+01, v16;
	v18 =	vmax.f32 v3, $-2.000000000e+00;
	v3 =	vadd.f32 $8.388736000e+06, v11  }
0x313: {  	v19 =	vadd.f32 $8.388736000e+06, v7;
	v20 =	vld [tilespmem:s8+$0xFFFFFFB0];
	v21 =	vmul.f32 $5.120000080e+01, v18;
	v11 =	vmax.f32 v12, $-2.000000000e+00  }
0x314: {  	v22 =	vld [tilespmem:s8+$0xFFFFFFD0];
	v12 =	vmul.f32 $5.120000080e+01, v11;
	v9 =	vmax.f32 v2, $-2.000000000e+00;
	v2 =	vand.u32 $0x7FF, v3;
	[tilespmem:s5+$0x30] =	vst v8  }
0x315: {  	v3 =	vadd.f32 $8.388736000e+06, v17;
	v17 =	vld [tilespmem:s8+$0xFFFFFFF0];
	v8 =	vmul.f32 $5.120000080e+01, v9;
	v7 =	vmax.f32 v14, $-2.000000000e+00  }
0x316: {  	v14 =	vmax.f32 v1, $-2.000000000e+00;
	v1 =	vadd.f32 $8.388736000e+06, v21;
	v21 =	vmul.f32 $5.120000080e+01, v7;
	v23 =	vld [tilespmem:s8+$0x70]  }
0x317: {  	v12 =	vadd.f32 $8.388736000e+06, v12;
	v24 =	vmul.f32 $5.120000080e+01, v14;
	v25 =	vld [tilespmem:s8+$0x10];
	v8 =	vadd.f32 $8.388736000e+06, v8  }
0x318: {  	v19 =	vand.u32 $0x7FF, v19;
	v26 =	vand.u32 $0x7FF, v3;
	v27 =	vld [tilespmem:s8+$0x30];
	v3 =	vadd.f32 $8.388736000e+06, v21  }
0x319: {  	v28 =	vand.u32 $0x7FF, v12;
	v21 =	vadd.f32 $8.388736000e+06, v24;
	v24 =	vand.u32 $0x7FF, v1;
	v29 =	vld.idx.msk [tilespmem:v2+s4+$0x0], $0xffff  }
0x31a: {  	v12 =	vmax.f32 v10, $-2.000000000e+00;
	v30 =	vand.u32 $0x7FF, v8;
	v31 =	vand.u32 $0x7FF, v3;
	v32 =	vld.idx.msk [tilespmem:v2+s22+$0x0], $0xffff  }
0x31b: {  	v10 =	vmax.f32 v20, $-2.000000000e+00;
	v21 =	vand.u32 $0x7FF, v21;
	v20 =	vld [tilespmem:s8+$0x50];
	v23 =	vmax.f32 v23, $-2.000000000e+00  }
0x31c: {  	v8 =	vmax.f32 v22, $-2.000000000e+00;
	v3 =	vmax.f32 v17, $-2.000000000e+00;
	v17 =	vmul.f32 $5.120000080e+01, v23;
	v22 =	vld.idx.msk [tilespmem:v5+s22+$0x0], $0xffff  }
0x31d: {  	v5 =	vmul.f32 $5.120000080e+01, v12;
	v2 =	vmax.f32 v25, $-2.000000000e+00;
	v33 =	vld.idx.msk [tilespmem:v19+s4+$0x0], $0xffff;
	v1 =	vmax.f32 v27, $-2.000000000e+00  }
0x31e: {  	v25 =	vmul.f32 $5.120000080e+01, v10;
	v27 =	vmul.f32 $5.120000080e+01, v8;
	v19 =	vld.idx.msk [tilespmem:v19+s22+$0x0], $0xffff;
	v17 =	vadd.f32 $8.388736000e+06, v17  }
0x31f: {  	v35 =	vmul.f32 $5.120000080e+01, v3;
	v36 =	vmul.f32 $5.120000080e+01, v2;
	v5 =	vadd.f32 $8.388736000e+06, v5;
	v34 =	vld.idx.msk [tilespmem:v26+s4+$0x0], $0xffff  }
0x320: {  	v38 =	vsub.f32 v32, v15;
	v15 =	vsub.f32 v15, v29;
	v37 =	vld.idx.msk [tilespmem:v21+s4+$0x0], $0xffff;
	v17 =	vand.u32 $0x7FF, v17  }
0x321: {  	v25 =	vadd.f32 $8.388736000e+06, v25;
	v39 =	vmul.f32 $5.120000080e+01, v1;
	v20 =	vmax.f32 v20, $-2.000000000e+00;
	v21 =	vld.idx.msk [tilespmem:v21+s22+$0x0], $0xffff  }
0x322: {  	v27 =	vadd.f32 $8.388736000e+06, v27;
	v40 =	vmul.f32 $5.120000080e+01, v20;
	vm0 =	vlt.f32 v38, v15;
	v26 =	vld.idx.msk [tilespmem:v26+s22+$0x0], $0xffff  }
0x323: {  	v35 =	vadd.f32 $8.388736000e+06, v35;
	v15 =	vsub.f32 v13, v33;
	v29 =	vsel vm0, v32, v29;
	v38 =	vld.idx.msk [tilespmem:v24+s4+$0x0], $0xffff  }
0x324: {  	v32 =	vand.u32 $0x7FF, v5;
	v5 =	vsub.f32 v19, v13;
	v13 =	vld.idx.msk [tilespmem:v24+s22+$0x0], $0xffff;
	v24 =	vadd.f32 $8.388736000e+06, v36;
	[tilespmem:s8+$0x60] =	vst v29  }
0x325: {  	v25 =	vand.u32 $0x7FF, v25;
	v29 =	vsub.f32 v16, v34;
	v36 =	vadd.f32 $8.388736000e+06, v39;
	v39 =	vld.idx.msk [tilespmem:v17+s4+$0x0], $0xffff  }
0x326: {  	v41 =	vsub.f32 v14, v37;
	vm0 =	vlt.f32 v5, v15;
	v5 =	vadd.f32 $8.388736000e+06, v40;
	v15 =	vld.idx.msk [tilespmem:v17+s22+$0x0], $0xffff  }
0x327: {  	v14 =	vsub.f32 v21, v14;
	v17 =	vsel vm0, v19, v33;
	v19 =	vand.u32 $0x7FF, v27;
	v27 =	vld.idx.msk [tilespmem:v28+s4+$0x0], $0xffff  }
0x328: {  	v24 =	vand.u32 $0x7FF, v24;
	v16 =	vsub.f32 v26, v16;
	[tilespmem:s8+$0xFFFFFFA0] =	vst v17;
	v17 =	vand.u32 $0x7FF, v35;
	v28 =	vld.idx.msk [tilespmem:v28+s22+$0x0], $0xffff  }
0x329: {  	vm0 =	vlt.f32 v14, v41;
	v14 =	vsub.f32 v18, v38;
	v35 =	vand.u32 $0x7FF, v36;
	v33 =	vld.idx.msk [tilespmem:v30+s4+$0x0], $0xffff  }
0x32a: {  	v21 =	vsel vm0, v21, v37;
	vm0 =	vlt.f32 v16, v29;
	v16 =	vsub.f32 v13, v18;
	v18 =	vld.idx.msk [tilespmem:v30+s22+$0x0], $0xffff  }
0x32b: {  	v5 =	vand.u32 $0x7FF, v5;
	v29 =	vsub.f32 v22, v0;
	[tilespmem:s8+$0xFFFFFF80] =	vst v21;
	v21 =	vsel vm0, v26, v34;
	v26 =	vld.idx.msk [tilespmem:v31+s4+$0x0], $0xffff  }
0x32c: {  	vm0 =	vlt.f32 v16, v14;
	v16 =	vsub.f32 v15, v23;
	v23 =	vsub.f32 v23, v39;
	v14 =	vld.idx.msk [tilespmem:v31+s22+$0x0], $0xffff  }
0x32d: {  	v0 =	vmov v20;
	v13 =	vsel vm0, v13, v38;
	v30 =	vld.idx.msk [tilespmem:v32+s4+$0x0], $0xffff;
	[tilespmem:s8+$0xFFFFFFC0] =	vst v21;
	v21 =	vsub.f32 v11, v27  }
0x32e: {  	v11 =	vsub.f32 v28, v11;
	vm0 =	vlt.f32 v16, v23;
	v20 =	vld.idx.msk [tilespmem:v32+s22+$0x0], $0xffff;
	[tilespmem:s8+$0xFFFFFFE0] =	vst v13  }
0x32f: {  	v13 =	vsub.f32 v9, v33;
	v15 =	vsel vm0, v15, v39;
	vm0 =	vlt.f32 v29, v6;
	v16 =	vld.idx.msk [tilespmem:v25+s4+$0x0], $0xffff  }
0x330: {  	vm1 =	vlt.f32 v11, v21;
	v9 =	vsub.f32 v18, v9;
	v23 =	vld.idx.msk [tilespmem:v25+s22+$0x0], $0xffff;
	[tilespmem:s8+$0x70] =	vst v15  }
0x331: {  	v4 =	vsel vm0, v22, v4;
	v15 =	vsel vm1, v28, v27;
	v21 =	vsub.f32 v7, v26;
	v6 =	vld.idx.msk [tilespmem:v19+s4+$0x0], $0xffff  }
0x332: {  	vm0 =	vlt.f32 v9, v13;
	v9 =	vsub.f32 v14, v7;
	v11 =	vld.idx.msk [tilespmem:v19+s22+$0x0], $0xffff;
	[tilespmem:s8+$0x0] =	vst v15  }
0x333: {  	v13 =	vsub.f32 v12, v30;
	v15 =	vsel vm0, v18, v33;
	v7 =	vld.idx.msk [tilespmem:v17+s4+$0x0], $0xffff;
	[tilespmem:s5+$0x50] =	vst v4;
	s5 =	smov.u32 s8  }
0x334: {  	v4 =	vsub.f32 v20, v12;
	vm0 =	vlt.f32 v9, v21;
	v12 =	vld.idx.msk [tilespmem:v17+s22+$0x0], $0xffff;
	[tilespmem:s8+$0x20] =	vst v15  }
.Ltmp7:
0x335: {  	v15 =	vsub.f32 v10, v16;
	v14 =	vsel vm0, v14, v26;
	v9 =	vld.idx.msk [tilespmem:v24+s4+$0x0], $0xffff;
	(pc) =	sbr.rel @p0 .LBB2_16-.Ltmp7, $4  }
0x336: {  	vm0 =	vlt.f32 v4, v13;
	v4 =	vsub.f32 v23, v10;
	v13 =	vld.idx.msk [tilespmem:v24+s22+$0x0], $0xffff;
	[tilespmem:s8+$0x40] =	vst v14  }
0x337: {  	v17 =	vsel vm0, v20, v30;
	v14 =	vsub.f32 v8, v6;
	v10 =	vld.idx.msk [tilespmem:v35+s4+$0x0], $0xffff  }
0x338: {  	vm0 =	vlt.f32 v4, v15;
	[tilespmem:s8+$0xFFFFFF90] =	vst v17;
	v17 =	vsub.f32 v11, v8;
	v8 =	vld.idx.msk [tilespmem:v35+s22+$0x0], $0xffff  }
0x339: {  	v16 =	vsel vm0, v23, v16;
	v15 =	vsub.f32 v3, v7;
	s8 =	sadd.s32 $0x100, s8;
	v4 =	vld.idx.msk [tilespmem:v5+s4+$0x0], $0xffff  }
0x33a: {  	_ =	sdelay $0x3  }
0x33b: {  	v5 =	vld.idx.msk [tilespmem:v5+s22+$0x0], $0xffff  }
0x33c: {  	v3 =	vsub.f32 v12, v3  }
0x33d: {  	vm0 =	vlt.f32 v17, v14;
	v57 =	vsub.f32 v2, v9  }
0x33e: {  	v6 =	vsel vm0, v11, v6;
	v58 =	vsub.f32 v13, v2;
	vm12 =	vlt.f32 v3, v15  }
0x33f: {  	[tilespmem:s5+$0xFFFFFFB0] =	vst v16;
	v59 =	vsub.f32 v1, v10;
	v3 =	vsel vm12, v12, v7;
	v60 =	vsub.f32 v8, v1  }
0x340: {  	[tilespmem:s5+$0xFFFFFFD0] =	vst v6;
	vm13 =	vlt.f32 v58, v57;
	v61 =	vsub.f32 v0, v4;
	v62 =	vsub.f32 v5, v0  }
0x341: {  	[tilespmem:s5+$0xFFFFFFF0] =	vst v3;
	v63 =	vsel vm13, v13, v9;
	vm14 =	vlt.f32 v60, v59  }
0x342: {  	[tilespmem:s5+$0x10] =	vst v63;
	v1 =	vsel vm14, v8, v10;
	vm15 =	vlt.f32 v62, v61  }
0x343: {  	[tilespmem:s5+$0x30] =	vst v1;
	v0 =	vsel vm15, v5, v4  }
0x344: {  	s2 =	sadd.s32 $0x1, s2;
	[tilespmem:s5+$0x50] =	vst v0  }
0x345: {  	[hbm4b:s19+s4] =	stream.linear.scatter [tilespmem:s23], [sflag:$0x4], $0x8000, $0x38;
	[tilespmem:$0x19000] =	vst v63  }
0x346: {  	p0 =	sne.s32 s2, s20;
	_ =	swait.ge [sflag:s0], $0x8000  }
.Ltmp8:
0x347: {  	[sflag:s0] =	ssyncset.done $0x0;
	(pc) =	sbr.rel @p0 .LBB2_1-.Ltmp8, $4  }
0x348: {  	[sflag:s0] =	ssyncadd.s32 $0xFFFF8000  }
0x349: {  	_ =	swait.ge [sflag:s29], $0x8000  }
0x34a: {  	[sflag:s29] =	ssyncset.done $0x0  }
0x34b: {  	[sflag:s29] =	ssyncadd.s32 $0xFFFF8000  }
0x34c: {  	_ =	sfence.sel $0x180000  }
0x34d: {  	[bflag:$0x0] =	sbarrier.arrive $0xFFFF  }
0x34e: {  	_ =	strace $0x90000047  }
0x34f: {  	s0 =	stileid.u32;
	[bflag:$0x2] =	sbarrier.arrive $0xFFFF  }
0x350: {  	p0 =	sne.s32 s0, $0x0;
	s0 =	rddreg [dreg:$0x3]  }
0x351: {  	s0 =	sadd.s32 @!p0 $0x100000, s0  }
0x352: {  	[sflag:s0] =	ssyncadd.tile.s32 @!p0 $0x1;
	_ =	shalt  }
.Lfunc_end2:
_tile_overlayer_lowered:
.L_overlay_start_2:
0x353: {  	(tag) =	ssettag $0x2  }
0x354: {  	s0 =	rddreg [dreg:$0x0];
	s2 =	stileid.u32  }
0x355: {  	s1 =	rddreg [dreg:$0x1];
	p0 =	sne.s32 s2, $0x0  }
0x356: {  	s3 =	rddreg [dreg:$0x2];
	[bflag:$0x3] =	sbarrier.arrive $0xFFFF;
	s2 =	simm.s32 @!p0 $0x1C07  }
0x357: {  	[timem:s3], [sflag:s2] =	dma.local @!p0 [hbm:s0], s1  }
0x358: {  	s0 =	simm.s32 @!p0 $0x7  }
0x359: {  	_ =	swait.ge @!p0 [sflag:s0], s1  }
0x35a: {  	s1 =	ssub.s32 @!p0 $0x0, s1;
	[sflag:s0] =	ssyncset.done @!p0 $0x0  }
0x35b: {  	[sflag:s0] =	ssyncadd.s32 @!p0 s1  }
0x35c: {  	[bflag:$0x3] =	sbarrier.arrive $0xFFFF  }
0x35d: {  	_ =	shalt  }

</sc_bundles>
